<compile_context>
chip_gen: v7x
topology: tpu7x:2x2x1
jax: 0.10.2.dev20260603
libtpu: 0.0.44.dev20260713+nightly
codegen_flags: <defaults>
</compile_context>

<pallas_src>
import functools

import jax
import jax.numpy as jnp
from jax import lax
from jax.experimental import pallas as pl
from jax.experimental.pallas import tpu as pltpu
from jax.experimental.pallas import tpu_sc as plsc

N = 10000
E = 160000
NC, NS = 2, 16
EROWS = 1280
EPAD = EROWS * 128
ERW = EROWS // (NC * NS)
NBINS = 10240
ACC_ROWS = 10240
TRASH = 10200
RB = 400
GRID = N // RB
EB = 128
E_ALLOC = EROWS + 40
R0 = 40
R1 = 40
RMAX = max(R0, R1)

_mesh = plsc.VectorSubcoreMesh(core_axis_name="c", subcore_axis_name="s")
_sc_params = pltpu.CompilerParams(
    needs_layout_passes=False, use_tc_tiling_on_sc=False
)



@functools.partial(
    pl.kernel,
    out_type=jax.ShapeDtypeStruct((NC, NBINS // 16, 16), jnp.int32),
    mesh=_mesh,
    scratch_types=[
        pltpu.VMEM((ERW, 128), jnp.int32),
        pltpu.VMEM((NBINS // 16, 16), jnp.int32),
        pltpu.VMEM((40, 16), jnp.int32),
        pltpu.VMEM((40, 16), jnp.int32),
        pltpu.VMEM_SHARED((NS, NBINS // 16, 16), jnp.int32),
    ],
    compiler_params=_sc_params,
)
def _hist(dst_hbm, out_hbm, dstv, hloc, tmp, accr, shared):
    c = lax.axis_index("c")
    s = lax.axis_index("s")
    wid = c * NS + s
    zi = jnp.zeros((16,), jnp.int32)

    @pl.loop(0, NBINS // 16)
    def _(i):
        hloc[i, :] = zi

    pltpu.sync_copy(dst_hbm.at[pl.ds(wid * ERW, ERW)], dstv)
    ones = jnp.ones((16,), jnp.int32)

    @pl.loop(0, ERW)
    def _(r):
        for c8 in range(8):
            v = dstv[r, pl.ds(c8 * 16, 16)]
            plsc.addupdate_scatter(hloc, [v >> 4, v & 15], ones)

    pltpu.sync_copy(hloc, shared.at[s])
    plsc.subcore_barrier()
    pltpu.sync_copy(shared.at[0, pl.ds(s * 40, 40)], accr)
    for slot in range(1, NS):
        pltpu.sync_copy(shared.at[slot, pl.ds(s * 40, 40)], tmp)

        @pl.loop(0, 40)
        def _(r):
            accr[r, :] = accr[r, :] + tmp[r, :]

    pltpu.sync_copy(accr, out_hbm.at[c, pl.ds(s * 40, 40)])



_D = 4
_P = 3
_EBS = 64
_NR = 5120 // _EBS


def _make_spmm(n_chunks):
    out_sd = jax.ShapeDtypeStruct((n_chunks, NC, N, 128), jnp.float32)
    scratch = (
        [
            pltpu.VMEM((_NR, _EBS), jnp.int32),
            pltpu.VMEM((_NR, _EBS), jnp.int32),
        ]
        + [pltpu.VMEM((_EBS, 128), jnp.float32) for _ in range(_D)]
        + [
            pltpu.VMEM((16, 128), jnp.float32),
            pltpu.VMEM_SHARED((ACC_ROWS, 128), jnp.float32),
        ]
        + [pltpu.SemaphoreType.DMA for _ in range(_D)]
    )

    def body(*refs):
        hs = refs[:n_chunks]
        rest = refs[n_chunks:]
        src_hbm, dst_hbm, out_hbm, srcv, dstv = rest[:5]
        rowbufs = rest[5:5 + _D]
        zbuf, acc = rest[5 + _D:7 + _D]
        semg = rest[7 + _D:7 + 2 * _D]
        c = lax.axis_index("c")
        s = lax.axis_index("s")
        wid = c * NS + s
        base = wid * _NR
        nrows = _NR
        zf = jnp.zeros((16,), jnp.float32)

        @pl.loop(0, 16)
        def _(i):
            for c8 in range(8):
                zbuf[i, pl.ds(c8 * 16, 16)] = zf

        pltpu.sync_copy(src_hbm.at[pl.ds(base, _NR)], srcv)
        pltpu.sync_copy(dst_hbm.at[pl.ds(base, _NR)], dstv)

        for ci in range(n_chunks):
            @pl.loop(0, 40)
            def _(k):
                pltpu.sync_copy(zbuf, acc.at[pl.ds(s * 640 + k * 16, 16)])
            plsc.subcore_barrier()

            h_hbm = hs[ci]
            for b in range(_P):
                pltpu.async_copy(h_hbm.at[srcv.at[b]], rowbufs[b], semg[b])

            @pl.loop(0, _NR, step=_D)
            def _(j):
                for b in range(_D):
                    jb = j + b

                    @pl.when(jb < nrows)
                    def _():
                        pltpu.make_async_copy(
                            h_hbm.at[srcv.at[jb]], rowbufs[b], semg[b]
                        ).wait()
                        pltpu.sync_copy(rowbufs[b], acc.at[dstv.at[jb]], add=True)

                        @pl.when(jb + _P < nrows)
                        def _():
                            bn = (b + _P) % _D
                            pltpu.async_copy(
                                h_hbm.at[srcv.at[jb + _P]], rowbufs[bn], semg[bn]
                            )

            plsc.subcore_barrier()
            pltpu.sync_copy(
                acc.at[pl.ds(s * 625, 625)],
                out_hbm.at[ci, c, pl.ds(s * 625, 625)],
            )
            if ci + 1 < n_chunks:
                plsc.subcore_barrier()

    return pl.kernel(
        body,
        out_type=out_sd,
        mesh=_mesh,
        scratch_types=scratch,
        compiler_params=_sc_params,
    )


_spmm2 = _make_spmm(2)
_spmm1 = _make_spmm(1)



def _k1(x, W1, h0, h1):
    def body(x_ref, w_ref, h0_ref, h1_ref, ha_ref, hb_ref, dinv_ref):
        deg = (h0_ref[...] + h1_ref[...]).astype(jnp.float32) + 1.0
        dinv = lax.rsqrt(deg)
        dinv_ref[...] = dinv
        h = jnp.dot(x_ref[...], w_ref[...], preferred_element_type=jnp.float32)
        hs = h * dinv
        ha_ref[...] = hs[:, :128]
        hb_ref[...] = hs[:, 128:]

    return pl.pallas_call(
        body,
        grid=(GRID,),
        in_specs=[
            pl.BlockSpec((RB, 256), lambda i: (i, 0)),
            pl.BlockSpec((256, 256), lambda i: (0, 0)),
            pl.BlockSpec((RB, 1), lambda i: (i, 0)),
            pl.BlockSpec((RB, 1), lambda i: (i, 0)),
        ],
        out_specs=[
            pl.BlockSpec((RB, 128), lambda i: (i, 0)),
            pl.BlockSpec((RB, 128), lambda i: (i, 0)),
            pl.BlockSpec((RB, 1), lambda i: (i, 0)),
        ],
        out_shape=[
            jax.ShapeDtypeStruct((N, 128), jnp.float32),
            jax.ShapeDtypeStruct((N, 128), jnp.float32),
            jax.ShapeDtypeStruct((N, 1), jnp.float32),
        ],
    )(x, W1, h0, h1)


def _k2(acc, ha, hb, dinv, b1, W2):
    def body(a_ref, ha_ref, hb_ref, d_ref, b1_ref, w2_ref, out_ref):
        d = d_ref[...]
        z0 = d * (a_ref[0] + a_ref[1] + ha_ref[...]) + b1_ref[0:1, :]
        z1 = d * (a_ref[2] + a_ref[3] + hb_ref[...]) + b1_ref[1:2, :]
        z = jnp.concatenate([jnp.maximum(z0, 0.0), jnp.maximum(z1, 0.0)], axis=1)
        out_ref[...] = (
            jnp.dot(z, w2_ref[...], preferred_element_type=jnp.float32) * d
        )

    return pl.pallas_call(
        body,
        grid=(GRID,),
        in_specs=[
            pl.BlockSpec((4, RB, 128), lambda i: (0, i, 0)),
            pl.BlockSpec((RB, 128), lambda i: (i, 0)),
            pl.BlockSpec((RB, 128), lambda i: (i, 0)),
            pl.BlockSpec((RB, 1), lambda i: (i, 0)),
            pl.BlockSpec((2, 128), lambda i: (0, 0)),
            pl.BlockSpec((256, 128), lambda i: (0, 0)),
        ],
        out_specs=pl.BlockSpec((RB, 128), lambda i: (i, 0)),
        out_shape=jax.ShapeDtypeStruct((N, 128), jnp.float32),
    )(acc, ha, hb, dinv, b1, W2)


def _k3(q, h2, dinv, b2):
    def body(q_ref, h2_ref, d_ref, b2_ref, out_ref):
        out_ref[...] = (
            d_ref[...] * (q_ref[0] + q_ref[1] + h2_ref[...]) + b2_ref[...]
        )

    return pl.pallas_call(
        body,
        grid=(GRID,),
        in_specs=[
            pl.BlockSpec((2, RB, 128), lambda i: (0, i, 0)),
            pl.BlockSpec((RB, 128), lambda i: (i, 0)),
            pl.BlockSpec((RB, 1), lambda i: (i, 0)),
            pl.BlockSpec((1, 128), lambda i: (0, 0)),
        ],
        out_specs=pl.BlockSpec((RB, 128), lambda i: (i, 0)),
        out_shape=jax.ShapeDtypeStruct((N, 128), jnp.float32),
    )(q, h2, dinv, b2)



@jax.jit
def kernel(x, edge_index, W1, b1, W2, b2):
    src = edge_index[0].astype(jnp.int32)
    dst = edge_index[1].astype(jnp.int32)
    pad = EPAD - E
    xpad = (E_ALLOC - EROWS) * EB
    srcp = jnp.concatenate(
        [src, jnp.zeros((pad + xpad,), jnp.int32)]).reshape(E_ALLOC, EB)
    dstp = jnp.concatenate(
        [dst, jnp.full((pad + xpad,), TRASH, jnp.int32)]).reshape(E_ALLOC, EB)

    hist = _hist(dstp[:EROWS]).reshape(NC, NBINS)
    h0 = hist[0, :N].reshape(N, 1)
    h1 = hist[1, :N].reshape(N, 1)

    srcp64 = srcp.reshape(E_ALLOC * 2, 64)
    dstp64 = dstp.reshape(E_ALLOC * 2, 64)
    ha, hb, dinv = _k1(x, W1, h0, h1)
    acc1 = _spmm2(ha, hb, srcp64, dstp64).reshape(4, N, 128)
    h2p = _k2(acc1, ha, hb, dinv, b1.reshape(2, 128), W2)
    q = _spmm1(h2p, srcp64, dstp64).reshape(2, N, 128)
    return _k3(q, h2p, dinv, b2.reshape(1, 128))

# --- scband reference (transcript-rebuilt; emitter-appended) ---
"""Pipeline reference for scband-gcnencoder-9766755631458 (READ-ONLY COPY).

The authoritative reference and input builder live on the scoring server;
editing this copy changes nothing except your own understanding.
"""

import jax, jax.numpy as jnp
import numpy as np

IN_DIM = 256
HID_DIM = 256
OUT_DIM = 128
N_NODES = 10000
N_EDGES = 160000


def gcn_conv(x, edge_index, W, b):
    # Faithful GCNConv (PyG defaults: add_self_loops=True, normalize=True, bias=True)
    N = x.shape[0]
    src = edge_index[0]
    dst = edge_index[1]
    loop = jnp.arange(N, dtype=src.dtype)
    src = jnp.concatenate([src, loop])
    dst = jnp.concatenate([dst, loop])
    # symmetric normalization: deg computed on destination nodes
    deg = jnp.zeros((N,), dtype=x.dtype).at[dst].add(1.0)
    deg_inv_sqrt = jnp.where(deg > 0, 1.0 / jnp.sqrt(deg), 0.0)
    norm = deg_inv_sqrt[src] * deg_inv_sqrt[dst]
    h = x @ W  # linear transform first (in_dim -> out_dim)
    msg = h[src] * norm[:, None]  # gather + scale
    out = jnp.zeros((N, W.shape[1]), dtype=x.dtype).at[dst].add(msg)  # scatter-add
    return out + b


def setup_inputs(seed: int = 0) -> dict:
    key = jax.random.key(seed)
    k1, k2, k3, k4, k5 = jax.random.split(key, 5)
    x = jax.random.normal(k1, (N_NODES, IN_DIM), dtype=jnp.float32)
    edge_index = jax.random.randint(k2, (2, N_EDGES), 0, N_NODES, dtype=jnp.int64)
    s1 = 1.0 / np.sqrt(IN_DIM)
    s2 = 1.0 / np.sqrt(HID_DIM)
    W1 = jax.random.uniform(k3, (IN_DIM, HID_DIM), dtype=jnp.float32, minval=-s1, maxval=s1)
    b1 = jnp.zeros((HID_DIM,), dtype=jnp.float32)
    W2 = jax.random.uniform(k4, (HID_DIM, OUT_DIM), dtype=jnp.float32, minval=-s2, maxval=s2)
    b2 = jnp.zeros((OUT_DIM,), dtype=jnp.float32)
    return {"x": x, "edge_index": edge_index, "W1": W1, "b1": b1, "W2": W2, "b2": b2}


def reference(x, edge_index, W1, b1, W2, b2):
    z = gcn_conv(x, edge_index, W1, b1)
    z = jax.nn.relu(z)
    z = gcn_conv(z, edge_index, W2, b2)
    return z

if __name__ == "__main__":
    import jax
    _d = setup_inputs()
    print(jax.jit(kernel)(*tuple(_d.values())))

</pallas_src>

<mosaic_0001>
#map = affine_map<(d0, d1) -> (0, 0)>
#map1 = affine_map<(d0, d1) -> (0, 0, 0)>
module attributes {stable_mosaic.version = 14 : i64} {
  func.func @_hist(%arg0: i32, %arg1: i32, %arg2: memref<1280x128xi32, #tpu.memory_space<hbm>>, %arg3: memref<2x640x16xi32, #tpu.memory_space<hbm>>, %arg4: memref<40x128xi32, #tpu.memory_space<vmem>>, %arg5: memref<640x16xi32, #tpu.memory_space<vmem>>, %arg6: memref<40x16xi32, #tpu.memory_space<vmem>>, %arg7: memref<40x16xi32, #tpu.memory_space<vmem>>, %arg8: memref<16x640x16xi32, #tpu.memory_space<vmem_shared>>) attributes {dimension_semantics = [#tpu.dimension_semantics<core_parallel>, #tpu.dimension_semantics<subcore_parallel>], iteration_bounds = array<i64: 2, 16>, scalar_prefetch = 0 : i64, scratch_operands = 5 : i64, tpu.core_type = #tpu.core_type<sc_vector_subcore>, window_params = [{transform_indices = #map}, {transform_indices = #map1}]} {
    %mul3A = arith.constant 16 : i32
    %mul3A_0 = arith.muli %arg0, %mul3A : i32
    %add3A = arith.addi %mul3A_0, %arg1 : i32
    %broadcast_in_dim3A = arith.constant 0 : i32
    %broadcast_in_dim3A_1 = vector.broadcast %broadcast_in_dim3A : i32 to vector<16xi32>
    %scan3A = arith.constant 0 : i32
    %scan3A_2 = arith.constant 640 : i32
    %scan3A_3 = arith.addi %scan3A, %scan3A_2 : i32
    %scan3A_4 = arith.constant 1 : i32
    scf.for %scan3A_139 = %scan3A to %scan3A_3 step %scan3A_4  : i32 {
      %mul3A_140 = arith.constant 1 : i32
      %mul3A_141 = arith.muli %scan3A_139, %mul3A_140 : i32
      %add3A_142 = arith.constant 0 : i32
      %add3A_143 = arith.addi %add3A_142, %mul3A_141 : i32
      %swap3A = arith.index_cast %add3A_143 : i32 to index
      %swap3A_144 = arith.constant 0 : index
      %swap3A_145 = tpu.vector_load %arg5[%swap3A, %swap3A_144] {strides = array<i32>} : memref<640x16xi32, #tpu.memory_space<vmem>>, vector<16xi32>,
      tpu.vector_store %arg5[%swap3A, %swap3A_144], %broadcast_in_dim3A_1 {strides = array<i32>} : memref<640x16xi32, #tpu.memory_space<vmem>>, vector<16xi32>,
    }
    %scan3A_5 = arith.constant 640 : i32
    %mul3A_6 = arith.constant 40 : i32
    %mul3A_7 = arith.muli %add3A, %mul3A_6 : i32
    "tpu.region"() ({
      %run_scoped3A_139 = tpu.sem_alloc : memref<!tpu.dma_semaphore, #tpu.memory_space<semaphore_mem>>
      %dma_start3A = arith.constant 0 : i32
      %dma_start3A_140 = tpu.memref_slice %arg2[%mul3A_7, %dma_start3A] : memref<1280x128xi32, #tpu.memory_space<hbm>> -> memref<40x128xi32, #tpu.memory_space<hbm>>
      %dma_start3A_141 = arith.constant 0 : i32
      %dma_start3A_142 = tpu.memref_slice %arg2[%mul3A_7, %dma_start3A_141] : memref<1280x128xi32, #tpu.memory_space<hbm>> -> memref<40x128xi32, #tpu.memory_space<hbm>>
      tpu.enqueue_dma source(%dma_start3A_142 : memref<40x128xi32, #tpu.memory_space<hbm>>) target(%arg4 : memref<40x128xi32, #tpu.memory_space<vmem>>) target_semaphore(%run_scoped3A_139 : memref<!tpu.dma_semaphore, #tpu.memory_space<semaphore_mem>>)
      %dma_wait3A = arith.constant 0 : i32
      %dma_wait3A_143 = tpu.memref_slice %arg2[%mul3A_7, %dma_wait3A] : memref<1280x128xi32, #tpu.memory_space<hbm>> -> memref<40x128xi32, #tpu.memory_space<hbm>>
      %dma_wait3A_144 = arith.constant 0 : i32
      %dma_wait3A_145 = tpu.memref_slice %arg2[%mul3A_7, %dma_wait3A_144] : memref<1280x128xi32, #tpu.memory_space<hbm>> -> memref<40x128xi32, #tpu.memory_space<hbm>>
      tpu.wait_dma2 semaphore(%run_scoped3A_139 : memref<!tpu.dma_semaphore, #tpu.memory_space<semaphore_mem>>) src(%dma_wait3A_145 : memref<40x128xi32, #tpu.memory_space<hbm>>) dst(%arg4 : memref<40x128xi32, #tpu.memory_space<vmem>>)
      tpu.yield
    }) : () -> ()
    %broadcast_in_dim3A_8 = arith.constant 1 : i32
    %broadcast_in_dim3A_9 = vector.broadcast %broadcast_in_dim3A_8 : i32 to vector<16xi32>
    %scan3A_10 = arith.constant 0 : i32
    %scan3A_11 = arith.constant 40 : i32
    %scan3A_12 = arith.addi %scan3A_10, %scan3A_11 : i32
    %scan3A_13 = arith.constant 1 : i32
    scf.for %scan3A_139 = %scan3A_10 to %scan3A_12 step %scan3A_13  : i32 {
      %mul3A_140 = arith.constant 1 : i32
      %mul3A_141 = arith.muli %scan3A_139, %mul3A_140 : i32
      %add3A_142 = arith.constant 0 : i32
      %add3A_143 = arith.addi %add3A_142, %mul3A_141 : i32
      %get3A = arith.index_cast %add3A_143 : i32 to index
      %get3A_144 = arith.constant 0 : index
      %get3A_145 = tpu.vector_load %arg4[%get3A, %get3A_144] {strides = array<i32>} : memref<40x128xi32, #tpu.memory_space<vmem>>, vector<16xi32>,
      %shift_right_arithmetic3A = arith.constant 4 : i32
      %shift_right_arithmetic3A_146 = vector.broadcast %shift_right_arithmetic3A : i32 to vector<16xi32>
      %shift_right_arithmetic3A_147 = arith.shrsi %get3A_145, %shift_right_arithmetic3A_146 : vector<16xi32>
      %and3A = arith.constant 15 : i32
      %and3A_148 = vector.broadcast %and3A : i32 to vector<16xi32>
      %and3A_149 = arith.andi %get3A_145, %and3A_148 : vector<16xi32>
      tpu.vector_store_idx %arg5[%shift_right_arithmetic3A_147, %and3A_149], %broadcast_in_dim3A_9 {add = true} : memref<640x16xi32, #tpu.memory_space<vmem>>[vector<16xi32>, vector<16xi32>], vector<16xi32>,
      %get3A_150 = arith.index_cast %add3A_143 : i32 to index
      %get3A_151 = arith.constant 16 : index
      %get3A_152 = tpu.vector_load %arg4[%get3A_150, %get3A_151] {strides = array<i32>} : memref<40x128xi32, #tpu.memory_space<vmem>>, vector<16xi32>,
      %shift_right_arithmetic3A_153 = arith.constant 4 : i32
      %shift_right_arithmetic3A_154 = vector.broadcast %shift_right_arithmetic3A_153 : i32 to vector<16xi32>
      %shift_right_arithmetic3A_155 = arith.shrsi %get3A_152, %shift_right_arithmetic3A_154 : vector<16xi32>
      %and3A_156 = arith.constant 15 : i32
      %and3A_157 = vector.broadcast %and3A_156 : i32 to vector<16xi32>
      %and3A_158 = arith.andi %get3A_152, %and3A_157 : vector<16xi32>
      tpu.vector_store_idx %arg5[%shift_right_arithmetic3A_155, %and3A_158], %broadcast_in_dim3A_9 {add = true} : memref<640x16xi32, #tpu.memory_space<vmem>>[vector<16xi32>, vector<16xi32>], vector<16xi32>,
      %get3A_159 = arith.index_cast %add3A_143 : i32 to index
      %get3A_160 = arith.constant 32 : index
      %get3A_161 = tpu.vector_load %arg4[%get3A_159, %get3A_160] {strides = array<i32>} : memref<40x128xi32, #tpu.memory_space<vmem>>, vector<16xi32>,
      %shift_right_arithmetic3A_162 = arith.constant 4 : i32
      %shift_right_arithmetic3A_163 = vector.broadcast %shift_right_arithmetic3A_162 : i32 to vector<16xi32>
      %shift_right_arithmetic3A_164 = arith.shrsi %get3A_161, %shift_right_arithmetic3A_163 : vector<16xi32>
      %and3A_165 = arith.constant 15 : i32
      %and3A_166 = vector.broadcast %and3A_165 : i32 to vector<16xi32>
      %and3A_167 = arith.andi %get3A_161, %and3A_166 : vector<16xi32>
      tpu.vector_store_idx %arg5[%shift_right_arithmetic3A_164, %and3A_167], %broadcast_in_dim3A_9 {add = true} : memref<640x16xi32, #tpu.memory_space<vmem>>[vector<16xi32>, vector<16xi32>], vector<16xi32>,
      %get3A_168 = arith.index_cast %add3A_143 : i32 to index
      %get3A_169 = arith.constant 48 : index
      %get3A_170 = tpu.vector_load %arg4[%get3A_168, %get3A_169] {strides = array<i32>} : memref<40x128xi32, #tpu.memory_space<vmem>>, vector<16xi32>,
      %shift_right_arithmetic3A_171 = arith.constant 4 : i32
      %shift_right_arithmetic3A_172 = vector.broadcast %shift_right_arithmetic3A_171 : i32 to vector<16xi32>
      %shift_right_arithmetic3A_173 = arith.shrsi %get3A_170, %shift_right_arithmetic3A_172 : vector<16xi32>
      %and3A_174 = arith.constant 15 : i32
      %and3A_175 = vector.broadcast %and3A_174 : i32 to vector<16xi32>
      %and3A_176 = arith.andi %get3A_170, %and3A_175 : vector<16xi32>
      tpu.vector_store_idx %arg5[%shift_right_arithmetic3A_173, %and3A_176], %broadcast_in_dim3A_9 {add = true} : memref<640x16xi32, #tpu.memory_space<vmem>>[vector<16xi32>, vector<16xi32>], vector<16xi32>,
      %get3A_177 = arith.index_cast %add3A_143 : i32 to index
      %get3A_178 = arith.constant 64 : index
      %get3A_179 = tpu.vector_load %arg4[%get3A_177, %get3A_178] {strides = array<i32>} : memref<40x128xi32, #tpu.memory_space<vmem>>, vector<16xi32>,
      %shift_right_arithmetic3A_180 = arith.constant 4 : i32
      %shift_right_arithmetic3A_181 = vector.broadcast %shift_right_arithmetic3A_180 : i32 to vector<16xi32>
      %shift_right_arithmetic3A_182 = arith.shrsi %get3A_179, %shift_right_arithmetic3A_181 : vector<16xi32>
      %and3A_183 = arith.constant 15 : i32
      %and3A_184 = vector.broadcast %and3A_183 : i32 to vector<16xi32>
      %and3A_185 = arith.andi %get3A_179, %and3A_184 : vector<16xi32>
      tpu.vector_store_idx %arg5[%shift_right_arithmetic3A_182, %and3A_185], %broadcast_in_dim3A_9 {add = true} : memref<640x16xi32, #tpu.memory_space<vmem>>[vector<16xi32>, vector<16xi32>], vector<16xi32>,
      %get3A_186 = arith.index_cast %add3A_143 : i32 to index
      %get3A_187 = arith.constant 80 : index
      %get3A_188 = tpu.vector_load %arg4[%get3A_186, %get3A_187] {strides = array<i32>} : memref<40x128xi32, #tpu.memory_space<vmem>>, vector<16xi32>,
      %shift_right_arithmetic3A_189 = arith.constant 4 : i32
      %shift_right_arithmetic3A_190 = vector.broadcast %shift_right_arithmetic3A_189 : i32 to vector<16xi32>
      %shift_right_arithmetic3A_191 = arith.shrsi %get3A_188, %shift_right_arithmetic3A_190 : vector<16xi32>
      %and3A_192 = arith.constant 15 : i32
      %and3A_193 = vector.broadcast %and3A_192 : i32 to vector<16xi32>
      %and3A_194 = arith.andi %get3A_188, %and3A_193 : vector<16xi32>
      tpu.vector_store_idx %arg5[%shift_right_arithmetic3A_191, %and3A_194], %broadcast_in_dim3A_9 {add = true} : memref<640x16xi32, #tpu.memory_space<vmem>>[vector<16xi32>, vector<16xi32>], vector<16xi32>,
      %get3A_195 = arith.index_cast %add3A_143 : i32 to index
      %get3A_196 = arith.constant 96 : index
      %get3A_197 = tpu.vector_load %arg4[%get3A_195, %get3A_196] {strides = array<i32>} : memref<40x128xi32, #tpu.memory_space<vmem>>, vector<16xi32>,
      %shift_right_arithmetic3A_198 = arith.constant 4 : i32
      %shift_right_arithmetic3A_199 = vector.broadcast %shift_right_arithmetic3A_198 : i32 to vector<16xi32>
      %shift_right_arithmetic3A_200 = arith.shrsi %get3A_197, %shift_right_arithmetic3A_199 : vector<16xi32>
      %and3A_201 = arith.constant 15 : i32
      %and3A_202 = vector.broadcast %and3A_201 : i32 to vector<16xi32>
      %and3A_203 = arith.andi %get3A_197, %and3A_202 : vector<16xi32>
      tpu.vector_store_idx %arg5[%shift_right_arithmetic3A_200, %and3A_203], %broadcast_in_dim3A_9 {add = true} : memref<640x16xi32, #tpu.memory_space<vmem>>[vector<16xi32>, vector<16xi32>], vector<16xi32>,
      %get3A_204 = arith.index_cast %add3A_143 : i32 to index
      %get3A_205 = arith.constant 112 : index
      %get3A_206 = tpu.vector_load %arg4[%get3A_204, %get3A_205] {strides = array<i32>} : memref<40x128xi32, #tpu.memory_space<vmem>>, vector<16xi32>,
      %shift_right_arithmetic3A_207 = arith.constant 4 : i32
      %shift_right_arithmetic3A_208 = vector.broadcast %shift_right_arithmetic3A_207 : i32 to vector<16xi32>
      %shift_right_arithmetic3A_209 = arith.shrsi %get3A_206, %shift_right_arithmetic3A_208 : vector<16xi32>
      %and3A_210 = arith.constant 15 : i32
      %and3A_211 = vector.broadcast %and3A_210 : i32 to vector<16xi32>
      %and3A_212 = arith.andi %get3A_206, %and3A_211 : vector<16xi32>
      tpu.vector_store_idx %arg5[%shift_right_arithmetic3A_209, %and3A_212], %broadcast_in_dim3A_9 {add = true} : memref<640x16xi32, #tpu.memory_space<vmem>>[vector<16xi32>, vector<16xi32>], vector<16xi32>,
    }
    %scan3A_14 = arith.constant 40 : i32
    "tpu.region"() ({
      %run_scoped3A_139 = tpu.sem_alloc : memref<!tpu.dma_semaphore, #tpu.memory_space<semaphore_mem>>
      %dma_start3A = arith.constant 0 : i32
      %dma_start3A_140 = arith.constant 0 : i32
      %dma_start3A_141 = tpu.memref_slice %arg8[%arg1, %dma_start3A, %dma_start3A_140] : memref<16x640x16xi32, #tpu.memory_space<vmem_shared>> -> memref<1x640x16xi32, #tpu.memory_space<vmem_shared>>
      %dma_start3A_142 = tpu.memref_squeeze %dma_start3A_141 : memref<1x640x16xi32, #tpu.memory_space<vmem_shared>> -> memref<640x16xi32, #tpu.memory_space<vmem_shared>>
      %dma_start3A_143 = arith.constant 0 : i32
      %dma_start3A_144 = arith.constant 0 : i32
      %dma_start3A_145 = tpu.memref_slice %arg8[%arg1, %dma_start3A_143, %dma_start3A_144] : memref<16x640x16xi32, #tpu.memory_space<vmem_shared>> -> memref<1x640x16xi32, #tpu.memory_space<vmem_shared>>
      %dma_start3A_146 = tpu.memref_squeeze %dma_start3A_145 : memref<1x640x16xi32, #tpu.memory_space<vmem_shared>> -> memref<640x16xi32, #tpu.memory_space<vmem_shared>>
      tpu.enqueue_dma source(%arg5 : memref<640x16xi32, #tpu.memory_space<vmem>>) target(%dma_start3A_146 : memref<640x16xi32, #tpu.memory_space<vmem_shared>>) target_semaphore(%run_scoped3A_139 : memref<!tpu.dma_semaphore, #tpu.memory_space<semaphore_mem>>)
      %dma_wait3A = arith.constant 0 : i32
      %dma_wait3A_147 = arith.constant 0 : i32
      %dma_wait3A_148 = tpu.memref_slice %arg8[%arg1, %dma_wait3A, %dma_wait3A_147] : memref<16x640x16xi32, #tpu.memory_space<vmem_shared>> -> memref<1x640x16xi32, #tpu.memory_space<vmem_shared>>
      %dma_wait3A_149 = tpu.memref_squeeze %dma_wait3A_148 : memref<1x640x16xi32, #tpu.memory_space<vmem_shared>> -> memref<640x16xi32, #tpu.memory_space<vmem_shared>>
      %dma_wait3A_150 = arith.constant 0 : i32
      %dma_wait3A_151 = arith.constant 0 : i32
      %dma_wait3A_152 = tpu.memref_slice %arg8[%arg1, %dma_wait3A_150, %dma_wait3A_151] : memref<16x640x16xi32, #tpu.memory_space<vmem_shared>> -> memref<1x640x16xi32, #tpu.memory_space<vmem_shared>>
      %dma_wait3A_153 = tpu.memref_squeeze %dma_wait3A_152 : memref<1x640x16xi32, #tpu.memory_space<vmem_shared>> -> memref<640x16xi32, #tpu.memory_space<vmem_shared>>
      tpu.wait_dma2 semaphore(%run_scoped3A_139 : memref<!tpu.dma_semaphore, #tpu.memory_space<semaphore_mem>>) src(%arg5 : memref<640x16xi32, #tpu.memory_space<vmem>>) dst(%dma_wait3A_153 : memref<640x16xi32, #tpu.memory_space<vmem_shared>>)
      tpu.yield
    }) : () -> ()
    %barrier3A = arith.constant 0 : index
    tpu.barrier barrier_id(%barrier3A)
    %mul3A_15 = arith.constant 40 : i32
    %mul3A_16 = arith.muli %arg1, %mul3A_15 : i32
    %run_scoped3A = arith.constant 0 : i32
    "tpu.region"() ({
      %run_scoped3A_139 = tpu.sem_alloc : memref<!tpu.dma_semaphore, #tpu.memory_space<semaphore_mem>>
      %dma_start3A = arith.constant 0 : i32
      %dma_start3A_140 = tpu.memref_slice %arg8[%run_scoped3A, %mul3A_16, %dma_start3A] : memref<16x640x16xi32, #tpu.memory_space<vmem_shared>> -> memref<1x40x16xi32, #tpu.memory_space<vmem_shared>>
      %dma_start3A_141 = tpu.memref_squeeze %dma_start3A_140 : memref<1x40x16xi32, #tpu.memory_space<vmem_shared>> -> memref<40x16xi32, #tpu.memory_space<vmem_shared>>
      %dma_start3A_142 = arith.constant 0 : i32
      %dma_start3A_143 = tpu.memref_slice %arg8[%run_scoped3A, %mul3A_16, %dma_start3A_142] : memref<16x640x16xi32, #tpu.memory_space<vmem_shared>> -> memref<1x40x16xi32, #tpu.memory_space<vmem_shared>>
      %dma_start3A_144 = tpu.memref_squeeze %dma_start3A_143 : memref<1x40x16xi32, #tpu.memory_space<vmem_shared>> -> memref<40x16xi32, #tpu.memory_space<vmem_shared>>
      tpu.enqueue_dma source(%dma_start3A_144 : memref<40x16xi32, #tpu.memory_space<vmem_shared>>) target(%arg7 : memref<40x16xi32, #tpu.memory_space<vmem>>) target_semaphore(%run_scoped3A_139 : memref<!tpu.dma_semaphore, #tpu.memory_space<semaphore_mem>>)
      %dma_wait3A = arith.constant 0 : i32
      %dma_wait3A_145 = tpu.memref_slice %arg8[%run_scoped3A, %mul3A_16, %dma_wait3A] : memref<16x640x16xi32, #tpu.memory_space<vmem_shared>> -> memref<1x40x16xi32, #tpu.memory_space<vmem_shared>>
      %dma_wait3A_146 = tpu.memref_squeeze %dma_wait3A_145 : memref<1x40x16xi32, #tpu.memory_space<vmem_shared>> -> memref<40x16xi32, #tpu.memory_space<vmem_shared>>
      %dma_wait3A_147 = arith.constant 0 : i32
      %dma_wait3A_148 = tpu.memref_slice %arg8[%run_scoped3A, %mul3A_16, %dma_wait3A_147] : memref<16x640x16xi32, #tpu.memory_space<vmem_shared>> -> memref<1x40x16xi32, #tpu.memory_space<vmem_shared>>
      %dma_wait3A_149 = tpu.memref_squeeze %dma_wait3A_148 : memref<1x40x16xi32, #tpu.memory_space<vmem_shared>> -> memref<40x16xi32, #tpu.memory_space<vmem_shared>>
      tpu.wait_dma2 semaphore(%run_scoped3A_139 : memref<!tpu.dma_semaphore, #tpu.memory_space<semaphore_mem>>) src(%dma_wait3A_149 : memref<40x16xi32, #tpu.memory_space<vmem_shared>>) dst(%arg7 : memref<40x16xi32, #tpu.memory_space<vmem>>)
      tpu.yield
    }) : () -> ()
    %mul3A_17 = arith.constant 40 : i32
    %mul3A_18 = arith.muli %arg1, %mul3A_17 : i32
    %run_scoped3A_19 = arith.constant 1 : i32
    "tpu.region"() ({
      %run_scoped3A_139 = tpu.sem_alloc : memref<!tpu.dma_semaphore, #tpu.memory_space<semaphore_mem>>
      %dma_start3A = arith.constant 0 : i32
      %dma_start3A_140 = tpu.memref_slice %arg8[%run_scoped3A_19, %mul3A_18, %dma_start3A] : memref<16x640x16xi32, #tpu.memory_space<vmem_shared>> -> memref<1x40x16xi32, #tpu.memory_space<vmem_shared>>
      %dma_start3A_141 = tpu.memref_squeeze %dma_start3A_140 : memref<1x40x16xi32, #tpu.memory_space<vmem_shared>> -> memref<40x16xi32, #tpu.memory_space<vmem_shared>>
      %dma_start3A_142 = arith.constant 0 : i32
      %dma_start3A_143 = tpu.memref_slice %arg8[%run_scoped3A_19, %mul3A_18, %dma_start3A_142] : memref<16x640x16xi32, #tpu.memory_space<vmem_shared>> -> memref<1x40x16xi32, #tpu.memory_space<vmem_shared>>
      %dma_start3A_144 = tpu.memref_squeeze %dma_start3A_143 : memref<1x40x16xi32, #tpu.memory_space<vmem_shared>> -> memref<40x16xi32, #tpu.memory_space<vmem_shared>>
      tpu.enqueue_dma source(%dma_start3A_144 : memref<40x16xi32, #tpu.memory_space<vmem_shared>>) target(%arg6 : memref<40x16xi32, #tpu.memory_space<vmem>>) target_semaphore(%run_scoped3A_139 : memref<!tpu.dma_semaphore, #tpu.memory_space<semaphore_mem>>)
      %dma_wait3A = arith.constant 0 : i32
      %dma_wait3A_145 = tpu.memref_slice %arg8[%run_scoped3A_19, %mul3A_18, %dma_wait3A] : memref<16x640x16xi32, #tpu.memory_space<vmem_shared>> -> memref<1x40x16xi32, #tpu.memory_space<vmem_shared>>
      %dma_wait3A_146 = tpu.memref_squeeze %dma_wait3A_145 : memref<1x40x16xi32, #tpu.memory_space<vmem_shared>> -> memref<40x16xi32, #tpu.memory_space<vmem_shared>>
      %dma_wait3A_147 = arith.constant 0 : i32
      %dma_wait3A_148 = tpu.memref_slice %arg8[%run_scoped3A_19, %mul3A_18, %dma_wait3A_147] : memref<16x640x16xi32, #tpu.memory_space<vmem_shared>> -> memref<1x40x16xi32, #tpu.memory_space<vmem_shared>>
      %dma_wait3A_149 = tpu.memref_squeeze %dma_wait3A_148 : memref<1x40x16xi32, #tpu.memory_space<vmem_shared>> -> memref<40x16xi32, #tpu.memory_space<vmem_shared>>
      tpu.wait_dma2 semaphore(%run_scoped3A_139 : memref<!tpu.dma_semaphore, #tpu.memory_space<semaphore_mem>>) src(%dma_wait3A_149 : memref<40x16xi32, #tpu.memory_space<vmem_shared>>) dst(%arg6 : memref<40x16xi32, #tpu.memory_space<vmem>>)
      tpu.yield
    }) : () -> ()
    %scan3A_20 = arith.constant 0 : i32
    %scan3A_21 = arith.constant 40 : i32
    %scan3A_22 = arith.addi %scan3A_20, %scan3A_21 : i32
    %scan3A_23 = arith.constant 1 : i32
    scf.for %scan3A_139 = %scan3A_20 to %scan3A_22 step %scan3A_23  : i32 {
      %mul3A_140 = arith.constant 1 : i32
      %mul3A_141 = arith.muli %scan3A_139, %mul3A_140 : i32
      %add3A_142 = arith.constant 0 : i32
      %add3A_143 = arith.addi %add3A_142, %mul3A_141 : i32
      %get3A = arith.index_cast %add3A_143 : i32 to index
      %get3A_144 = arith.constant 0 : index
      %get3A_145 = tpu.vector_load %arg7[%get3A, %get3A_144] {strides = array<i32>} : memref<40x16xi32, #tpu.memory_space<vmem>>, vector<16xi32>,
      %get3A_146 = arith.index_cast %add3A_143 : i32 to index
      %get3A_147 = arith.constant 0 : index
      %get3A_148 = tpu.vector_load %arg6[%get3A_146, %get3A_147] {strides = array<i32>} : memref<40x16xi32, #tpu.memory_space<vmem>>, vector<16xi32>,
      %add3A_149 = arith.addi %get3A_145, %get3A_148 : vector<16xi32>
      %swap3A = arith.index_cast %add3A_143 : i32 to index
      %swap3A_150 = arith.constant 0 : index
      %swap3A_151 = tpu.vector_load %arg7[%swap3A, %swap3A_150] {strides = array<i32>} : memref<40x16xi32, #tpu.memory_space<vmem>>, vector<16xi32>,
      tpu.vector_store %arg7[%swap3A, %swap3A_150], %add3A_149 {strides = array<i32>} : memref<40x16xi32, #tpu.memory_space<vmem>>, vector<16xi32>,
    }
    %scan3A_24 = arith.constant 40 : i32
    %mul3A_25 = arith.constant 40 : i32
    %mul3A_26 = arith.muli %arg1, %mul3A_25 : i32
    %run_scoped3A_27 = arith.constant 2 : i32
    "tpu.region"() ({
      %run_scoped3A_139 = tpu.sem_alloc : memref<!tpu.dma_semaphore, #tpu.memory_space<semaphore_mem>>
      %dma_start3A = arith.constant 0 : i32
      %dma_start3A_140 = tpu.memref_slice %arg8[%run_scoped3A_27, %mul3A_26, %dma_start3A] : memref<16x640x16xi32, #tpu.memory_space<vmem_shared>> -> memref<1x40x16xi32, #tpu.memory_space<vmem_shared>>
      %dma_start3A_141 = tpu.memref_squeeze %dma_start3A_140 : memref<1x40x16xi32, #tpu.memory_space<vmem_shared>> -> memref<40x16xi32, #tpu.memory_space<vmem_shared>>
      %dma_start3A_142 = arith.constant 0 : i32
      %dma_start3A_143 = tpu.memref_slice %arg8[%run_scoped3A_27, %mul3A_26, %dma_start3A_142] : memref<16x640x16xi32, #tpu.memory_space<vmem_shared>> -> memref<1x40x16xi32, #tpu.memory_space<vmem_shared>>
      %dma_start3A_144 = tpu.memref_squeeze %dma_start3A_143 : memref<1x40x16xi32, #tpu.memory_space<vmem_shared>> -> memref<40x16xi32, #tpu.memory_space<vmem_shared>>
      tpu.enqueue_dma source(%dma_start3A_144 : memref<40x16xi32, #tpu.memory_space<vmem_shared>>) target(%arg6 : memref<40x16xi32, #tpu.memory_space<vmem>>) target_semaphore(%run_scoped3A_139 : memref<!tpu.dma_semaphore, #tpu.memory_space<semaphore_mem>>)
      %dma_wait3A = arith.constant 0 : i32
      %dma_wait3A_145 = tpu.memref_slice %arg8[%run_scoped3A_27, %mul3A_26, %dma_wait3A] : memref<16x640x16xi32, #tpu.memory_space<vmem_shared>> -> memref<1x40x16xi32, #tpu.memory_space<vmem_shared>>
      %dma_wait3A_146 = tpu.memref_squeeze %dma_wait3A_145 : memref<1x40x16xi32, #tpu.memory_space<vmem_shared>> -> memref<40x16xi32, #tpu.memory_space<vmem_shared>>
      %dma_wait3A_147 = arith.constant 0 : i32
      %dma_wait3A_148 = tpu.memref_slice %arg8[%run_scoped3A_27, %mul3A_26, %dma_wait3A_147] : memref<16x640x16xi32, #tpu.memory_space<vmem_shared>> -> memref<1x40x16xi32, #tpu.memory_space<vmem_shared>>
      %dma_wait3A_149 = tpu.memref_squeeze %dma_wait3A_148 : memref<1x40x16xi32, #tpu.memory_space<vmem_shared>> -> memref<40x16xi32, #tpu.memory_space<vmem_shared>>
      tpu.wait_dma2 semaphore(%run_scoped3A_139 : memref<!tpu.dma_semaphore, #tpu.memory_space<semaphore_mem>>) src(%dma_wait3A_149 : memref<40x16xi32, #tpu.memory_space<vmem_shared>>) dst(%arg6 : memref<40x16xi32, #tpu.memory_space<vmem>>)
      tpu.yield
    }) : () -> ()
    %scan3A_28 = arith.constant 0 : i32
    %scan3A_29 = arith.constant 40 : i32
    %scan3A_30 = arith.addi %scan3A_28, %scan3A_29 : i32
    %scan3A_31 = arith.constant 1 : i32
    scf.for %scan3A_139 = %scan3A_28 to %scan3A_30 step %scan3A_31  : i32 {
      %mul3A_140 = arith.constant 1 : i32
      %mul3A_141 = arith.muli %scan3A_139, %mul3A_140 : i32
      %add3A_142 = arith.constant 0 : i32
      %add3A_143 = arith.addi %add3A_142, %mul3A_141 : i32
      %get3A = arith.index_cast %add3A_143 : i32 to index
      %get3A_144 = arith.constant 0 : index
      %get3A_145 = tpu.vector_load %arg7[%get3A, %get3A_144] {strides = array<i32>} : memref<40x16xi32, #tpu.memory_space<vmem>>, vector<16xi32>,
      %get3A_146 = arith.index_cast %add3A_143 : i32 to index
      %get3A_147 = arith.constant 0 : index
      %get3A_148 = tpu.vector_load %arg6[%get3A_146, %get3A_147] {strides = array<i32>} : memref<40x16xi32, #tpu.memory_space<vmem>>, vector<16xi32>,
      %add3A_149 = arith.addi %get3A_145, %get3A_148 : vector<16xi32>
      %swap3A = arith.index_cast %add3A_143 : i32 to index
      %swap3A_150 = arith.constant 0 : index
      %swap3A_151 = tpu.vector_load %arg7[%swap3A, %swap3A_150] {strides = array<i32>} : memref<40x16xi32, #tpu.memory_space<vmem>>, vector<16xi32>,
      tpu.vector_store %arg7[%swap3A, %swap3A_150], %add3A_149 {strides = array<i32>} : memref<40x16xi32, #tpu.memory_space<vmem>>, vector<16xi32>,
    }
    %scan3A_32 = arith.constant 40 : i32
    %mul3A_33 = arith.constant 40 : i32
    %mul3A_34 = arith.muli %arg1, %mul3A_33 : i32
    %run_scoped3A_35 = arith.constant 3 : i32
    "tpu.region"() ({
      %run_scoped3A_139 = tpu.sem_alloc : memref<!tpu.dma_semaphore, #tpu.memory_space<semaphore_mem>>
      %dma_start3A = arith.constant 0 : i32
      %dma_start3A_140 = tpu.memref_slice %arg8[%run_scoped3A_35, %mul3A_34, %dma_start3A] : memref<16x640x16xi32, #tpu.memory_space<vmem_shared>> -> memref<1x40x16xi32, #tpu.memory_space<vmem_shared>>
      %dma_start3A_141 = tpu.memref_squeeze %dma_start3A_140 : memref<1x40x16xi32, #tpu.memory_space<vmem_shared>> -> memref<40x16xi32, #tpu.memory_space<vmem_shared>>
      %dma_start3A_142 = arith.constant 0 : i32
      %dma_start3A_143 = tpu.memref_slice %arg8[%run_scoped3A_35, %mul3A_34, %dma_start3A_142] : memref<16x640x16xi32, #tpu.memory_space<vmem_shared>> -> memref<1x40x16xi32, #tpu.memory_space<vmem_shared>>
      %dma_start3A_144 = tpu.memref_squeeze %dma_start3A_143 : memref<1x40x16xi32, #tpu.memory_space<vmem_shared>> -> memref<40x16xi32, #tpu.memory_space<vmem_shared>>
      tpu.enqueue_dma source(%dma_start3A_144 : memref<40x16xi32, #tpu.memory_space<vmem_shared>>) target(%arg6 : memref<40x16xi32, #tpu.memory_space<vmem>>) target_semaphore(%run_scoped3A_139 : memref<!tpu.dma_semaphore, #tpu.memory_space<semaphore_mem>>)
      %dma_wait3A = arith.constant 0 : i32
      %dma_wait3A_145 = tpu.memref_slice %arg8[%run_scoped3A_35, %mul3A_34, %dma_wait3A] : memref<16x640x16xi32, #tpu.memory_space<vmem_shared>> -> memref<1x40x16xi32, #tpu.memory_space<vmem_shared>>
      %dma_wait3A_146 = tpu.memref_squeeze %dma_wait3A_145 : memref<1x40x16xi32, #tpu.memory_space<vmem_shared>> -> memref<40x16xi32, #tpu.memory_space<vmem_shared>>
      %dma_wait3A_147 = arith.constant 0 : i32
      %dma_wait3A_148 = tpu.memref_slice %arg8[%run_scoped3A_35, %mul3A_34, %dma_wait3A_147] : memref<16x640x16xi32, #tpu.memory_space<vmem_shared>> -> memref<1x40x16xi32, #tpu.memory_space<vmem_shared>>
      %dma_wait3A_149 = tpu.memref_squeeze %dma_wait3A_148 : memref<1x40x16xi32, #tpu.memory_space<vmem_shared>> -> memref<40x16xi32, #tpu.memory_space<vmem_shared>>
      tpu.wait_dma2 semaphore(%run_scoped3A_139 : memref<!tpu.dma_semaphore, #tpu.memory_space<semaphore_mem>>) src(%dma_wait3A_149 : memref<40x16xi32, #tpu.memory_space<vmem_shared>>) dst(%arg6 : memref<40x16xi32, #tpu.memory_space<vmem>>)
      tpu.yield
    }) : () -> ()
    %scan3A_36 = arith.constant 0 : i32
    %scan3A_37 = arith.constant 40 : i32
    %scan3A_38 = arith.addi %scan3A_36, %scan3A_37 : i32
    %scan3A_39 = arith.constant 1 : i32
    scf.for %scan3A_139 = %scan3A_36 to %scan3A_38 step %scan3A_39  : i32 {
      %mul3A_140 = arith.constant 1 : i32
      %mul3A_141 = arith.muli %scan3A_139, %mul3A_140 : i32
      %add3A_142 = arith.constant 0 : i32
      %add3A_143 = arith.addi %add3A_142, %mul3A_141 : i32
      %get3A = arith.index_cast %add3A_143 : i32 to index
      %get3A_144 = arith.constant 0 : index
      %get3A_145 = tpu.vector_load %arg7[%get3A, %get3A_144] {strides = array<i32>} : memref<40x16xi32, #tpu.memory_space<vmem>>, vector<16xi32>,
      %get3A_146 = arith.index_cast %add3A_143 : i32 to index
      %get3A_147 = arith.constant 0 : index
      %get3A_148 = tpu.vector_load %arg6[%get3A_146, %get3A_147] {strides = array<i32>} : memref<40x16xi32, #tpu.memory_space<vmem>>, vector<16xi32>,
      %add3A_149 = arith.addi %get3A_145, %get3A_148 : vector<16xi32>
      %swap3A = arith.index_cast %add3A_143 : i32 to index
      %swap3A_150 = arith.constant 0 : index
      %swap3A_151 = tpu.vector_load %arg7[%swap3A, %swap3A_150] {strides = array<i32>} : memref<40x16xi32, #tpu.memory_space<vmem>>, vector<16xi32>,
      tpu.vector_store %arg7[%swap3A, %swap3A_150], %add3A_149 {strides = array<i32>} : memref<40x16xi32, #tpu.memory_space<vmem>>, vector<16xi32>,
    }
    %scan3A_40 = arith.constant 40 : i32
    %mul3A_41 = arith.constant 40 : i32
    %mul3A_42 = arith.muli %arg1, %mul3A_41 : i32
    %run_scoped3A_43 = arith.constant 4 : i32
    "tpu.region"() ({
      %run_scoped3A_139 = tpu.sem_alloc : memref<!tpu.dma_semaphore, #tpu.memory_space<semaphore_mem>>
      %dma_start3A = arith.constant 0 : i32
      %dma_start3A_140 = tpu.memref_slice %arg8[%run_scoped3A_43, %mul3A_42, %dma_start3A] : memref<16x640x16xi32, #tpu.memory_space<vmem_shared>> -> memref<1x40x16xi32, #tpu.memory_space<vmem_shared>>
      %dma_start3A_141 = tpu.memref_squeeze %dma_start3A_140 : memref<1x40x16xi32, #tpu.memory_space<vmem_shared>> -> memref<40x16xi32, #tpu.memory_space<vmem_shared>>
      %dma_start3A_142 = arith.constant 0 : i32
      %dma_start3A_143 = tpu.memref_slice %arg8[%run_scoped3A_43, %mul3A_42, %dma_start3A_142] : memref<16x640x16xi32, #tpu.memory_space<vmem_shared>> -> memref<1x40x16xi32, #tpu.memory_space<vmem_shared>>
      %dma_start3A_144 = tpu.memref_squeeze %dma_start3A_143 : memref<1x40x16xi32, #tpu.memory_space<vmem_shared>> -> memref<40x16xi32, #tpu.memory_space<vmem_shared>>
      tpu.enqueue_dma source(%dma_start3A_144 : memref<40x16xi32, #tpu.memory_space<vmem_shared>>) target(%arg6 : memref<40x16xi32, #tpu.memory_space<vmem>>) target_semaphore(%run_scoped3A_139 : memref<!tpu.dma_semaphore, #tpu.memory_space<semaphore_mem>>)
      %dma_wait3A = arith.constant 0 : i32
      %dma_wait3A_145 = tpu.memref_slice %arg8[%run_scoped3A_43, %mul3A_42, %dma_wait3A] : memref<16x640x16xi32, #tpu.memory_space<vmem_shared>> -> memref<1x40x16xi32, #tpu.memory_space<vmem_shared>>
      %dma_wait3A_146 = tpu.memref_squeeze %dma_wait3A_145 : memref<1x40x16xi32, #tpu.memory_space<vmem_shared>> -> memref<40x16xi32, #tpu.memory_space<vmem_shared>>
      %dma_wait3A_147 = arith.constant 0 : i32
      %dma_wait3A_148 = tpu.memref_slice %arg8[%run_scoped3A_43, %mul3A_42, %dma_wait3A_147] : memref<16x640x16xi32, #tpu.memory_space<vmem_shared>> -> memref<1x40x16xi32, #tpu.memory_space<vmem_shared>>
      %dma_wait3A_149 = tpu.memref_squeeze %dma_wait3A_148 : memref<1x40x16xi32, #tpu.memory_space<vmem_shared>> -> memref<40x16xi32, #tpu.memory_space<vmem_shared>>
      tpu.wait_dma2 semaphore(%run_scoped3A_139 : memref<!tpu.dma_semaphore, #tpu.memory_space<semaphore_mem>>) src(%dma_wait3A_149 : memref<40x16xi32, #tpu.memory_space<vmem_shared>>) dst(%arg6 : memref<40x16xi32, #tpu.memory_space<vmem>>)
      tpu.yield
    }) : () -> ()
    %scan3A_44 = arith.constant 0 : i32
    %scan3A_45 = arith.constant 40 : i32
    %scan3A_46 = arith.addi %scan3A_44, %scan3A_45 : i32
    %scan3A_47 = arith.constant 1 : i32
    scf.for %scan3A_139 = %scan3A_44 to %scan3A_46 step %scan3A_47  : i32 {
      %mul3A_140 = arith.constant 1 : i32
      %mul3A_141 = arith.muli %scan3A_139, %mul3A_140 : i32
      %add3A_142 = arith.constant 0 : i32
      %add3A_143 = arith.addi %add3A_142, %mul3A_141 : i32
      %get3A = arith.index_cast %add3A_143 : i32 to index
      %get3A_144 = arith.constant 0 : index
      %get3A_145 = tpu.vector_load %arg7[%get3A, %get3A_144] {strides = array<i32>} : memref<40x16xi32, #tpu.memory_space<vmem>>, vector<16xi32>,
      %get3A_146 = arith.index_cast %add3A_143 : i32 to index
      %get3A_147 = arith.constant 0 : index
      %get3A_148 = tpu.vector_load %arg6[%get3A_146, %get3A_147] {strides = array<i32>} : memref<40x16xi32, #tpu.memory_space<vmem>>, vector<16xi32>,
      %add3A_149 = arith.addi %get3A_145, %get3A_148 : vector<16xi32>
      %swap3A = arith.index_cast %add3A_143 : i32 to index
      %swap3A_150 = arith.constant 0 : index
      %swap3A_151 = tpu.vector_load %arg7[%swap3A, %swap3A_150] {strides = array<i32>} : memref<40x16xi32, #tpu.memory_space<vmem>>, vector<16xi32>,
      tpu.vector_store %arg7[%swap3A, %swap3A_150], %add3A_149 {strides = array<i32>} : memref<40x16xi32, #tpu.memory_space<vmem>>, vector<16xi32>,
    }
    %scan3A_48 = arith.constant 40 : i32
    %mul3A_49 = arith.constant 40 : i32
    %mul3A_50 = arith.muli %arg1, %mul3A_49 : i32
    %run_scoped3A_51 = arith.constant 5 : i32
    "tpu.region"() ({
      %run_scoped3A_139 = tpu.sem_alloc : memref<!tpu.dma_semaphore, #tpu.memory_space<semaphore_mem>>
      %dma_start3A = arith.constant 0 : i32
      %dma_start3A_140 = tpu.memref_slice %arg8[%run_scoped3A_51, %mul3A_50, %dma_start3A] : memref<16x640x16xi32, #tpu.memory_space<vmem_shared>> -> memref<1x40x16xi32, #tpu.memory_space<vmem_shared>>
      %dma_start3A_141 = tpu.memref_squeeze %dma_start3A_140 : memref<1x40x16xi32, #tpu.memory_space<vmem_shared>> -> memref<40x16xi32, #tpu.memory_space<vmem_shared>>
      %dma_start3A_142 = arith.constant 0 : i32
      %dma_start3A_143 = tpu.memref_slice %arg8[%run_scoped3A_51, %mul3A_50, %dma_start3A_142] : memref<16x640x16xi32, #tpu.memory_space<vmem_shared>> -> memref<1x40x16xi32, #tpu.memory_space<vmem_shared>>
      %dma_start3A_144 = tpu.memref_squeeze %dma_start3A_143 : memref<1x40x16xi32, #tpu.memory_space<vmem_shared>> -> memref<40x16xi32, #tpu.memory_space<vmem_shared>>
      tpu.enqueue_dma source(%dma_start3A_144 : memref<40x16xi32, #tpu.memory_space<vmem_shared>>) target(%arg6 : memref<40x16xi32, #tpu.memory_space<vmem>>) target_semaphore(%run_scoped3A_139 : memref<!tpu.dma_semaphore, #tpu.memory_space<semaphore_mem>>)
      %dma_wait3A = arith.constant 0 : i32
      %dma_wait3A_145 = tpu.memref_slice %arg8[%run_scoped3A_51, %mul3A_50, %dma_wait3A] : memref<16x640x16xi32, #tpu.memory_space<vmem_shared>> -> memref<1x40x16xi32, #tpu.memory_space<vmem_shared>>
      %dma_wait3A_146 = tpu.memref_squeeze %dma_wait3A_145 : memref<1x40x16xi32, #tpu.memory_space<vmem_shared>> -> memref<40x16xi32, #tpu.memory_space<vmem_shared>>
      %dma_wait3A_147 = arith.constant 0 : i32
      %dma_wait3A_148 = tpu.memref_slice %arg8[%run_scoped3A_51, %mul3A_50, %dma_wait3A_147] : memref<16x640x16xi32, #tpu.memory_space<vmem_shared>> -> memref<1x40x16xi32, #tpu.memory_space<vmem_shared>>
      %dma_wait3A_149 = tpu.memref_squeeze %dma_wait3A_148 : memref<1x40x16xi32, #tpu.memory_space<vmem_shared>> -> memref<40x16xi32, #tpu.memory_space<vmem_shared>>
      tpu.wait_dma2 semaphore(%run_scoped3A_139 : memref<!tpu.dma_semaphore, #tpu.memory_space<semaphore_mem>>) src(%dma_wait3A_149 : memref<40x16xi32, #tpu.memory_space<vmem_shared>>) dst(%arg6 : memref<40x16xi32, #tpu.memory_space<vmem>>)
      tpu.yield
    }) : () -> ()
    %scan3A_52 = arith.constant 0 : i32
    %scan3A_53 = arith.constant 40 : i32
    %scan3A_54 = arith.addi %scan3A_52, %scan3A_53 : i32
    %scan3A_55 = arith.constant 1 : i32
    scf.for %scan3A_139 = %scan3A_52 to %scan3A_54 step %scan3A_55  : i32 {
      %mul3A_140 = arith.constant 1 : i32
      %mul3A_141 = arith.muli %scan3A_139, %mul3A_140 : i32
      %add3A_142 = arith.constant 0 : i32
      %add3A_143 = arith.addi %add3A_142, %mul3A_141 : i32
      %get3A = arith.index_cast %add3A_143 : i32 to index
      %get3A_144 = arith.constant 0 : index
      %get3A_145 = tpu.vector_load %arg7[%get3A, %get3A_144] {strides = array<i32>} : memref<40x16xi32, #tpu.memory_space<vmem>>, vector<16xi32>,
      %get3A_146 = arith.index_cast %add3A_143 : i32 to index
      %get3A_147 = arith.constant 0 : index
      %get3A_148 = tpu.vector_load %arg6[%get3A_146, %get3A_147] {strides = array<i32>} : memref<40x16xi32, #tpu.memory_space<vmem>>, vector<16xi32>,
      %add3A_149 = arith.addi %get3A_145, %get3A_148 : vector<16xi32>
      %swap3A = arith.index_cast %add3A_143 : i32 to index
      %swap3A_150 = arith.constant 0 : index
      %swap3A_151 = tpu.vector_load %arg7[%swap3A, %swap3A_150] {strides = array<i32>} : memref<40x16xi32, #tpu.memory_space<vmem>>, vector<16xi32>,
      tpu.vector_store %arg7[%swap3A, %swap3A_150], %add3A_149 {strides = array<i32>} : memref<40x16xi32, #tpu.memory_space<vmem>>, vector<16xi32>,
    }
    %scan3A_56 = arith.constant 40 : i32
    %mul3A_57 = arith.constant 40 : i32
    %mul3A_58 = arith.muli %arg1, %mul3A_57 : i32
    %run_scoped3A_59 = arith.constant 6 : i32
    "tpu.region"() ({
      %run_scoped3A_139 = tpu.sem_alloc : memref<!tpu.dma_semaphore, #tpu.memory_space<semaphore_mem>>
      %dma_start3A = arith.constant 0 : i32
      %dma_start3A_140 = tpu.memref_slice %arg8[%run_scoped3A_59, %mul3A_58, %dma_start3A] : memref<16x640x16xi32, #tpu.memory_space<vmem_shared>> -> memref<1x40x16xi32, #tpu.memory_space<vmem_shared>>
      %dma_start3A_141 = tpu.memref_squeeze %dma_start3A_140 : memref<1x40x16xi32, #tpu.memory_space<vmem_shared>> -> memref<40x16xi32, #tpu.memory_space<vmem_shared>>
      %dma_start3A_142 = arith.constant 0 : i32
      %dma_start3A_143 = tpu.memref_slice %arg8[%run_scoped3A_59, %mul3A_58, %dma_start3A_142] : memref<16x640x16xi32, #tpu.memory_space<vmem_shared>> -> memref<1x40x16xi32, #tpu.memory_space<vmem_shared>>
      %dma_start3A_144 = tpu.memref_squeeze %dma_start3A_143 : memref<1x40x16xi32, #tpu.memory_space<vmem_shared>> -> memref<40x16xi32, #tpu.memory_space<vmem_shared>>
      tpu.enqueue_dma source(%dma_start3A_144 : memref<40x16xi32, #tpu.memory_space<vmem_shared>>) target(%arg6 : memref<40x16xi32, #tpu.memory_space<vmem>>) target_semaphore(%run_scoped3A_139 : memref<!tpu.dma_semaphore, #tpu.memory_space<semaphore_mem>>)
      %dma_wait3A = arith.constant 0 : i32
      %dma_wait3A_145 = tpu.memref_slice %arg8[%run_scoped3A_59, %mul3A_58, %dma_wait3A] : memref<16x640x16xi32, #tpu.memory_space<vmem_shared>> -> memref<1x40x16xi32, #tpu.memory_space<vmem_shared>>
      %dma_wait3A_146 = tpu.memref_squeeze %dma_wait3A_145 : memref<1x40x16xi32, #tpu.memory_space<vmem_shared>> -> memref<40x16xi32, #tpu.memory_space<vmem_shared>>
      %dma_wait3A_147 = arith.constant 0 : i32
      %dma_wait3A_148 = tpu.memref_slice %arg8[%run_scoped3A_59, %mul3A_58, %dma_wait3A_147] : memref<16x640x16xi32, #tpu.memory_space<vmem_shared>> -> memref<1x40x16xi32, #tpu.memory_space<vmem_shared>>
      %dma_wait3A_149 = tpu.memref_squeeze %dma_wait3A_148 : memref<1x40x16xi32, #tpu.memory_space<vmem_shared>> -> memref<40x16xi32, #tpu.memory_space<vmem_shared>>
      tpu.wait_dma2 semaphore(%run_scoped3A_139 : memref<!tpu.dma_semaphore, #tpu.memory_space<semaphore_mem>>) src(%dma_wait3A_149 : memref<40x16xi32, #tpu.memory_space<vmem_shared>>) dst(%arg6 : memref<40x16xi32, #tpu.memory_space<vmem>>)
      tpu.yield
    }) : () -> ()
    %scan3A_60 = arith.constant 0 : i32
    %scan3A_61 = arith.constant 40 : i32
    %scan3A_62 = arith.addi %scan3A_60, %scan3A_61 : i32
    %scan3A_63 = arith.constant 1 : i32
    scf.for %scan3A_139 = %scan3A_60 to %scan3A_62 step %scan3A_63  : i32 {
      %mul3A_140 = arith.constant 1 : i32
      %mul3A_141 = arith.muli %scan3A_139, %mul3A_140 : i32
      %add3A_142 = arith.constant 0 : i32
      %add3A_143 = arith.addi %add3A_142, %mul3A_141 : i32
      %get3A = arith.index_cast %add3A_143 : i32 to index
      %get3A_144 = arith.constant 0 : index
      %get3A_145 = tpu.vector_load %arg7[%get3A, %get3A_144] {strides = array<i32>} : memref<40x16xi32, #tpu.memory_space<vmem>>, vector<16xi32>,
      %get3A_146 = arith.index_cast %add3A_143 : i32 to index
      %get3A_147 = arith.constant 0 : index
      %get3A_148 = tpu.vector_load %arg6[%get3A_146, %get3A_147] {strides = array<i32>} : memref<40x16xi32, #tpu.memory_space<vmem>>, vector<16xi32>,
      %add3A_149 = arith.addi %get3A_145, %get3A_148 : vector<16xi32>
      %swap3A = arith.index_cast %add3A_143 : i32 to index
      %swap3A_150 = arith.constant 0 : index
      %swap3A_151 = tpu.vector_load %arg7[%swap3A, %swap3A_150] {strides = array<i32>} : memref<40x16xi32, #tpu.memory_space<vmem>>, vector<16xi32>,
      tpu.vector_store %arg7[%swap3A, %swap3A_150], %add3A_149 {strides = array<i32>} : memref<40x16xi32, #tpu.memory_space<vmem>>, vector<16xi32>,
    }
    %scan3A_64 = arith.constant 40 : i32
    %mul3A_65 = arith.constant 40 : i32
    %mul3A_66 = arith.muli %arg1, %mul3A_65 : i32
    %run_scoped3A_67 = arith.constant 7 : i32
    "tpu.region"() ({
      %run_scoped3A_139 = tpu.sem_alloc : memref<!tpu.dma_semaphore, #tpu.memory_space<semaphore_mem>>
      %dma_start3A = arith.constant 0 : i32
      %dma_start3A_140 = tpu.memref_slice %arg8[%run_scoped3A_67, %mul3A_66, %dma_start3A] : memref<16x640x16xi32, #tpu.memory_space<vmem_shared>> -> memref<1x40x16xi32, #tpu.memory_space<vmem_shared>>
      %dma_start3A_141 = tpu.memref_squeeze %dma_start3A_140 : memref<1x40x16xi32, #tpu.memory_space<vmem_shared>> -> memref<40x16xi32, #tpu.memory_space<vmem_shared>>
      %dma_start3A_142 = arith.constant 0 : i32
      %dma_start3A_143 = tpu.memref_slice %arg8[%run_scoped3A_67, %mul3A_66, %dma_start3A_142] : memref<16x640x16xi32, #tpu.memory_space<vmem_shared>> -> memref<1x40x16xi32, #tpu.memory_space<vmem_shared>>
      %dma_start3A_144 = tpu.memref_squeeze %dma_start3A_143 : memref<1x40x16xi32, #tpu.memory_space<vmem_shared>> -> memref<40x16xi32, #tpu.memory_space<vmem_shared>>
      tpu.enqueue_dma source(%dma_start3A_144 : memref<40x16xi32, #tpu.memory_space<vmem_shared>>) target(%arg6 : memref<40x16xi32, #tpu.memory_space<vmem>>) target_semaphore(%run_scoped3A_139 : memref<!tpu.dma_semaphore, #tpu.memory_space<semaphore_mem>>)
      %dma_wait3A = arith.constant 0 : i32
      %dma_wait3A_145 = tpu.memref_slice %arg8[%run_scoped3A_67, %mul3A_66, %dma_wait3A] : memref<16x640x16xi32, #tpu.memory_space<vmem_shared>> -> memref<1x40x16xi32, #tpu.memory_space<vmem_shared>>
      %dma_wait3A_146 = tpu.memref_squeeze %dma_wait3A_145 : memref<1x40x16xi32, #tpu.memory_space<vmem_shared>> -> memref<40x16xi32, #tpu.memory_space<vmem_shared>>
      %dma_wait3A_147 = arith.constant 0 : i32
      %dma_wait3A_148 = tpu.memref_slice %arg8[%run_scoped3A_67, %mul3A_66, %dma_wait3A_147] : memref<16x640x16xi32, #tpu.memory_space<vmem_shared>> -> memref<1x40x16xi32, #tpu.memory_space<vmem_shared>>
      %dma_wait3A_149 = tpu.memref_squeeze %dma_wait3A_148 : memref<1x40x16xi32, #tpu.memory_space<vmem_shared>> -> memref<40x16xi32, #tpu.memory_space<vmem_shared>>
      tpu.wait_dma2 semaphore(%run_scoped3A_139 : memref<!tpu.dma_semaphore, #tpu.memory_space<semaphore_mem>>) src(%dma_wait3A_149 : memref<40x16xi32, #tpu.memory_space<vmem_shared>>) dst(%arg6 : memref<40x16xi32, #tpu.memory_space<vmem>>)
      tpu.yield
    }) : () -> ()
    %scan3A_68 = arith.constant 0 : i32
    %scan3A_69 = arith.constant 40 : i32
    %scan3A_70 = arith.addi %scan3A_68, %scan3A_69 : i32
    %scan3A_71 = arith.constant 1 : i32
    scf.for %scan3A_139 = %scan3A_68 to %scan3A_70 step %scan3A_71  : i32 {
      %mul3A_140 = arith.constant 1 : i32
      %mul3A_141 = arith.muli %scan3A_139, %mul3A_140 : i32
      %add3A_142 = arith.constant 0 : i32
      %add3A_143 = arith.addi %add3A_142, %mul3A_141 : i32
      %get3A = arith.index_cast %add3A_143 : i32 to index
      %get3A_144 = arith.constant 0 : index
      %get3A_145 = tpu.vector_load %arg7[%get3A, %get3A_144] {strides = array<i32>} : memref<40x16xi32, #tpu.memory_space<vmem>>, vector<16xi32>,
      %get3A_146 = arith.index_cast %add3A_143 : i32 to index
      %get3A_147 = arith.constant 0 : index
      %get3A_148 = tpu.vector_load %arg6[%get3A_146, %get3A_147] {strides = array<i32>} : memref<40x16xi32, #tpu.memory_space<vmem>>, vector<16xi32>,
      %add3A_149 = arith.addi %get3A_145, %get3A_148 : vector<16xi32>
      %swap3A = arith.index_cast %add3A_143 : i32 to index
      %swap3A_150 = arith.constant 0 : index
      %swap3A_151 = tpu.vector_load %arg7[%swap3A, %swap3A_150] {strides = array<i32>} : memref<40x16xi32, #tpu.memory_space<vmem>>, vector<16xi32>,
      tpu.vector_store %arg7[%swap3A, %swap3A_150], %add3A_149 {strides = array<i32>} : memref<40x16xi32, #tpu.memory_space<vmem>>, vector<16xi32>,
    }
    %scan3A_72 = arith.constant 40 : i32
    %mul3A_73 = arith.constant 40 : i32
    %mul3A_74 = arith.muli %arg1, %mul3A_73 : i32
    %run_scoped3A_75 = arith.constant 8 : i32
    "tpu.region"() ({
      %run_scoped3A_139 = tpu.sem_alloc : memref<!tpu.dma_semaphore, #tpu.memory_space<semaphore_mem>>
      %dma_start3A = arith.constant 0 : i32
      %dma_start3A_140 = tpu.memref_slice %arg8[%run_scoped3A_75, %mul3A_74, %dma_start3A] : memref<16x640x16xi32, #tpu.memory_space<vmem_shared>> -> memref<1x40x16xi32, #tpu.memory_space<vmem_shared>>
      %dma_start3A_141 = tpu.memref_squeeze %dma_start3A_140 : memref<1x40x16xi32, #tpu.memory_space<vmem_shared>> -> memref<40x16xi32, #tpu.memory_space<vmem_shared>>
      %dma_start3A_142 = arith.constant 0 : i32
      %dma_start3A_143 = tpu.memref_slice %arg8[%run_scoped3A_75, %mul3A_74, %dma_start3A_142] : memref<16x640x16xi32, #tpu.memory_space<vmem_shared>> -> memref<1x40x16xi32, #tpu.memory_space<vmem_shared>>
      %dma_start3A_144 = tpu.memref_squeeze %dma_start3A_143 : memref<1x40x16xi32, #tpu.memory_space<vmem_shared>> -> memref<40x16xi32, #tpu.memory_space<vmem_shared>>
      tpu.enqueue_dma source(%dma_start3A_144 : memref<40x16xi32, #tpu.memory_space<vmem_shared>>) target(%arg6 : memref<40x16xi32, #tpu.memory_space<vmem>>) target_semaphore(%run_scoped3A_139 : memref<!tpu.dma_semaphore, #tpu.memory_space<semaphore_mem>>)
      %dma_wait3A = arith.constant 0 : i32
      %dma_wait3A_145 = tpu.memref_slice %arg8[%run_scoped3A_75, %mul3A_74, %dma_wait3A] : memref<16x640x16xi32, #tpu.memory_space<vmem_shared>> -> memref<1x40x16xi32, #tpu.memory_space<vmem_shared>>
      %dma_wait3A_146 = tpu.memref_squeeze %dma_wait3A_145 : memref<1x40x16xi32, #tpu.memory_space<vmem_shared>> -> memref<40x16xi32, #tpu.memory_space<vmem_shared>>
      %dma_wait3A_147 = arith.constant 0 : i32
      %dma_wait3A_148 = tpu.memref_slice %arg8[%run_scoped3A_75, %mul3A_74, %dma_wait3A_147] : memref<16x640x16xi32, #tpu.memory_space<vmem_shared>> -> memref<1x40x16xi32, #tpu.memory_space<vmem_shared>>
      %dma_wait3A_149 = tpu.memref_squeeze %dma_wait3A_148 : memref<1x40x16xi32, #tpu.memory_space<vmem_shared>> -> memref<40x16xi32, #tpu.memory_space<vmem_shared>>
      tpu.wait_dma2 semaphore(%run_scoped3A_139 : memref<!tpu.dma_semaphore, #tpu.memory_space<semaphore_mem>>) src(%dma_wait3A_149 : memref<40x16xi32, #tpu.memory_space<vmem_shared>>) dst(%arg6 : memref<40x16xi32, #tpu.memory_space<vmem>>)
      tpu.yield
    }) : () -> ()
    %scan3A_76 = arith.constant 0 : i32
    %scan3A_77 = arith.constant 40 : i32
    %scan3A_78 = arith.addi %scan3A_76, %scan3A_77 : i32
    %scan3A_79 = arith.constant 1 : i32
    scf.for %scan3A_139 = %scan3A_76 to %scan3A_78 step %scan3A_79  : i32 {
      %mul3A_140 = arith.constant 1 : i32
      %mul3A_141 = arith.muli %scan3A_139, %mul3A_140 : i32
      %add3A_142 = arith.constant 0 : i32
      %add3A_143 = arith.addi %add3A_142, %mul3A_141 : i32
      %get3A = arith.index_cast %add3A_143 : i32 to index
      %get3A_144 = arith.constant 0 : index
      %get3A_145 = tpu.vector_load %arg7[%get3A, %get3A_144] {strides = array<i32>} : memref<40x16xi32, #tpu.memory_space<vmem>>, vector<16xi32>,
      %get3A_146 = arith.index_cast %add3A_143 : i32 to index
      %get3A_147 = arith.constant 0 : index
      %get3A_148 = tpu.vector_load %arg6[%get3A_146, %get3A_147] {strides = array<i32>} : memref<40x16xi32, #tpu.memory_space<vmem>>, vector<16xi32>,
      %add3A_149 = arith.addi %get3A_145, %get3A_148 : vector<16xi32>
      %swap3A = arith.index_cast %add3A_143 : i32 to index
      %swap3A_150 = arith.constant 0 : index
      %swap3A_151 = tpu.vector_load %arg7[%swap3A, %swap3A_150] {strides = array<i32>} : memref<40x16xi32, #tpu.memory_space<vmem>>, vector<16xi32>,
      tpu.vector_store %arg7[%swap3A, %swap3A_150], %add3A_149 {strides = array<i32>} : memref<40x16xi32, #tpu.memory_space<vmem>>, vector<16xi32>,
    }
    %scan3A_80 = arith.constant 40 : i32
    %mul3A_81 = arith.constant 40 : i32
    %mul3A_82 = arith.muli %arg1, %mul3A_81 : i32
    %run_scoped3A_83 = arith.constant 9 : i32
    "tpu.region"() ({
      %run_scoped3A_139 = tpu.sem_alloc : memref<!tpu.dma_semaphore, #tpu.memory_space<semaphore_mem>>
      %dma_start3A = arith.constant 0 : i32
      %dma_start3A_140 = tpu.memref_slice %arg8[%run_scoped3A_83, %mul3A_82, %dma_start3A] : memref<16x640x16xi32, #tpu.memory_space<vmem_shared>> -> memref<1x40x16xi32, #tpu.memory_space<vmem_shared>>
      %dma_start3A_141 = tpu.memref_squeeze %dma_start3A_140 : memref<1x40x16xi32, #tpu.memory_space<vmem_shared>> -> memref<40x16xi32, #tpu.memory_space<vmem_shared>>
      %dma_start3A_142 = arith.constant 0 : i32
      %dma_start3A_143 = tpu.memref_slice %arg8[%run_scoped3A_83, %mul3A_82, %dma_start3A_142] : memref<16x640x16xi32, #tpu.memory_space<vmem_shared>> -> memref<1x40x16xi32, #tpu.memory_space<vmem_shared>>
      %dma_start3A_144 = tpu.memref_squeeze %dma_start3A_143 : memref<1x40x16xi32, #tpu.memory_space<vmem_shared>> -> memref<40x16xi32, #tpu.memory_space<vmem_shared>>
      tpu.enqueue_dma source(%dma_start3A_144 : memref<40x16xi32, #tpu.memory_space<vmem_shared>>) target(%arg6 : memref<40x16xi32, #tpu.memory_space<vmem>>) target_semaphore(%run_scoped3A_139 : memref<!tpu.dma_semaphore, #tpu.memory_space<semaphore_mem>>)
      %dma_wait3A = arith.constant 0 : i32
      %dma_wait3A_145 = tpu.memref_slice %arg8[%run_scoped3A_83, %mul3A_82, %dma_wait3A] : memref<16x640x16xi32, #tpu.memory_space<vmem_shared>> -> memref<1x40x16xi32, #tpu.memory_space<vmem_shared>>
      %dma_wait3A_146 = tpu.memref_squeeze %dma_wait3A_145 : memref<1x40x16xi32, #tpu.memory_space<vmem_shared>> -> memref<40x16xi32, #tpu.memory_space<vmem_shared>>
      %dma_wait3A_147 = arith.constant 0 : i32
      %dma_wait3A_148 = tpu.memref_slice %arg8[%run_scoped3A_83, %mul3A_82, %dma_wait3A_147] : memref<16x640x16xi32, #tpu.memory_space<vmem_shared>> -> memref<1x40x16xi32, #tpu.memory_space<vmem_shared>>
      %dma_wait3A_149 = tpu.memref_squeeze %dma_wait3A_148 : memref<1x40x16xi32, #tpu.memory_space<vmem_shared>> -> memref<40x16xi32, #tpu.memory_space<vmem_shared>>
      tpu.wait_dma2 semaphore(%run_scoped3A_139 : memref<!tpu.dma_semaphore, #tpu.memory_space<semaphore_mem>>) src(%dma_wait3A_149 : memref<40x16xi32, #tpu.memory_space<vmem_shared>>) dst(%arg6 : memref<40x16xi32, #tpu.memory_space<vmem>>)
      tpu.yield
    }) : () -> ()
    %scan3A_84 = arith.constant 0 : i32
    %scan3A_85 = arith.constant 40 : i32
    %scan3A_86 = arith.addi %scan3A_84, %scan3A_85 : i32
    %scan3A_87 = arith.constant 1 : i32
    scf.for %scan3A_139 = %scan3A_84 to %scan3A_86 step %scan3A_87  : i32 {
      %mul3A_140 = arith.constant 1 : i32
      %mul3A_141 = arith.muli %scan3A_139, %mul3A_140 : i32
      %add3A_142 = arith.constant 0 : i32
      %add3A_143 = arith.addi %add3A_142, %mul3A_141 : i32
      %get3A = arith.index_cast %add3A_143 : i32 to index
      %get3A_144 = arith.constant 0 : index
      %get3A_145 = tpu.vector_load %arg7[%get3A, %get3A_144] {strides = array<i32>} : memref<40x16xi32, #tpu.memory_space<vmem>>, vector<16xi32>,
      %get3A_146 = arith.index_cast %add3A_143 : i32 to index
      %get3A_147 = arith.constant 0 : index
      %get3A_148 = tpu.vector_load %arg6[%get3A_146, %get3A_147] {strides = array<i32>} : memref<40x16xi32, #tpu.memory_space<vmem>>, vector<16xi32>,
      %add3A_149 = arith.addi %get3A_145, %get3A_148 : vector<16xi32>
      %swap3A = arith.index_cast %add3A_143 : i32 to index
      %swap3A_150 = arith.constant 0 : index
      %swap3A_151 = tpu.vector_load %arg7[%swap3A, %swap3A_150] {strides = array<i32>} : memref<40x16xi32, #tpu.memory_space<vmem>>, vector<16xi32>,
      tpu.vector_store %arg7[%swap3A, %swap3A_150], %add3A_149 {strides = array<i32>} : memref<40x16xi32, #tpu.memory_space<vmem>>, vector<16xi32>,
    }
    %scan3A_88 = arith.constant 40 : i32
    %mul3A_89 = arith.constant 40 : i32
    %mul3A_90 = arith.muli %arg1, %mul3A_89 : i32
    %run_scoped3A_91 = arith.constant 10 : i32
    "tpu.region"() ({
      %run_scoped3A_139 = tpu.sem_alloc : memref<!tpu.dma_semaphore, #tpu.memory_space<semaphore_mem>>
      %dma_start3A = arith.constant 0 : i32
      %dma_start3A_140 = tpu.memref_slice %arg8[%run_scoped3A_91, %mul3A_90, %dma_start3A] : memref<16x640x16xi32, #tpu.memory_space<vmem_shared>> -> memref<1x40x16xi32, #tpu.memory_space<vmem_shared>>
      %dma_start3A_141 = tpu.memref_squeeze %dma_start3A_140 : memref<1x40x16xi32, #tpu.memory_space<vmem_shared>> -> memref<40x16xi32, #tpu.memory_space<vmem_shared>>
      %dma_start3A_142 = arith.constant 0 : i32
      %dma_start3A_143 = tpu.memref_slice %arg8[%run_scoped3A_91, %mul3A_90, %dma_start3A_142] : memref<16x640x16xi32, #tpu.memory_space<vmem_shared>> -> memref<1x40x16xi32, #tpu.memory_space<vmem_shared>>
      %dma_start3A_144 = tpu.memref_squeeze %dma_start3A_143 : memref<1x40x16xi32, #tpu.memory_space<vmem_shared>> -> memref<40x16xi32, #tpu.memory_space<vmem_shared>>
      tpu.enqueue_dma source(%dma_start3A_144 : memref<40x16xi32, #tpu.memory_space<vmem_shared>>) target(%arg6 : memref<40x16xi32, #tpu.memory_space<vmem>>) target_semaphore(%run_scoped3A_139 : memref<!tpu.dma_semaphore, #tpu.memory_space<semaphore_mem>>)
      %dma_wait3A = arith.constant 0 : i32
      %dma_wait3A_145 = tpu.memref_slice %arg8[%run_scoped3A_91, %mul3A_90, %dma_wait3A] : memref<16x640x16xi32, #tpu.memory_space<vmem_shared>> -> memref<1x40x16xi32, #tpu.memory_space<vmem_shared>>
      %dma_wait3A_146 = tpu.memref_squeeze %dma_wait3A_145 : memref<1x40x16xi32, #tpu.memory_space<vmem_shared>> -> memref<40x16xi32, #tpu.memory_space<vmem_shared>>
      %dma_wait3A_147 = arith.constant 0 : i32
      %dma_wait3A_148 = tpu.memref_slice %arg8[%run_scoped3A_91, %mul3A_90, %dma_wait3A_147] : memref<16x640x16xi32, #tpu.memory_space<vmem_shared>> -> memref<1x40x16xi32, #tpu.memory_space<vmem_shared>>
      %dma_wait3A_149 = tpu.memref_squeeze %dma_wait3A_148 : memref<1x40x16xi32, #tpu.memory_space<vmem_shared>> -> memref<40x16xi32, #tpu.memory_space<vmem_shared>>
      tpu.wait_dma2 semaphore(%run_scoped3A_139 : memref<!tpu.dma_semaphore, #tpu.memory_space<semaphore_mem>>) src(%dma_wait3A_149 : memref<40x16xi32, #tpu.memory_space<vmem_shared>>) dst(%arg6 : memref<40x16xi32, #tpu.memory_space<vmem>>)
      tpu.yield
    }) : () -> ()
    %scan3A_92 = arith.constant 0 : i32
    %scan3A_93 = arith.constant 40 : i32
    %scan3A_94 = arith.addi %scan3A_92, %scan3A_93 : i32
    %scan3A_95 = arith.constant 1 : i32
    scf.for %scan3A_139 = %scan3A_92 to %scan3A_94 step %scan3A_95  : i32 {
      %mul3A_140 = arith.constant 1 : i32
      %mul3A_141 = arith.muli %scan3A_139, %mul3A_140 : i32
      %add3A_142 = arith.constant 0 : i32
      %add3A_143 = arith.addi %add3A_142, %mul3A_141 : i32
      %get3A = arith.index_cast %add3A_143 : i32 to index
      %get3A_144 = arith.constant 0 : index
      %get3A_145 = tpu.vector_load %arg7[%get3A, %get3A_144] {strides = array<i32>} : memref<40x16xi32, #tpu.memory_space<vmem>>, vector<16xi32>,
      %get3A_146 = arith.index_cast %add3A_143 : i32 to index
      %get3A_147 = arith.constant 0 : index
      %get3A_148 = tpu.vector_load %arg6[%get3A_146, %get3A_147] {strides = array<i32>} : memref<40x16xi32, #tpu.memory_space<vmem>>, vector<16xi32>,
      %add3A_149 = arith.addi %get3A_145, %get3A_148 : vector<16xi32>
      %swap3A = arith.index_cast %add3A_143 : i32 to index
      %swap3A_150 = arith.constant 0 : index
      %swap3A_151 = tpu.vector_load %arg7[%swap3A, %swap3A_150] {strides = array<i32>} : memref<40x16xi32, #tpu.memory_space<vmem>>, vector<16xi32>,
      tpu.vector_store %arg7[%swap3A, %swap3A_150], %add3A_149 {strides = array<i32>} : memref<40x16xi32, #tpu.memory_space<vmem>>, vector<16xi32>,
    }
    %scan3A_96 = arith.constant 40 : i32
    %mul3A_97 = arith.constant 40 : i32
    %mul3A_98 = arith.muli %arg1, %mul3A_97 : i32
    %run_scoped3A_99 = arith.constant 11 : i32
    "tpu.region"() ({
      %run_scoped3A_139 = tpu.sem_alloc : memref<!tpu.dma_semaphore, #tpu.memory_space<semaphore_mem>>
      %dma_start3A = arith.constant 0 : i32
      %dma_start3A_140 = tpu.memref_slice %arg8[%run_scoped3A_99, %mul3A_98, %dma_start3A] : memref<16x640x16xi32, #tpu.memory_space<vmem_shared>> -> memref<1x40x16xi32, #tpu.memory_space<vmem_shared>>
      %dma_start3A_141 = tpu.memref_squeeze %dma_start3A_140 : memref<1x40x16xi32, #tpu.memory_space<vmem_shared>> -> memref<40x16xi32, #tpu.memory_space<vmem_shared>>
      %dma_start3A_142 = arith.constant 0 : i32
      %dma_start3A_143 = tpu.memref_slice %arg8[%run_scoped3A_99, %mul3A_98, %dma_start3A_142] : memref<16x640x16xi32, #tpu.memory_space<vmem_shared>> -> memref<1x40x16xi32, #tpu.memory_space<vmem_shared>>
      %dma_start3A_144 = tpu.memref_squeeze %dma_start3A_143 : memref<1x40x16xi32, #tpu.memory_space<vmem_shared>> -> memref<40x16xi32, #tpu.memory_space<vmem_shared>>
      tpu.enqueue_dma source(%dma_start3A_144 : memref<40x16xi32, #tpu.memory_space<vmem_shared>>) target(%arg6 : memref<40x16xi32, #tpu.memory_space<vmem>>) target_semaphore(%run_scoped3A_139 : memref<!tpu.dma_semaphore, #tpu.memory_space<semaphore_mem>>)
      %dma_wait3A = arith.constant 0 : i32
      %dma_wait3A_145 = tpu.memref_slice %arg8[%run_scoped3A_99, %mul3A_98, %dma_wait3A] : memref<16x640x16xi32, #tpu.memory_space<vmem_shared>> -> memref<1x40x16xi32, #tpu.memory_space<vmem_shared>>
      %dma_wait3A_146 = tpu.memref_squeeze %dma_wait3A_145 : memref<1x40x16xi32, #tpu.memory_space<vmem_shared>> -> memref<40x16xi32, #tpu.memory_space<vmem_shared>>
      %dma_wait3A_147 = arith.constant 0 : i32
      %dma_wait3A_148 = tpu.memref_slice %arg8[%run_scoped3A_99, %mul3A_98, %dma_wait3A_147] : memref<16x640x16xi32, #tpu.memory_space<vmem_shared>> -> memref<1x40x16xi32, #tpu.memory_space<vmem_shared>>
      %dma_wait3A_149 = tpu.memref_squeeze %dma_wait3A_148 : memref<1x40x16xi32, #tpu.memory_space<vmem_shared>> -> memref<40x16xi32, #tpu.memory_space<vmem_shared>>
      tpu.wait_dma2 semaphore(%run_scoped3A_139 : memref<!tpu.dma_semaphore, #tpu.memory_space<semaphore_mem>>) src(%dma_wait3A_149 : memref<40x16xi32, #tpu.memory_space<vmem_shared>>) dst(%arg6 : memref<40x16xi32, #tpu.memory_space<vmem>>)
      tpu.yield
    }) : () -> ()
    %scan3A_100 = arith.constant 0 : i32
    %scan3A_101 = arith.constant 40 : i32
    %scan3A_102 = arith.addi %scan3A_100, %scan3A_101 : i32
    %scan3A_103 = arith.constant 1 : i32
    scf.for %scan3A_139 = %scan3A_100 to %scan3A_102 step %scan3A_103  : i32 {
      %mul3A_140 = arith.constant 1 : i32
      %mul3A_141 = arith.muli %scan3A_139, %mul3A_140 : i32
      %add3A_142 = arith.constant 0 : i32
      %add3A_143 = arith.addi %add3A_142, %mul3A_141 : i32
      %get3A = arith.index_cast %add3A_143 : i32 to index
      %get3A_144 = arith.constant 0 : index
      %get3A_145 = tpu.vector_load %arg7[%get3A, %get3A_144] {strides = array<i32>} : memref<40x16xi32, #tpu.memory_space<vmem>>, vector<16xi32>,
      %get3A_146 = arith.index_cast %add3A_143 : i32 to index
      %get3A_147 = arith.constant 0 : index
      %get3A_148 = tpu.vector_load %arg6[%get3A_146, %get3A_147] {strides = array<i32>} : memref<40x16xi32, #tpu.memory_space<vmem>>, vector<16xi32>,
      %add3A_149 = arith.addi %get3A_145, %get3A_148 : vector<16xi32>
      %swap3A = arith.index_cast %add3A_143 : i32 to index
      %swap3A_150 = arith.constant 0 : index
      %swap3A_151 = tpu.vector_load %arg7[%swap3A, %swap3A_150] {strides = array<i32>} : memref<40x16xi32, #tpu.memory_space<vmem>>, vector<16xi32>,
      tpu.vector_store %arg7[%swap3A, %swap3A_150], %add3A_149 {strides = array<i32>} : memref<40x16xi32, #tpu.memory_space<vmem>>, vector<16xi32>,
    }
    %scan3A_104 = arith.constant 40 : i32
    %mul3A_105 = arith.constant 40 : i32
    %mul3A_106 = arith.muli %arg1, %mul3A_105 : i32
    %run_scoped3A_107 = arith.constant 12 : i32
    "tpu.region"() ({
      %run_scoped3A_139 = tpu.sem_alloc : memref<!tpu.dma_semaphore, #tpu.memory_space<semaphore_mem>>
      %dma_start3A = arith.constant 0 : i32
      %dma_start3A_140 = tpu.memref_slice %arg8[%run_scoped3A_107, %mul3A_106, %dma_start3A] : memref<16x640x16xi32, #tpu.memory_space<vmem_shared>> -> memref<1x40x16xi32, #tpu.memory_space<vmem_shared>>
      %dma_start3A_141 = tpu.memref_squeeze %dma_start3A_140 : memref<1x40x16xi32, #tpu.memory_space<vmem_shared>> -> memref<40x16xi32, #tpu.memory_space<vmem_shared>>
      %dma_start3A_142 = arith.constant 0 : i32
      %dma_start3A_143 = tpu.memref_slice %arg8[%run_scoped3A_107, %mul3A_106, %dma_start3A_142] : memref<16x640x16xi32, #tpu.memory_space<vmem_shared>> -> memref<1x40x16xi32, #tpu.memory_space<vmem_shared>>
      %dma_start3A_144 = tpu.memref_squeeze %dma_start3A_143 : memref<1x40x16xi32, #tpu.memory_space<vmem_shared>> -> memref<40x16xi32, #tpu.memory_space<vmem_shared>>
      tpu.enqueue_dma source(%dma_start3A_144 : memref<40x16xi32, #tpu.memory_space<vmem_shared>>) target(%arg6 : memref<40x16xi32, #tpu.memory_space<vmem>>) target_semaphore(%run_scoped3A_139 : memref<!tpu.dma_semaphore, #tpu.memory_space<semaphore_mem>>)
      %dma_wait3A = arith.constant 0 : i32
      %dma_wait3A_145 = tpu.memref_slice %arg8[%run_scoped3A_107, %mul3A_106, %dma_wait3A] : memref<16x640x16xi32, #tpu.memory_space<vmem_shared>> -> memref<1x40x16xi32, #tpu.memory_space<vmem_shared>>
      %dma_wait3A_146 = tpu.memref_squeeze %dma_wait3A_145 : memref<1x40x16xi32, #tpu.memory_space<vmem_shared>> -> memref<40x16xi32, #tpu.memory_space<vmem_shared>>
      %dma_wait3A_147 = arith.constant 0 : i32
      %dma_wait3A_148 = tpu.memref_slice %arg8[%run_scoped3A_107, %mul3A_106, %dma_wait3A_147] : memref<16x640x16xi32, #tpu.memory_space<vmem_shared>> -> memref<1x40x16xi32, #tpu.memory_space<vmem_shared>>
      %dma_wait3A_149 = tpu.memref_squeeze %dma_wait3A_148 : memref<1x40x16xi32, #tpu.memory_space<vmem_shared>> -> memref<40x16xi32, #tpu.memory_space<vmem_shared>>
      tpu.wait_dma2 semaphore(%run_scoped3A_139 : memref<!tpu.dma_semaphore, #tpu.memory_space<semaphore_mem>>) src(%dma_wait3A_149 : memref<40x16xi32, #tpu.memory_space<vmem_shared>>) dst(%arg6 : memref<40x16xi32, #tpu.memory_space<vmem>>)
      tpu.yield
    }) : () -> ()
    %scan3A_108 = arith.constant 0 : i32
    %scan3A_109 = arith.constant 40 : i32
    %scan3A_110 = arith.addi %scan3A_108, %scan3A_109 : i32
    %scan3A_111 = arith.constant 1 : i32
    scf.for %scan3A_139 = %scan3A_108 to %scan3A_110 step %scan3A_111  : i32 {
      %mul3A_140 = arith.constant 1 : i32
      %mul3A_141 = arith.muli %scan3A_139, %mul3A_140 : i32
      %add3A_142 = arith.constant 0 : i32
      %add3A_143 = arith.addi %add3A_142, %mul3A_141 : i32
      %get3A = arith.index_cast %add3A_143 : i32 to index
      %get3A_144 = arith.constant 0 : index
      %get3A_145 = tpu.vector_load %arg7[%get3A, %get3A_144] {strides = array<i32>} : memref<40x16xi32, #tpu.memory_space<vmem>>, vector<16xi32>,
      %get3A_146 = arith.index_cast %add3A_143 : i32 to index
      %get3A_147 = arith.constant 0 : index
      %get3A_148 = tpu.vector_load %arg6[%get3A_146, %get3A_147] {strides = array<i32>} : memref<40x16xi32, #tpu.memory_space<vmem>>, vector<16xi32>,
      %add3A_149 = arith.addi %get3A_145, %get3A_148 : vector<16xi32>
      %swap3A = arith.index_cast %add3A_143 : i32 to index
      %swap3A_150 = arith.constant 0 : index
      %swap3A_151 = tpu.vector_load %arg7[%swap3A, %swap3A_150] {strides = array<i32>} : memref<40x16xi32, #tpu.memory_space<vmem>>, vector<16xi32>,
      tpu.vector_store %arg7[%swap3A, %swap3A_150], %add3A_149 {strides = array<i32>} : memref<40x16xi32, #tpu.memory_space<vmem>>, vector<16xi32>,
    }
    %scan3A_112 = arith.constant 40 : i32
    %mul3A_113 = arith.constant 40 : i32
    %mul3A_114 = arith.muli %arg1, %mul3A_113 : i32
    %run_scoped3A_115 = arith.constant 13 : i32
    "tpu.region"() ({
      %run_scoped3A_139 = tpu.sem_alloc : memref<!tpu.dma_semaphore, #tpu.memory_space<semaphore_mem>>
      %dma_start3A = arith.constant 0 : i32
      %dma_start3A_140 = tpu.memref_slice %arg8[%run_scoped3A_115, %mul3A_114, %dma_start3A] : memref<16x640x16xi32, #tpu.memory_space<vmem_shared>> -> memref<1x40x16xi32, #tpu.memory_space<vmem_shared>>
      %dma_start3A_141 = tpu.memref_squeeze %dma_start3A_140 : memref<1x40x16xi32, #tpu.memory_space<vmem_shared>> -> memref<40x16xi32, #tpu.memory_space<vmem_shared>>
      %dma_start3A_142 = arith.constant 0 : i32
      %dma_start3A_143 = tpu.memref_slice %arg8[%run_scoped3A_115, %mul3A_114, %dma_start3A_142] : memref<16x640x16xi32, #tpu.memory_space<vmem_shared>> -> memref<1x40x16xi32, #tpu.memory_space<vmem_shared>>
      %dma_start3A_144 = tpu.memref_squeeze %dma_start3A_143 : memref<1x40x16xi32, #tpu.memory_space<vmem_shared>> -> memref<40x16xi32, #tpu.memory_space<vmem_shared>>
      tpu.enqueue_dma source(%dma_start3A_144 : memref<40x16xi32, #tpu.memory_space<vmem_shared>>) target(%arg6 : memref<40x16xi32, #tpu.memory_space<vmem>>) target_semaphore(%run_scoped3A_139 : memref<!tpu.dma_semaphore, #tpu.memory_space<semaphore_mem>>)
      %dma_wait3A = arith.constant 0 : i32
      %dma_wait3A_145 = tpu.memref_slice %arg8[%run_scoped3A_115, %mul3A_114, %dma_wait3A] : memref<16x640x16xi32, #tpu.memory_space<vmem_shared>> -> memref<1x40x16xi32, #tpu.memory_space<vmem_shared>>
      %dma_wait3A_146 = tpu.memref_squeeze %dma_wait3A_145 : memref<1x40x16xi32, #tpu.memory_space<vmem_shared>> -> memref<40x16xi32, #tpu.memory_space<vmem_shared>>
      %dma_wait3A_147 = arith.constant 0 : i32
      %dma_wait3A_148 = tpu.memref_slice %arg8[%run_scoped3A_115, %mul3A_114, %dma_wait3A_147] : memref<16x640x16xi32, #tpu.memory_space<vmem_shared>> -> memref<1x40x16xi32, #tpu.memory_space<vmem_shared>>
      %dma_wait3A_149 = tpu.memref_squeeze %dma_wait3A_148 : memref<1x40x16xi32, #tpu.memory_space<vmem_shared>> -> memref<40x16xi32, #tpu.memory_space<vmem_shared>>
      tpu.wait_dma2 semaphore(%run_scoped3A_139 : memref<!tpu.dma_semaphore, #tpu.memory_space<semaphore_mem>>) src(%dma_wait3A_149 : memref<40x16xi32, #tpu.memory_space<vmem_shared>>) dst(%arg6 : memref<40x16xi32, #tpu.memory_space<vmem>>)
      tpu.yield
    }) : () -> ()
    %scan3A_116 = arith.constant 0 : i32
    %scan3A_117 = arith.constant 40 : i32
    %scan3A_118 = arith.addi %scan3A_116, %scan3A_117 : i32
    %scan3A_119 = arith.constant 1 : i32
    scf.for %scan3A_139 = %scan3A_116 to %scan3A_118 step %scan3A_119  : i32 {
      %mul3A_140 = arith.constant 1 : i32
      %mul3A_141 = arith.muli %scan3A_139, %mul3A_140 : i32
      %add3A_142 = arith.constant 0 : i32
      %add3A_143 = arith.addi %add3A_142, %mul3A_141 : i32
      %get3A = arith.index_cast %add3A_143 : i32 to index
      %get3A_144 = arith.constant 0 : index
      %get3A_145 = tpu.vector_load %arg7[%get3A, %get3A_144] {strides = array<i32>} : memref<40x16xi32, #tpu.memory_space<vmem>>, vector<16xi32>,
      %get3A_146 = arith.index_cast %add3A_143 : i32 to index
      %get3A_147 = arith.constant 0 : index
      %get3A_148 = tpu.vector_load %arg6[%get3A_146, %get3A_147] {strides = array<i32>} : memref<40x16xi32, #tpu.memory_space<vmem>>, vector<16xi32>,
      %add3A_149 = arith.addi %get3A_145, %get3A_148 : vector<16xi32>
      %swap3A = arith.index_cast %add3A_143 : i32 to index
      %swap3A_150 = arith.constant 0 : index
      %swap3A_151 = tpu.vector_load %arg7[%swap3A, %swap3A_150] {strides = array<i32>} : memref<40x16xi32, #tpu.memory_space<vmem>>, vector<16xi32>,
      tpu.vector_store %arg7[%swap3A, %swap3A_150], %add3A_149 {strides = array<i32>} : memref<40x16xi32, #tpu.memory_space<vmem>>, vector<16xi32>,
    }
    %scan3A_120 = arith.constant 40 : i32
    %mul3A_121 = arith.constant 40 : i32
    %mul3A_122 = arith.muli %arg1, %mul3A_121 : i32
    %run_scoped3A_123 = arith.constant 14 : i32
    "tpu.region"() ({
      %run_scoped3A_139 = tpu.sem_alloc : memref<!tpu.dma_semaphore, #tpu.memory_space<semaphore_mem>>
      %dma_start3A = arith.constant 0 : i32
      %dma_start3A_140 = tpu.memref_slice %arg8[%run_scoped3A_123, %mul3A_122, %dma_start3A] : memref<16x640x16xi32, #tpu.memory_space<vmem_shared>> -> memref<1x40x16xi32, #tpu.memory_space<vmem_shared>>
      %dma_start3A_141 = tpu.memref_squeeze %dma_start3A_140 : memref<1x40x16xi32, #tpu.memory_space<vmem_shared>> -> memref<40x16xi32, #tpu.memory_space<vmem_shared>>
      %dma_start3A_142 = arith.constant 0 : i32
      %dma_start3A_143 = tpu.memref_slice %arg8[%run_scoped3A_123, %mul3A_122, %dma_start3A_142] : memref<16x640x16xi32, #tpu.memory_space<vmem_shared>> -> memref<1x40x16xi32, #tpu.memory_space<vmem_shared>>
      %dma_start3A_144 = tpu.memref_squeeze %dma_start3A_143 : memref<1x40x16xi32, #tpu.memory_space<vmem_shared>> -> memref<40x16xi32, #tpu.memory_space<vmem_shared>>
      tpu.enqueue_dma source(%dma_start3A_144 : memref<40x16xi32, #tpu.memory_space<vmem_shared>>) target(%arg6 : memref<40x16xi32, #tpu.memory_space<vmem>>) target_semaphore(%run_scoped3A_139 : memref<!tpu.dma_semaphore, #tpu.memory_space<semaphore_mem>>)
      %dma_wait3A = arith.constant 0 : i32
      %dma_wait3A_145 = tpu.memref_slice %arg8[%run_scoped3A_123, %mul3A_122, %dma_wait3A] : memref<16x640x16xi32, #tpu.memory_space<vmem_shared>> -> memref<1x40x16xi32, #tpu.memory_space<vmem_shared>>
      %dma_wait3A_146 = tpu.memref_squeeze %dma_wait3A_145 : memref<1x40x16xi32, #tpu.memory_space<vmem_shared>> -> memref<40x16xi32, #tpu.memory_space<vmem_shared>>
      %dma_wait3A_147 = arith.constant 0 : i32
      %dma_wait3A_148 = tpu.memref_slice %arg8[%run_scoped3A_123, %mul3A_122, %dma_wait3A_147] : memref<16x640x16xi32, #tpu.memory_space<vmem_shared>> -> memref<1x40x16xi32, #tpu.memory_space<vmem_shared>>
      %dma_wait3A_149 = tpu.memref_squeeze %dma_wait3A_148 : memref<1x40x16xi32, #tpu.memory_space<vmem_shared>> -> memref<40x16xi32, #tpu.memory_space<vmem_shared>>
      tpu.wait_dma2 semaphore(%run_scoped3A_139 : memref<!tpu.dma_semaphore, #tpu.memory_space<semaphore_mem>>) src(%dma_wait3A_149 : memref<40x16xi32, #tpu.memory_space<vmem_shared>>) dst(%arg6 : memref<40x16xi32, #tpu.memory_space<vmem>>)
      tpu.yield
    }) : () -> ()
    %scan3A_124 = arith.constant 0 : i32
    %scan3A_125 = arith.constant 40 : i32
    %scan3A_126 = arith.addi %scan3A_124, %scan3A_125 : i32
    %scan3A_127 = arith.constant 1 : i32
    scf.for %scan3A_139 = %scan3A_124 to %scan3A_126 step %scan3A_127  : i32 {
      %mul3A_140 = arith.constant 1 : i32
      %mul3A_141 = arith.muli %scan3A_139, %mul3A_140 : i32
      %add3A_142 = arith.constant 0 : i32
      %add3A_143 = arith.addi %add3A_142, %mul3A_141 : i32
      %get3A = arith.index_cast %add3A_143 : i32 to index
      %get3A_144 = arith.constant 0 : index
      %get3A_145 = tpu.vector_load %arg7[%get3A, %get3A_144] {strides = array<i32>} : memref<40x16xi32, #tpu.memory_space<vmem>>, vector<16xi32>,
      %get3A_146 = arith.index_cast %add3A_143 : i32 to index
      %get3A_147 = arith.constant 0 : index
      %get3A_148 = tpu.vector_load %arg6[%get3A_146, %get3A_147] {strides = array<i32>} : memref<40x16xi32, #tpu.memory_space<vmem>>, vector<16xi32>,
      %add3A_149 = arith.addi %get3A_145, %get3A_148 : vector<16xi32>
      %swap3A = arith.index_cast %add3A_143 : i32 to index
      %swap3A_150 = arith.constant 0 : index
      %swap3A_151 = tpu.vector_load %arg7[%swap3A, %swap3A_150] {strides = array<i32>} : memref<40x16xi32, #tpu.memory_space<vmem>>, vector<16xi32>,
      tpu.vector_store %arg7[%swap3A, %swap3A_150], %add3A_149 {strides = array<i32>} : memref<40x16xi32, #tpu.memory_space<vmem>>, vector<16xi32>,
    }
    %scan3A_128 = arith.constant 40 : i32
    %mul3A_129 = arith.constant 40 : i32
    %mul3A_130 = arith.muli %arg1, %mul3A_129 : i32
    %run_scoped3A_131 = arith.constant 15 : i32
    "tpu.region"() ({
      %run_scoped3A_139 = tpu.sem_alloc : memref<!tpu.dma_semaphore, #tpu.memory_space<semaphore_mem>>
      %dma_start3A = arith.constant 0 : i32
      %dma_start3A_140 = tpu.memref_slice %arg8[%run_scoped3A_131, %mul3A_130, %dma_start3A] : memref<16x640x16xi32, #tpu.memory_space<vmem_shared>> -> memref<1x40x16xi32, #tpu.memory_space<vmem_shared>>
      %dma_start3A_141 = tpu.memref_squeeze %dma_start3A_140 : memref<1x40x16xi32, #tpu.memory_space<vmem_shared>> -> memref<40x16xi32, #tpu.memory_space<vmem_shared>>
      %dma_start3A_142 = arith.constant 0 : i32
      %dma_start3A_143 = tpu.memref_slice %arg8[%run_scoped3A_131, %mul3A_130, %dma_start3A_142] : memref<16x640x16xi32, #tpu.memory_space<vmem_shared>> -> memref<1x40x16xi32, #tpu.memory_space<vmem_shared>>
      %dma_start3A_144 = tpu.memref_squeeze %dma_start3A_143 : memref<1x40x16xi32, #tpu.memory_space<vmem_shared>> -> memref<40x16xi32, #tpu.memory_space<vmem_shared>>
      tpu.enqueue_dma source(%dma_start3A_144 : memref<40x16xi32, #tpu.memory_space<vmem_shared>>) target(%arg6 : memref<40x16xi32, #tpu.memory_space<vmem>>) target_semaphore(%run_scoped3A_139 : memref<!tpu.dma_semaphore, #tpu.memory_space<semaphore_mem>>)
      %dma_wait3A = arith.constant 0 : i32
      %dma_wait3A_145 = tpu.memref_slice %arg8[%run_scoped3A_131, %mul3A_130, %dma_wait3A] : memref<16x640x16xi32, #tpu.memory_space<vmem_shared>> -> memref<1x40x16xi32, #tpu.memory_space<vmem_shared>>
      %dma_wait3A_146 = tpu.memref_squeeze %dma_wait3A_145 : memref<1x40x16xi32, #tpu.memory_space<vmem_shared>> -> memref<40x16xi32, #tpu.memory_space<vmem_shared>>
      %dma_wait3A_147 = arith.constant 0 : i32
      %dma_wait3A_148 = tpu.memref_slice %arg8[%run_scoped3A_131, %mul3A_130, %dma_wait3A_147] : memref<16x640x16xi32, #tpu.memory_space<vmem_shared>> -> memref<1x40x16xi32, #tpu.memory_space<vmem_shared>>
      %dma_wait3A_149 = tpu.memref_squeeze %dma_wait3A_148 : memref<1x40x16xi32, #tpu.memory_space<vmem_shared>> -> memref<40x16xi32, #tpu.memory_space<vmem_shared>>
      tpu.wait_dma2 semaphore(%run_scoped3A_139 : memref<!tpu.dma_semaphore, #tpu.memory_space<semaphore_mem>>) src(%dma_wait3A_149 : memref<40x16xi32, #tpu.memory_space<vmem_shared>>) dst(%arg6 : memref<40x16xi32, #tpu.memory_space<vmem>>)
      tpu.yield
    }) : () -> ()
    %scan3A_132 = arith.constant 0 : i32
    %scan3A_133 = arith.constant 40 : i32
    %scan3A_134 = arith.addi %scan3A_132, %scan3A_133 : i32
    %scan3A_135 = arith.constant 1 : i32
    scf.for %scan3A_139 = %scan3A_132 to %scan3A_134 step %scan3A_135  : i32 {
      %mul3A_140 = arith.constant 1 : i32
      %mul3A_141 = arith.muli %scan3A_139, %mul3A_140 : i32
      %add3A_142 = arith.constant 0 : i32
      %add3A_143 = arith.addi %add3A_142, %mul3A_141 : i32
      %get3A = arith.index_cast %add3A_143 : i32 to index
      %get3A_144 = arith.constant 0 : index
      %get3A_145 = tpu.vector_load %arg7[%get3A, %get3A_144] {strides = array<i32>} : memref<40x16xi32, #tpu.memory_space<vmem>>, vector<16xi32>,
      %get3A_146 = arith.index_cast %add3A_143 : i32 to index
      %get3A_147 = arith.constant 0 : index
      %get3A_148 = tpu.vector_load %arg6[%get3A_146, %get3A_147] {strides = array<i32>} : memref<40x16xi32, #tpu.memory_space<vmem>>, vector<16xi32>,
      %add3A_149 = arith.addi %get3A_145, %get3A_148 : vector<16xi32>
      %swap3A = arith.index_cast %add3A_143 : i32 to index
      %swap3A_150 = arith.constant 0 : index
      %swap3A_151 = tpu.vector_load %arg7[%swap3A, %swap3A_150] {strides = array<i32>} : memref<40x16xi32, #tpu.memory_space<vmem>>, vector<16xi32>,
      tpu.vector_store %arg7[%swap3A, %swap3A_150], %add3A_149 {strides = array<i32>} : memref<40x16xi32, #tpu.memory_space<vmem>>, vector<16xi32>,
    }
    %scan3A_136 = arith.constant 40 : i32
    %mul3A_137 = arith.constant 40 : i32
    %mul3A_138 = arith.muli %arg1, %mul3A_137 : i32
    "tpu.region"() ({
      %run_scoped3A_139 = tpu.sem_alloc : memref<!tpu.dma_semaphore, #tpu.memory_space<semaphore_mem>>
      %dma_start3A = arith.constant 0 : i32
      %dma_start3A_140 = tpu.memref_slice %arg3[%arg0, %mul3A_138, %dma_start3A] : memref<2x640x16xi32, #tpu.memory_space<hbm>> -> memref<1x40x16xi32, #tpu.memory_space<hbm>>
      %dma_start3A_141 = tpu.memref_squeeze %dma_start3A_140 : memref<1x40x16xi32, #tpu.memory_space<hbm>> -> memref<40x16xi32, #tpu.memory_space<hbm>>
      %dma_start3A_142 = arith.constant 0 : i32
      %dma_start3A_143 = tpu.memref_slice %arg3[%arg0, %mul3A_138, %dma_start3A_142] : memref<2x640x16xi32, #tpu.memory_space<hbm>> -> memref<1x40x16xi32, #tpu.memory_space<hbm>>
      %dma_start3A_144 = tpu.memref_squeeze %dma_start3A_143 : memref<1x40x16xi32, #tpu.memory_space<hbm>> -> memref<40x16xi32, #tpu.memory_space<hbm>>
      tpu.enqueue_dma source(%arg7 : memref<40x16xi32, #tpu.memory_space<vmem>>) target(%dma_start3A_144 : memref<40x16xi32, #tpu.memory_space<hbm>>) target_semaphore(%run_scoped3A_139 : memref<!tpu.dma_semaphore, #tpu.memory_space<semaphore_mem>>)
      %dma_wait3A = arith.constant 0 : i32
      %dma_wait3A_145 = tpu.memref_slice %arg3[%arg0, %mul3A_138, %dma_wait3A] : memref<2x640x16xi32, #tpu.memory_space<hbm>> -> memref<1x40x16xi32, #tpu.memory_space<hbm>>
      %dma_wait3A_146 = tpu.memref_squeeze %dma_wait3A_145 : memref<1x40x16xi32, #tpu.memory_space<hbm>> -> memref<40x16xi32, #tpu.memory_space<hbm>>
      %dma_wait3A_147 = arith.constant 0 : i32
      %dma_wait3A_148 = tpu.memref_slice %arg3[%arg0, %mul3A_138, %dma_wait3A_147] : memref<2x640x16xi32, #tpu.memory_space<hbm>> -> memref<1x40x16xi32, #tpu.memory_space<hbm>>
      %dma_wait3A_149 = tpu.memref_squeeze %dma_wait3A_148 : memref<1x40x16xi32, #tpu.memory_space<hbm>> -> memref<40x16xi32, #tpu.memory_space<hbm>>
      tpu.wait_dma2 semaphore(%run_scoped3A_139 : memref<!tpu.dma_semaphore, #tpu.memory_space<semaphore_mem>>) src(%arg7 : memref<40x16xi32, #tpu.memory_space<vmem>>) dst(%dma_wait3A_149 : memref<40x16xi32, #tpu.memory_space<hbm>>)
      tpu.yield
    }) : () -> ()
    return
  }
}

#map = affine_map<(d0, d1) -> (0, 0)>
#map1 = affine_map<(d0, d1) -> (0, 0, 0, 0)>
module attributes {stable_mosaic.version = 14 : i64} {
  func.func @body(%arg0: i32, %arg1: i32, %arg2: memref<10000x128xf32, #tpu.memory_space<hbm>>, %arg3: memref<2640x64xi32, #tpu.memory_space<hbm>>, %arg4: memref<2640x64xi32, #tpu.memory_space<hbm>>, %arg5: memref<1x2x10000x128xf32, #tpu.memory_space<hbm>>, %arg6: memref<80x64xi32, #tpu.memory_space<vmem>>, %arg7: memref<80x64xi32, #tpu.memory_space<vmem>>, %arg8: memref<64x128xf32, #tpu.memory_space<vmem>>, %arg9: memref<64x128xf32, #tpu.memory_space<vmem>>, %arg10: memref<64x128xf32, #tpu.memory_space<vmem>>, %arg11: memref<64x128xf32, #tpu.memory_space<vmem>>, %arg12: memref<16x128xf32, #tpu.memory_space<vmem>>, %arg13: memref<10240x128xf32, #tpu.memory_space<vmem_shared>>, %arg14: memref<!tpu.dma_semaphore, #tpu.memory_space<semaphore_mem>>, %arg15: memref<!tpu.dma_semaphore, #tpu.memory_space<semaphore_mem>>, %arg16: memref<!tpu.dma_semaphore, #tpu.memory_space<semaphore_mem>>, %arg17: memref<!tpu.dma_semaphore, #tpu.memory_space<semaphore_mem>>) attributes {dimension_semantics = [#tpu.dimension_semantics<core_parallel>, #tpu.dimension_semantics<subcore_parallel>], iteration_bounds = array<i64: 2, 16>, scalar_prefetch = 0 : i64, scratch_operands = 12 : i64, tpu.core_type = #tpu.core_type<sc_vector_subcore>, window_params = [{transform_indices = #map}, {transform_indices = #map}, {transform_indices = #map}, {transform_indices = #map1}]} {
    %mul3A = arith.constant 16 : i32
    %mul3A_0 = arith.muli %arg0, %mul3A : i32
    %add3A = arith.addi %mul3A_0, %arg1 : i32
    %mul3A_1 = arith.constant 80 : i32
    %mul3A_2 = arith.muli %add3A, %mul3A_1 : i32
    %broadcast_in_dim3A = arith.constant 0.000000e+00 : f32
    %broadcast_in_dim3A_3 = vector.broadcast %broadcast_in_dim3A : f32 to vector<16xf32>
    %scan3A = arith.constant 0 : i32
    %scan3A_4 = arith.constant 16 : i32
    %scan3A_5 = arith.addi %scan3A, %scan3A_4 : i32
    %scan3A_6 = arith.constant 1 : i32
    scf.for %scan3A_43 = %scan3A to %scan3A_5 step %scan3A_6  : i32 {
      %mul3A_44 = arith.constant 1 : i32
      %mul3A_45 = arith.muli %scan3A_43, %mul3A_44 : i32
      %add3A_46 = arith.constant 0 : i32
      %add3A_47 = arith.addi %add3A_46, %mul3A_45 : i32
      %swap3A = arith.index_cast %add3A_47 : i32 to index
      %swap3A_48 = arith.constant 0 : index
      %swap3A_49 = tpu.vector_load %arg12[%swap3A, %swap3A_48] {strides = array<i32>} : memref<16x128xf32, #tpu.memory_space<vmem>>, vector<16xf32>,
      tpu.vector_store %arg12[%swap3A, %swap3A_48], %broadcast_in_dim3A_3 {strides = array<i32>} : memref<16x128xf32, #tpu.memory_space<vmem>>, vector<16xf32>,
      %swap3A_50 = arith.index_cast %add3A_47 : i32 to index
      %swap3A_51 = arith.constant 16 : index
      %swap3A_52 = tpu.vector_load %arg12[%swap3A_50, %swap3A_51] {strides = array<i32>} : memref<16x128xf32, #tpu.memory_space<vmem>>, vector<16xf32>,
      tpu.vector_store %arg12[%swap3A_50, %swap3A_51], %broadcast_in_dim3A_3 {strides = array<i32>} : memref<16x128xf32, #tpu.memory_space<vmem>>, vector<16xf32>,
      %swap3A_53 = arith.index_cast %add3A_47 : i32 to index
      %swap3A_54 = arith.constant 32 : index
      %swap3A_55 = tpu.vector_load %arg12[%swap3A_53, %swap3A_54] {strides = array<i32>} : memref<16x128xf32, #tpu.memory_space<vmem>>, vector<16xf32>,
      tpu.vector_store %arg12[%swap3A_53, %swap3A_54], %broadcast_in_dim3A_3 {strides = array<i32>} : memref<16x128xf32, #tpu.memory_space<vmem>>, vector<16xf32>,
      %swap3A_56 = arith.index_cast %add3A_47 : i32 to index
      %swap3A_57 = arith.constant 48 : index
      %swap3A_58 = tpu.vector_load %arg12[%swap3A_56, %swap3A_57] {strides = array<i32>} : memref<16x128xf32, #tpu.memory_space<vmem>>, vector<16xf32>,
      tpu.vector_store %arg12[%swap3A_56, %swap3A_57], %broadcast_in_dim3A_3 {strides = array<i32>} : memref<16x128xf32, #tpu.memory_space<vmem>>, vector<16xf32>,
      %swap3A_59 = arith.index_cast %add3A_47 : i32 to index
      %swap3A_60 = arith.constant 64 : index
      %swap3A_61 = tpu.vector_load %arg12[%swap3A_59, %swap3A_60] {strides = array<i32>} : memref<16x128xf32, #tpu.memory_space<vmem>>, vector<16xf32>,
      tpu.vector_store %arg12[%swap3A_59, %swap3A_60], %broadcast_in_dim3A_3 {strides = array<i32>} : memref<16x128xf32, #tpu.memory_space<vmem>>, vector<16xf32>,
      %swap3A_62 = arith.index_cast %add3A_47 : i32 to index
      %swap3A_63 = arith.constant 80 : index
      %swap3A_64 = tpu.vector_load %arg12[%swap3A_62, %swap3A_63] {strides = array<i32>} : memref<16x128xf32, #tpu.memory_space<vmem>>, vector<16xf32>,
      tpu.vector_store %arg12[%swap3A_62, %swap3A_63], %broadcast_in_dim3A_3 {strides = array<i32>} : memref<16x128xf32, #tpu.memory_space<vmem>>, vector<16xf32>,
      %swap3A_65 = arith.index_cast %add3A_47 : i32 to index
      %swap3A_66 = arith.constant 96 : index
      %swap3A_67 = tpu.vector_load %arg12[%swap3A_65, %swap3A_66] {strides = array<i32>} : memref<16x128xf32, #tpu.memory_space<vmem>>, vector<16xf32>,
      tpu.vector_store %arg12[%swap3A_65, %swap3A_66], %broadcast_in_dim3A_3 {strides = array<i32>} : memref<16x128xf32, #tpu.memory_space<vmem>>, vector<16xf32>,
      %swap3A_68 = arith.index_cast %add3A_47 : i32 to index
      %swap3A_69 = arith.constant 112 : index
      %swap3A_70 = tpu.vector_load %arg12[%swap3A_68, %swap3A_69] {strides = array<i32>} : memref<16x128xf32, #tpu.memory_space<vmem>>, vector<16xf32>,
      tpu.vector_store %arg12[%swap3A_68, %swap3A_69], %broadcast_in_dim3A_3 {strides = array<i32>} : memref<16x128xf32, #tpu.memory_space<vmem>>, vector<16xf32>,
    }
    %scan3A_7 = arith.constant 16 : i32
    "tpu.region"() ({
      %run_scoped3A_43 = tpu.sem_alloc : memref<!tpu.dma_semaphore, #tpu.memory_space<semaphore_mem>>
      %dma_start3A_44 = arith.constant 0 : i32
      %dma_start3A_45 = tpu.memref_slice %arg3[%mul3A_2, %dma_start3A_44] : memref<2640x64xi32, #tpu.memory_space<hbm>> -> memref<80x64xi32, #tpu.memory_space<hbm>>
      %dma_start3A_46 = arith.constant 0 : i32
      %dma_start3A_47 = tpu.memref_slice %arg3[%mul3A_2, %dma_start3A_46] : memref<2640x64xi32, #tpu.memory_space<hbm>> -> memref<80x64xi32, #tpu.memory_space<hbm>>
      tpu.enqueue_dma source(%dma_start3A_47 : memref<80x64xi32, #tpu.memory_space<hbm>>) target(%arg6 : memref<80x64xi32, #tpu.memory_space<vmem>>) target_semaphore(%run_scoped3A_43 : memref<!tpu.dma_semaphore, #tpu.memory_space<semaphore_mem>>)
      %dma_wait3A = arith.constant 0 : i32
      %dma_wait3A_48 = tpu.memref_slice %arg3[%mul3A_2, %dma_wait3A] : memref<2640x64xi32, #tpu.memory_space<hbm>> -> memref<80x64xi32, #tpu.memory_space<hbm>>
      %dma_wait3A_49 = arith.constant 0 : i32
      %dma_wait3A_50 = tpu.memref_slice %arg3[%mul3A_2, %dma_wait3A_49] : memref<2640x64xi32, #tpu.memory_space<hbm>> -> memref<80x64xi32, #tpu.memory_space<hbm>>
      tpu.wait_dma2 semaphore(%run_scoped3A_43 : memref<!tpu.dma_semaphore, #tpu.memory_space<semaphore_mem>>) src(%dma_wait3A_50 : memref<80x64xi32, #tpu.memory_space<hbm>>) dst(%arg6 : memref<80x64xi32, #tpu.memory_space<vmem>>)
      tpu.yield
    }) : () -> ()
    "tpu.region"() ({
      %run_scoped3A_43 = tpu.sem_alloc : memref<!tpu.dma_semaphore, #tpu.memory_space<semaphore_mem>>
      %dma_start3A_44 = arith.constant 0 : i32
      %dma_start3A_45 = tpu.memref_slice %arg4[%mul3A_2, %dma_start3A_44] : memref<2640x64xi32, #tpu.memory_space<hbm>> -> memref<80x64xi32, #tpu.memory_space<hbm>>
      %dma_start3A_46 = arith.constant 0 : i32
      %dma_start3A_47 = tpu.memref_slice %arg4[%mul3A_2, %dma_start3A_46] : memref<2640x64xi32, #tpu.memory_space<hbm>> -> memref<80x64xi32, #tpu.memory_space<hbm>>
      tpu.enqueue_dma source(%dma_start3A_47 : memref<80x64xi32, #tpu.memory_space<hbm>>) target(%arg7 : memref<80x64xi32, #tpu.memory_space<vmem>>) target_semaphore(%run_scoped3A_43 : memref<!tpu.dma_semaphore, #tpu.memory_space<semaphore_mem>>)
      %dma_wait3A = arith.constant 0 : i32
      %dma_wait3A_48 = tpu.memref_slice %arg4[%mul3A_2, %dma_wait3A] : memref<2640x64xi32, #tpu.memory_space<hbm>> -> memref<80x64xi32, #tpu.memory_space<hbm>>
      %dma_wait3A_49 = arith.constant 0 : i32
      %dma_wait3A_50 = tpu.memref_slice %arg4[%mul3A_2, %dma_wait3A_49] : memref<2640x64xi32, #tpu.memory_space<hbm>> -> memref<80x64xi32, #tpu.memory_space<hbm>>
      tpu.wait_dma2 semaphore(%run_scoped3A_43 : memref<!tpu.dma_semaphore, #tpu.memory_space<semaphore_mem>>) src(%dma_wait3A_50 : memref<80x64xi32, #tpu.memory_space<hbm>>) dst(%arg7 : memref<80x64xi32, #tpu.memory_space<vmem>>)
      tpu.yield
    }) : () -> ()
    %scan3A_8 = arith.constant 0 : i32
    %scan3A_9 = arith.constant 40 : i32
    %scan3A_10 = arith.addi %scan3A_8, %scan3A_9 : i32
    %scan3A_11 = arith.constant 1 : i32
    scf.for %scan3A_43 = %scan3A_8 to %scan3A_10 step %scan3A_11  : i32 {
      %mul3A_44 = arith.constant 1 : i32
      %mul3A_45 = arith.muli %scan3A_43, %mul3A_44 : i32
      %add3A_46 = arith.constant 0 : i32
      %add3A_47 = arith.addi %add3A_46, %mul3A_45 : i32
      %mul3A_48 = arith.constant 640 : i32
      %mul3A_49 = arith.muli %arg1, %mul3A_48 : i32
      %mul3A_50 = arith.constant 16 : i32
      %mul3A_51 = arith.muli %add3A_47, %mul3A_50 : i32
      %add3A_52 = arith.addi %mul3A_49, %mul3A_51 : i32
      "tpu.region"() ({
        %run_scoped3A_53 = tpu.sem_alloc : memref<!tpu.dma_semaphore, #tpu.memory_space<semaphore_mem>>
        %dma_start3A_54 = arith.constant 0 : i32
        %dma_start3A_55 = tpu.memref_slice %arg13[%add3A_52, %dma_start3A_54] : memref<10240x128xf32, #tpu.memory_space<vmem_shared>> -> memref<16x128xf32, #tpu.memory_space<vmem_shared>>
        %dma_start3A_56 = arith.constant 0 : i32
        %dma_start3A_57 = tpu.memref_slice %arg13[%add3A_52, %dma_start3A_56] : memref<10240x128xf32, #tpu.memory_space<vmem_shared>> -> memref<16x128xf32, #tpu.memory_space<vmem_shared>>
        tpu.enqueue_dma source(%arg12 : memref<16x128xf32, #tpu.memory_space<vmem>>) target(%dma_start3A_57 : memref<16x128xf32, #tpu.memory_space<vmem_shared>>) target_semaphore(%run_scoped3A_53 : memref<!tpu.dma_semaphore, #tpu.memory_space<semaphore_mem>>)
        %dma_wait3A = arith.constant 0 : i32
        %dma_wait3A_58 = tpu.memref_slice %arg13[%add3A_52, %dma_wait3A] : memref<10240x128xf32, #tpu.memory_space<vmem_shared>> -> memref<16x128xf32, #tpu.memory_space<vmem_shared>>
        %dma_wait3A_59 = arith.constant 0 : i32
        %dma_wait3A_60 = tpu.memref_slice %arg13[%add3A_52, %dma_wait3A_59] : memref<10240x128xf32, #tpu.memory_space<vmem_shared>> -> memref<16x128xf32, #tpu.memory_space<vmem_shared>>
        tpu.wait_dma2 semaphore(%run_scoped3A_53 : memref<!tpu.dma_semaphore, #tpu.memory_space<semaphore_mem>>) src(%arg12 : memref<16x128xf32, #tpu.memory_space<vmem>>) dst(%dma_wait3A_60 : memref<16x128xf32, #tpu.memory_space<vmem_shared>>)
        tpu.yield
      }) : () -> ()
    }
    %scan3A_12 = arith.constant 40 : i32
    %barrier3A = arith.constant 0 : index
    tpu.barrier barrier_id(%barrier3A)
    %dma_start3A = arith.constant 0 : i32
    %dma_start3A_13 = arith.constant 0 : i32
    %dma_start3A_14 = tpu.memref_slice %arg6[%dma_start3A, %dma_start3A_13] : memref<80x64xi32, #tpu.memory_space<vmem>> -> memref<1x64xi32, #tpu.memory_space<vmem>>
    %dma_start3A_15 = tpu.memref_squeeze %dma_start3A_14 : memref<1x64xi32, #tpu.memory_space<vmem>> -> memref<64xi32, #tpu.memory_space<vmem>>
    %dma_start3A_16 = arith.constant 0 : i32
    %dma_start3A_17 = arith.constant 0 : i32
    %dma_start3A_18 = tpu.memref_slice %arg2[%dma_start3A_16, %dma_start3A_17] : memref<10000x128xf32, #tpu.memory_space<hbm>> -> memref<10000x128xf32, #tpu.memory_space<hbm>>
    tpu.enqueue_indirect_dma source(%dma_start3A_18 : memref<10000x128xf32, #tpu.memory_space<hbm>>) target(%arg8 : memref<64x128xf32, #tpu.memory_space<vmem>>) offsets(%dma_start3A_15 : memref<64xi32, #tpu.memory_space<vmem>>) semaphore(%arg14 : memref<!tpu.dma_semaphore, #tpu.memory_space<semaphore_mem>>)
    %dma_start3A_19 = arith.constant 1 : i32
    %dma_start3A_20 = arith.constant 0 : i32
    %dma_start3A_21 = tpu.memref_slice %arg6[%dma_start3A_19, %dma_start3A_20] : memref<80x64xi32, #tpu.memory_space<vmem>> -> memref<1x64xi32, #tpu.memory_space<vmem>>
    %dma_start3A_22 = tpu.memref_squeeze %dma_start3A_21 : memref<1x64xi32, #tpu.memory_space<vmem>> -> memref<64xi32, #tpu.memory_space<vmem>>
    %dma_start3A_23 = arith.constant 0 : i32
    %dma_start3A_24 = arith.constant 0 : i32
    %dma_start3A_25 = tpu.memref_slice %arg2[%dma_start3A_23, %dma_start3A_24] : memref<10000x128xf32, #tpu.memory_space<hbm>> -> memref<10000x128xf32, #tpu.memory_space<hbm>>
    tpu.enqueue_indirect_dma source(%dma_start3A_25 : memref<10000x128xf32, #tpu.memory_space<hbm>>) target(%arg9 : memref<64x128xf32, #tpu.memory_space<vmem>>) offsets(%dma_start3A_22 : memref<64xi32, #tpu.memory_space<vmem>>) semaphore(%arg15 : memref<!tpu.dma_semaphore, #tpu.memory_space<semaphore_mem>>)
    %dma_start3A_26 = arith.constant 2 : i32
    %dma_start3A_27 = arith.constant 0 : i32
    %dma_start3A_28 = tpu.memref_slice %arg6[%dma_start3A_26, %dma_start3A_27] : memref<80x64xi32, #tpu.memory_space<vmem>> -> memref<1x64xi32, #tpu.memory_space<vmem>>
    %dma_start3A_29 = tpu.memref_squeeze %dma_start3A_28 : memref<1x64xi32, #tpu.memory_space<vmem>> -> memref<64xi32, #tpu.memory_space<vmem>>
    %dma_start3A_30 = arith.constant 0 : i32
    %dma_start3A_31 = arith.constant 0 : i32
    %dma_start3A_32 = tpu.memref_slice %arg2[%dma_start3A_30, %dma_start3A_31] : memref<10000x128xf32, #tpu.memory_space<hbm>> -> memref<10000x128xf32, #tpu.memory_space<hbm>>
    tpu.enqueue_indirect_dma source(%dma_start3A_32 : memref<10000x128xf32, #tpu.memory_space<hbm>>) target(%arg10 : memref<64x128xf32, #tpu.memory_space<vmem>>) offsets(%dma_start3A_29 : memref<64xi32, #tpu.memory_space<vmem>>) semaphore(%arg16 : memref<!tpu.dma_semaphore, #tpu.memory_space<semaphore_mem>>)
    %scan3A_33 = arith.constant 0 : i32
    %scan3A_34 = arith.constant 20 : i32
    %scan3A_35 = arith.addi %scan3A_33, %scan3A_34 : i32
    %scan3A_36 = arith.constant 1 : i32
    scf.for %scan3A_43 = %scan3A_33 to %scan3A_35 step %scan3A_36  : i32 {
      %mul3A_44 = arith.constant 4 : i32
      %mul3A_45 = arith.muli %scan3A_43, %mul3A_44 : i32
      %add3A_46 = arith.constant 0 : i32
      %add3A_47 = arith.addi %add3A_46, %mul3A_45 : i32
      %add3A_48 = arith.constant 0 : i32
      %add3A_49 = arith.addi %add3A_47, %add3A_48 : i32
      %lt3A = arith.constant 80 : i32
      %lt3A_50 = arith.cmpi slt, %add3A_49, %lt3A : i32
      %convert_element_type3A = arith.extui %lt3A_50 : i1 to i32
      %cond3A = arith.constant 0 : i32
      %cond3A_51 = arith.cmpi ne, %convert_element_type3A, %cond3A : i32
      scf.if %cond3A_51 {
        %dma_wait3A = arith.constant 0 : i32
        %dma_wait3A_73 = tpu.memref_slice %arg6[%add3A_49, %dma_wait3A] : memref<80x64xi32, #tpu.memory_space<vmem>> -> memref<1x64xi32, #tpu.memory_space<vmem>>
        %dma_wait3A_74 = tpu.memref_squeeze %dma_wait3A_73 : memref<1x64xi32, #tpu.memory_space<vmem>> -> memref<64xi32, #tpu.memory_space<vmem>>
        %dma_wait3A_75 = arith.constant 0 : i32
        %dma_wait3A_76 = arith.constant 0 : i32
        %dma_wait3A_77 = tpu.memref_slice %arg2[%dma_wait3A_75, %dma_wait3A_76] : memref<10000x128xf32, #tpu.memory_space<hbm>> -> memref<10000x128xf32, #tpu.memory_space<hbm>>
        tpu.wait_indirect_dma semaphore(%arg14 : memref<!tpu.dma_semaphore, #tpu.memory_space<semaphore_mem>>) src(%dma_wait3A_77 : memref<10000x128xf32, #tpu.memory_space<hbm>>) dst(%arg8 : memref<64x128xf32, #tpu.memory_space<vmem>>)
        "tpu.region"() ({
          %run_scoped3A_85 = tpu.sem_alloc : memref<!tpu.dma_semaphore, #tpu.memory_space<semaphore_mem>>
          %dma_start3A_86 = arith.constant 0 : i32
          %dma_start3A_87 = tpu.memref_slice %arg7[%add3A_49, %dma_start3A_86] : memref<80x64xi32, #tpu.memory_space<vmem>> -> memref<1x64xi32, #tpu.memory_space<vmem>>
          %dma_start3A_88 = tpu.memref_squeeze %dma_start3A_87 : memref<1x64xi32, #tpu.memory_space<vmem>> -> memref<64xi32, #tpu.memory_space<vmem>>
          %dma_start3A_89 = arith.constant 0 : i32
          %dma_start3A_90 = arith.constant 0 : i32
          %dma_start3A_91 = tpu.memref_slice %arg13[%dma_start3A_89, %dma_start3A_90] : memref<10240x128xf32, #tpu.memory_space<vmem_shared>> -> memref<10240x128xf32, #tpu.memory_space<vmem_shared>>
          tpu.enqueue_indirect_dma source(%arg8 : memref<64x128xf32, #tpu.memory_space<vmem>>) target(%dma_start3A_91 : memref<10240x128xf32, #tpu.memory_space<vmem_shared>>) offsets(%dma_start3A_88 : memref<64xi32, #tpu.memory_space<vmem>>) semaphore(%run_scoped3A_85 : memref<!tpu.dma_semaphore, #tpu.memory_space<semaphore_mem>>) {add = true}
          %dma_wait3A_92 = arith.constant 0 : i32
          %dma_wait3A_93 = tpu.memref_slice %arg7[%add3A_49, %dma_wait3A_92] : memref<80x64xi32, #tpu.memory_space<vmem>> -> memref<1x64xi32, #tpu.memory_space<vmem>>
          %dma_wait3A_94 = tpu.memref_squeeze %dma_wait3A_93 : memref<1x64xi32, #tpu.memory_space<vmem>> -> memref<64xi32, #tpu.memory_space<vmem>>
          %dma_wait3A_95 = arith.constant 0 : i32
          %dma_wait3A_96 = arith.constant 0 : i32
          %dma_wait3A_97 = tpu.memref_slice %arg13[%dma_wait3A_95, %dma_wait3A_96] : memref<10240x128xf32, #tpu.memory_space<vmem_shared>> -> memref<10240x128xf32, #tpu.memory_space<vmem_shared>>
          tpu.wait_indirect_dma semaphore(%run_scoped3A_85 : memref<!tpu.dma_semaphore, #tpu.memory_space<semaphore_mem>>) src(%arg8 : memref<64x128xf32, #tpu.memory_space<vmem>>) dst(%dma_wait3A_97 : memref<10240x128xf32, #tpu.memory_space<vmem_shared>>)
          tpu.yield
        }) : () -> ()
        %add3A_78 = arith.constant 3 : i32
        %add3A_79 = arith.addi %add3A_49, %add3A_78 : i32
        %lt3A_80 = arith.constant 80 : i32
        %lt3A_81 = arith.cmpi slt, %add3A_79, %lt3A_80 : i32
        %convert_element_type3A_82 = arith.extui %lt3A_81 : i1 to i32
        %cond3A_83 = arith.constant 0 : i32
        %cond3A_84 = arith.cmpi ne, %convert_element_type3A_82, %cond3A_83 : i32
        scf.if %cond3A_84 {
          %add3A_85 = arith.constant 3 : i32
          %add3A_86 = arith.addi %add3A_49, %add3A_85 : i32
          %dma_start3A_87 = arith.constant 0 : i32
          %dma_start3A_88 = tpu.memref_slice %arg6[%add3A_86, %dma_start3A_87] : memref<80x64xi32, #tpu.memory_space<vmem>> -> memref<1x64xi32, #tpu.memory_space<vmem>>
          %dma_start3A_89 = tpu.memref_squeeze %dma_start3A_88 : memref<1x64xi32, #tpu.memory_space<vmem>> -> memref<64xi32, #tpu.memory_space<vmem>>
          %dma_start3A_90 = arith.constant 0 : i32
          %dma_start3A_91 = arith.constant 0 : i32
          %dma_start3A_92 = tpu.memref_slice %arg2[%dma_start3A_90, %dma_start3A_91] : memref<10000x128xf32, #tpu.memory_space<hbm>> -> memref<10000x128xf32, #tpu.memory_space<hbm>>
          tpu.enqueue_indirect_dma source(%dma_start3A_92 : memref<10000x128xf32, #tpu.memory_space<hbm>>) target(%arg11 : memref<64x128xf32, #tpu.memory_space<vmem>>) offsets(%dma_start3A_89 : memref<64xi32, #tpu.memory_space<vmem>>) semaphore(%arg17 : memref<!tpu.dma_semaphore, #tpu.memory_space<semaphore_mem>>)
        } else {
        }
      } else {
      }
      %add3A_52 = arith.constant 1 : i32
      %add3A_53 = arith.addi %add3A_47, %add3A_52 : i32
      %lt3A_54 = arith.constant 80 : i32
      %lt3A_55 = arith.cmpi slt, %add3A_53, %lt3A_54 : i32
      %convert_element_type3A_56 = arith.extui %lt3A_55 : i1 to i32
      %cond3A_57 = arith.constant 0 : i32
      %cond3A_58 = arith.cmpi ne, %convert_element_type3A_56, %cond3A_57 : i32
      scf.if %cond3A_58 {
        %dma_wait3A = arith.constant 0 : i32
        %dma_wait3A_73 = tpu.memref_slice %arg6[%add3A_53, %dma_wait3A] : memref<80x64xi32, #tpu.memory_space<vmem>> -> memref<1x64xi32, #tpu.memory_space<vmem>>
        %dma_wait3A_74 = tpu.memref_squeeze %dma_wait3A_73 : memref<1x64xi32, #tpu.memory_space<vmem>> -> memref<64xi32, #tpu.memory_space<vmem>>
        %dma_wait3A_75 = arith.constant 0 : i32
        %dma_wait3A_76 = arith.constant 0 : i32
        %dma_wait3A_77 = tpu.memref_slice %arg2[%dma_wait3A_75, %dma_wait3A_76] : memref<10000x128xf32, #tpu.memory_space<hbm>> -> memref<10000x128xf32, #tpu.memory_space<hbm>>
        tpu.wait_indirect_dma semaphore(%arg15 : memref<!tpu.dma_semaphore, #tpu.memory_space<semaphore_mem>>) src(%dma_wait3A_77 : memref<10000x128xf32, #tpu.memory_space<hbm>>) dst(%arg9 : memref<64x128xf32, #tpu.memory_space<vmem>>)
        "tpu.region"() ({
          %run_scoped3A_85 = tpu.sem_alloc : memref<!tpu.dma_semaphore, #tpu.memory_space<semaphore_mem>>
          %dma_start3A_86 = arith.constant 0 : i32
          %dma_start3A_87 = tpu.memref_slice %arg7[%add3A_53, %dma_start3A_86] : memref<80x64xi32, #tpu.memory_space<vmem>> -> memref<1x64xi32, #tpu.memory_space<vmem>>
          %dma_start3A_88 = tpu.memref_squeeze %dma_start3A_87 : memref<1x64xi32, #tpu.memory_space<vmem>> -> memref<64xi32, #tpu.memory_space<vmem>>
          %dma_start3A_89 = arith.constant 0 : i32
          %dma_start3A_90 = arith.constant 0 : i32
          %dma_start3A_91 = tpu.memref_slice %arg13[%dma_start3A_89, %dma_start3A_90] : memref<10240x128xf32, #tpu.memory_space<vmem_shared>> -> memref<10240x128xf32, #tpu.memory_space<vmem_shared>>
          tpu.enqueue_indirect_dma source(%arg9 : memref<64x128xf32, #tpu.memory_space<vmem>>) target(%dma_start3A_91 : memref<10240x128xf32, #tpu.memory_space<vmem_shared>>) offsets(%dma_start3A_88 : memref<64xi32, #tpu.memory_space<vmem>>) semaphore(%run_scoped3A_85 : memref<!tpu.dma_semaphore, #tpu.memory_space<semaphore_mem>>) {add = true}
          %dma_wait3A_92 = arith.constant 0 : i32
          %dma_wait3A_93 = tpu.memref_slice %arg7[%add3A_53, %dma_wait3A_92] : memref<80x64xi32, #tpu.memory_space<vmem>> -> memref<1x64xi32, #tpu.memory_space<vmem>>
          %dma_wait3A_94 = tpu.memref_squeeze %dma_wait3A_93 : memref<1x64xi32, #tpu.memory_space<vmem>> -> memref<64xi32, #tpu.memory_space<vmem>>
          %dma_wait3A_95 = arith.constant 0 : i32
          %dma_wait3A_96 = arith.constant 0 : i32
          %dma_wait3A_97 = tpu.memref_slice %arg13[%dma_wait3A_95, %dma_wait3A_96] : memref<10240x128xf32, #tpu.memory_space<vmem_shared>> -> memref<10240x128xf32, #tpu.memory_space<vmem_shared>>
          tpu.wait_indirect_dma semaphore(%run_scoped3A_85 : memref<!tpu.dma_semaphore, #tpu.memory_space<semaphore_mem>>) src(%arg9 : memref<64x128xf32, #tpu.memory_space<vmem>>) dst(%dma_wait3A_97 : memref<10240x128xf32, #tpu.memory_space<vmem_shared>>)
          tpu.yield
        }) : () -> ()
        %add3A_78 = arith.constant 3 : i32
        %add3A_79 = arith.addi %add3A_53, %add3A_78 : i32
        %lt3A_80 = arith.constant 80 : i32
        %lt3A_81 = arith.cmpi slt, %add3A_79, %lt3A_80 : i32
        %convert_element_type3A_82 = arith.extui %lt3A_81 : i1 to i32
        %cond3A_83 = arith.constant 0 : i32
        %cond3A_84 = arith.cmpi ne, %convert_element_type3A_82, %cond3A_83 : i32
        scf.if %cond3A_84 {
          %add3A_85 = arith.constant 3 : i32
          %add3A_86 = arith.addi %add3A_53, %add3A_85 : i32
          %dma_start3A_87 = arith.constant 0 : i32
          %dma_start3A_88 = tpu.memref_slice %arg6[%add3A_86, %dma_start3A_87] : memref<80x64xi32, #tpu.memory_space<vmem>> -> memref<1x64xi32, #tpu.memory_space<vmem>>
          %dma_start3A_89 = tpu.memref_squeeze %dma_start3A_88 : memref<1x64xi32, #tpu.memory_space<vmem>> -> memref<64xi32, #tpu.memory_space<vmem>>
          %dma_start3A_90 = arith.constant 0 : i32
          %dma_start3A_91 = arith.constant 0 : i32
          %dma_start3A_92 = tpu.memref_slice %arg2[%dma_start3A_90, %dma_start3A_91] : memref<10000x128xf32, #tpu.memory_space<hbm>> -> memref<10000x128xf32, #tpu.memory_space<hbm>>
          tpu.enqueue_indirect_dma source(%dma_start3A_92 : memref<10000x128xf32, #tpu.memory_space<hbm>>) target(%arg8 : memref<64x128xf32, #tpu.memory_space<vmem>>) offsets(%dma_start3A_89 : memref<64xi32, #tpu.memory_space<vmem>>) semaphore(%arg14 : memref<!tpu.dma_semaphore, #tpu.memory_space<semaphore_mem>>)
        } else {
        }
      } else {
      }
      %add3A_59 = arith.constant 2 : i32
      %add3A_60 = arith.addi %add3A_47, %add3A_59 : i32
      %lt3A_61 = arith.constant 80 : i32
      %lt3A_62 = arith.cmpi slt, %add3A_60, %lt3A_61 : i32
      %convert_element_type3A_63 = arith.extui %lt3A_62 : i1 to i32
      %cond3A_64 = arith.constant 0 : i32
      %cond3A_65 = arith.cmpi ne, %convert_element_type3A_63, %cond3A_64 : i32
      scf.if %cond3A_65 {
        %dma_wait3A = arith.constant 0 : i32
        %dma_wait3A_73 = tpu.memref_slice %arg6[%add3A_60, %dma_wait3A] : memref<80x64xi32, #tpu.memory_space<vmem>> -> memref<1x64xi32, #tpu.memory_space<vmem>>
        %dma_wait3A_74 = tpu.memref_squeeze %dma_wait3A_73 : memref<1x64xi32, #tpu.memory_space<vmem>> -> memref<64xi32, #tpu.memory_space<vmem>>
        %dma_wait3A_75 = arith.constant 0 : i32
        %dma_wait3A_76 = arith.constant 0 : i32
        %dma_wait3A_77 = tpu.memref_slice %arg2[%dma_wait3A_75, %dma_wait3A_76] : memref<10000x128xf32, #tpu.memory_space<hbm>> -> memref<10000x128xf32, #tpu.memory_space<hbm>>
        tpu.wait_indirect_dma semaphore(%arg16 : memref<!tpu.dma_semaphore, #tpu.memory_space<semaphore_mem>>) src(%dma_wait3A_77 : memref<10000x128xf32, #tpu.memory_space<hbm>>) dst(%arg10 : memref<64x128xf32, #tpu.memory_space<vmem>>)
        "tpu.region"() ({
          %run_scoped3A_85 = tpu.sem_alloc : memref<!tpu.dma_semaphore, #tpu.memory_space<semaphore_mem>>
          %dma_start3A_86 = arith.constant 0 : i32
          %dma_start3A_87 = tpu.memref_slice %arg7[%add3A_60, %dma_start3A_86] : memref<80x64xi32, #tpu.memory_space<vmem>> -> memref<1x64xi32, #tpu.memory_space<vmem>>
          %dma_start3A_88 = tpu.memref_squeeze %dma_start3A_87 : memref<1x64xi32, #tpu.memory_space<vmem>> -> memref<64xi32, #tpu.memory_space<vmem>>
          %dma_start3A_89 = arith.constant 0 : i32
          %dma_start3A_90 = arith.constant 0 : i32
          %dma_start3A_91 = tpu.memref_slice %arg13[%dma_start3A_89, %dma_start3A_90] : memref<10240x128xf32, #tpu.memory_space<vmem_shared>> -> memref<10240x128xf32, #tpu.memory_space<vmem_shared>>
          tpu.enqueue_indirect_dma source(%arg10 : memref<64x128xf32, #tpu.memory_space<vmem>>) target(%dma_start3A_91 : memref<10240x128xf32, #tpu.memory_space<vmem_shared>>) offsets(%dma_start3A_88 : memref<64xi32, #tpu.memory_space<vmem>>) semaphore(%run_scoped3A_85 : memref<!tpu.dma_semaphore, #tpu.memory_space<semaphore_mem>>) {add = true}
          %dma_wait3A_92 = arith.constant 0 : i32
          %dma_wait3A_93 = tpu.memref_slice %arg7[%add3A_60, %dma_wait3A_92] : memref<80x64xi32, #tpu.memory_space<vmem>> -> memref<1x64xi32, #tpu.memory_space<vmem>>
          %dma_wait3A_94 = tpu.memref_squeeze %dma_wait3A_93 : memref<1x64xi32, #tpu.memory_space<vmem>> -> memref<64xi32, #tpu.memory_space<vmem>>
          %dma_wait3A_95 = arith.constant 0 : i32
          %dma_wait3A_96 = arith.constant 0 : i32
          %dma_wait3A_97 = tpu.memref_slice %arg13[%dma_wait3A_95, %dma_wait3A_96] : memref<10240x128xf32, #tpu.memory_space<vmem_shared>> -> memref<10240x128xf32, #tpu.memory_space<vmem_shared>>
          tpu.wait_indirect_dma semaphore(%run_scoped3A_85 : memref<!tpu.dma_semaphore, #tpu.memory_space<semaphore_mem>>) src(%arg10 : memref<64x128xf32, #tpu.memory_space<vmem>>) dst(%dma_wait3A_97 : memref<10240x128xf32, #tpu.memory_space<vmem_shared>>)
          tpu.yield
        }) : () -> ()
        %add3A_78 = arith.constant 3 : i32
        %add3A_79 = arith.addi %add3A_60, %add3A_78 : i32
        %lt3A_80 = arith.constant 80 : i32
        %lt3A_81 = arith.cmpi slt, %add3A_79, %lt3A_80 : i32
        %convert_element_type3A_82 = arith.extui %lt3A_81 : i1 to i32
        %cond3A_83 = arith.constant 0 : i32
        %cond3A_84 = arith.cmpi ne, %convert_element_type3A_82, %cond3A_83 : i32
        scf.if %cond3A_84 {
          %add3A_85 = arith.constant 3 : i32
          %add3A_86 = arith.addi %add3A_60, %add3A_85 : i32
          %dma_start3A_87 = arith.constant 0 : i32
          %dma_start3A_88 = tpu.memref_slice %arg6[%add3A_86, %dma_start3A_87] : memref<80x64xi32, #tpu.memory_space<vmem>> -> memref<1x64xi32, #tpu.memory_space<vmem>>
          %dma_start3A_89 = tpu.memref_squeeze %dma_start3A_88 : memref<1x64xi32, #tpu.memory_space<vmem>> -> memref<64xi32, #tpu.memory_space<vmem>>
          %dma_start3A_90 = arith.constant 0 : i32
          %dma_start3A_91 = arith.constant 0 : i32
          %dma_start3A_92 = tpu.memref_slice %arg2[%dma_start3A_90, %dma_start3A_91] : memref<10000x128xf32, #tpu.memory_space<hbm>> -> memref<10000x128xf32, #tpu.memory_space<hbm>>
          tpu.enqueue_indirect_dma source(%dma_start3A_92 : memref<10000x128xf32, #tpu.memory_space<hbm>>) target(%arg9 : memref<64x128xf32, #tpu.memory_space<vmem>>) offsets(%dma_start3A_89 : memref<64xi32, #tpu.memory_space<vmem>>) semaphore(%arg15 : memref<!tpu.dma_semaphore, #tpu.memory_space<semaphore_mem>>)
        } else {
        }
      } else {
      }
      %add3A_66 = arith.constant 3 : i32
      %add3A_67 = arith.addi %add3A_47, %add3A_66 : i32
      %lt3A_68 = arith.constant 80 : i32
      %lt3A_69 = arith.cmpi slt, %add3A_67, %lt3A_68 : i32
      %convert_element_type3A_70 = arith.extui %lt3A_69 : i1 to i32
      %cond3A_71 = arith.constant 0 : i32
      %cond3A_72 = arith.cmpi ne, %convert_element_type3A_70, %cond3A_71 : i32
      scf.if %cond3A_72 {
        %dma_wait3A = arith.constant 0 : i32
        %dma_wait3A_73 = tpu.memref_slice %arg6[%add3A_67, %dma_wait3A] : memref<80x64xi32, #tpu.memory_space<vmem>> -> memref<1x64xi32, #tpu.memory_space<vmem>>
        %dma_wait3A_74 = tpu.memref_squeeze %dma_wait3A_73 : memref<1x64xi32, #tpu.memory_space<vmem>> -> memref<64xi32, #tpu.memory_space<vmem>>
        %dma_wait3A_75 = arith.constant 0 : i32
        %dma_wait3A_76 = arith.constant 0 : i32
        %dma_wait3A_77 = tpu.memref_slice %arg2[%dma_wait3A_75, %dma_wait3A_76] : memref<10000x128xf32, #tpu.memory_space<hbm>> -> memref<10000x128xf32, #tpu.memory_space<hbm>>
        tpu.wait_indirect_dma semaphore(%arg17 : memref<!tpu.dma_semaphore, #tpu.memory_space<semaphore_mem>>) src(%dma_wait3A_77 : memref<10000x128xf32, #tpu.memory_space<hbm>>) dst(%arg11 : memref<64x128xf32, #tpu.memory_space<vmem>>)
        "tpu.region"() ({
          %run_scoped3A_85 = tpu.sem_alloc : memref<!tpu.dma_semaphore, #tpu.memory_space<semaphore_mem>>
          %dma_start3A_86 = arith.constant 0 : i32
          %dma_start3A_87 = tpu.memref_slice %arg7[%add3A_67, %dma_start3A_86] : memref<80x64xi32, #tpu.memory_space<vmem>> -> memref<1x64xi32, #tpu.memory_space<vmem>>
          %dma_start3A_88 = tpu.memref_squeeze %dma_start3A_87 : memref<1x64xi32, #tpu.memory_space<vmem>> -> memref<64xi32, #tpu.memory_space<vmem>>
          %dma_start3A_89 = arith.constant 0 : i32
          %dma_start3A_90 = arith.constant 0 : i32
          %dma_start3A_91 = tpu.memref_slice %arg13[%dma_start3A_89, %dma_start3A_90] : memref<10240x128xf32, #tpu.memory_space<vmem_shared>> -> memref<10240x128xf32, #tpu.memory_space<vmem_shared>>
          tpu.enqueue_indirect_dma source(%arg11 : memref<64x128xf32, #tpu.memory_space<vmem>>) target(%dma_start3A_91 : memref<10240x128xf32, #tpu.memory_space<vmem_shared>>) offsets(%dma_start3A_88 : memref<64xi32, #tpu.memory_space<vmem>>) semaphore(%run_scoped3A_85 : memref<!tpu.dma_semaphore, #tpu.memory_space<semaphore_mem>>) {add = true}
          %dma_wait3A_92 = arith.constant 0 : i32
          %dma_wait3A_93 = tpu.memref_slice %arg7[%add3A_67, %dma_wait3A_92] : memref<80x64xi32, #tpu.memory_space<vmem>> -> memref<1x64xi32, #tpu.memory_space<vmem>>
          %dma_wait3A_94 = tpu.memref_squeeze %dma_wait3A_93 : memref<1x64xi32, #tpu.memory_space<vmem>> -> memref<64xi32, #tpu.memory_space<vmem>>
          %dma_wait3A_95 = arith.constant 0 : i32
          %dma_wait3A_96 = arith.constant 0 : i32
          %dma_wait3A_97 = tpu.memref_slice %arg13[%dma_wait3A_95, %dma_wait3A_96] : memref<10240x128xf32, #tpu.memory_space<vmem_shared>> -> memref<10240x128xf32, #tpu.memory_space<vmem_shared>>
          tpu.wait_indirect_dma semaphore(%run_scoped3A_85 : memref<!tpu.dma_semaphore, #tpu.memory_space<semaphore_mem>>) src(%arg11 : memref<64x128xf32, #tpu.memory_space<vmem>>) dst(%dma_wait3A_97 : memref<10240x128xf32, #tpu.memory_space<vmem_shared>>)
          tpu.yield
        }) : () -> ()
        %add3A_78 = arith.constant 3 : i32
        %add3A_79 = arith.addi %add3A_67, %add3A_78 : i32
        %lt3A_80 = arith.constant 80 : i32
        %lt3A_81 = arith.cmpi slt, %add3A_79, %lt3A_80 : i32
        %convert_element_type3A_82 = arith.extui %lt3A_81 : i1 to i32
        %cond3A_83 = arith.constant 0 : i32
        %cond3A_84 = arith.cmpi ne, %convert_element_type3A_82, %cond3A_83 : i32
        scf.if %cond3A_84 {
          %add3A_85 = arith.constant 3 : i32
          %add3A_86 = arith.addi %add3A_67, %add3A_85 : i32
          %dma_start3A_87 = arith.constant 0 : i32
          %dma_start3A_88 = tpu.memref_slice %arg6[%add3A_86, %dma_start3A_87] : memref<80x64xi32, #tpu.memory_space<vmem>> -> memref<1x64xi32, #tpu.memory_space<vmem>>
          %dma_start3A_89 = tpu.memref_squeeze %dma_start3A_88 : memref<1x64xi32, #tpu.memory_space<vmem>> -> memref<64xi32, #tpu.memory_space<vmem>>
          %dma_start3A_90 = arith.constant 0 : i32
          %dma_start3A_91 = arith.constant 0 : i32
          %dma_start3A_92 = tpu.memref_slice %arg2[%dma_start3A_90, %dma_start3A_91] : memref<10000x128xf32, #tpu.memory_space<hbm>> -> memref<10000x128xf32, #tpu.memory_space<hbm>>
          tpu.enqueue_indirect_dma source(%dma_start3A_92 : memref<10000x128xf32, #tpu.memory_space<hbm>>) target(%arg10 : memref<64x128xf32, #tpu.memory_space<vmem>>) offsets(%dma_start3A_89 : memref<64xi32, #tpu.memory_space<vmem>>) semaphore(%arg16 : memref<!tpu.dma_semaphore, #tpu.memory_space<semaphore_mem>>)
        } else {
        }
      } else {
      }
    }
    %scan3A_37 = arith.constant 20 : i32
    %barrier3A_38 = arith.constant 0 : index
    tpu.barrier barrier_id(%barrier3A_38)
    %mul3A_39 = arith.constant 625 : i32
    %mul3A_40 = arith.muli %arg1, %mul3A_39 : i32
    %mul3A_41 = arith.constant 625 : i32
    %mul3A_42 = arith.muli %arg1, %mul3A_41 : i32
    %run_scoped3A = arith.constant 0 : i32
    "tpu.region"() ({
      %run_scoped3A_43 = tpu.sem_alloc : memref<!tpu.dma_semaphore, #tpu.memory_space<semaphore_mem>>
      %dma_start3A_44 = arith.constant 0 : i32
      %dma_start3A_45 = tpu.memref_slice %arg5[%run_scoped3A, %arg0, %mul3A_42, %dma_start3A_44] : memref<1x2x10000x128xf32, #tpu.memory_space<hbm>> -> memref<1x1x625x128xf32, #tpu.memory_space<hbm>>
      %dma_start3A_46 = tpu.memref_squeeze %dma_start3A_45 : memref<1x1x625x128xf32, #tpu.memory_space<hbm>> -> memref<625x128xf32, #tpu.memory_space<hbm>>
      %dma_start3A_47 = arith.constant 0 : i32
      %dma_start3A_48 = tpu.memref_slice %arg13[%mul3A_40, %dma_start3A_47] : memref<10240x128xf32, #tpu.memory_space<vmem_shared>> -> memref<625x128xf32, #tpu.memory_space<vmem_shared>>
      tpu.enqueue_dma source(%dma_start3A_48 : memref<625x128xf32, #tpu.memory_space<vmem_shared>>) target(%dma_start3A_46 : memref<625x128xf32, #tpu.memory_space<hbm>>) target_semaphore(%run_scoped3A_43 : memref<!tpu.dma_semaphore, #tpu.memory_space<semaphore_mem>>)
      %dma_wait3A = arith.constant 0 : i32
      %dma_wait3A_49 = tpu.memref_slice %arg5[%run_scoped3A, %arg0, %mul3A_42, %dma_wait3A] : memref<1x2x10000x128xf32, #tpu.memory_space<hbm>> -> memref<1x1x625x128xf32, #tpu.memory_space<hbm>>
      %dma_wait3A_50 = tpu.memref_squeeze %dma_wait3A_49 : memref<1x1x625x128xf32, #tpu.memory_space<hbm>> -> memref<625x128xf32, #tpu.memory_space<hbm>>
      %dma_wait3A_51 = arith.constant 0 : i32
      %dma_wait3A_52 = tpu.memref_slice %arg13[%mul3A_40, %dma_wait3A_51] : memref<10240x128xf32, #tpu.memory_space<vmem_shared>> -> memref<625x128xf32, #tpu.memory_space<vmem_shared>>
      tpu.wait_dma2 semaphore(%run_scoped3A_43 : memref<!tpu.dma_semaphore, #tpu.memory_space<semaphore_mem>>) src(%dma_wait3A_52 : memref<625x128xf32, #tpu.memory_space<vmem_shared>>) dst(%dma_wait3A_50 : memref<625x128xf32, #tpu.memory_space<hbm>>)
      tpu.yield
    }) : () -> ()
    return
  }
}

#map = affine_map<(d0, d1) -> (0, 0)>
#map1 = affine_map<(d0, d1) -> (0, 0, 0, 0)>
module attributes {stable_mosaic.version = 14 : i64} {
  func.func @body(%arg0: i32, %arg1: i32, %arg2: memref<10000x128xf32, #tpu.memory_space<hbm>>, %arg3: memref<10000x128xf32, #tpu.memory_space<hbm>>, %arg4: memref<2640x64xi32, #tpu.memory_space<hbm>>, %arg5: memref<2640x64xi32, #tpu.memory_space<hbm>>, %arg6: memref<2x2x10000x128xf32, #tpu.memory_space<hbm>>, %arg7: memref<80x64xi32, #tpu.memory_space<vmem>>, %arg8: memref<80x64xi32, #tpu.memory_space<vmem>>, %arg9: memref<64x128xf32, #tpu.memory_space<vmem>>, %arg10: memref<64x128xf32, #tpu.memory_space<vmem>>, %arg11: memref<64x128xf32, #tpu.memory_space<vmem>>, %arg12: memref<64x128xf32, #tpu.memory_space<vmem>>, %arg13: memref<16x128xf32, #tpu.memory_space<vmem>>, %arg14: memref<10240x128xf32, #tpu.memory_space<vmem_shared>>, %arg15: memref<!tpu.dma_semaphore, #tpu.memory_space<semaphore_mem>>, %arg16: memref<!tpu.dma_semaphore, #tpu.memory_space<semaphore_mem>>, %arg17: memref<!tpu.dma_semaphore, #tpu.memory_space<semaphore_mem>>, %arg18: memref<!tpu.dma_semaphore, #tpu.memory_space<semaphore_mem>>) attributes {dimension_semantics = [#tpu.dimension_semantics<core_parallel>, #tpu.dimension_semantics<subcore_parallel>], iteration_bounds = array<i64: 2, 16>, scalar_prefetch = 0 : i64, scratch_operands = 12 : i64, tpu.core_type = #tpu.core_type<sc_vector_subcore>, window_params = [{transform_indices = #map}, {transform_indices = #map}, {transform_indices = #map}, {transform_indices = #map}, {transform_indices = #map1}]} {
    %mul3A = arith.constant 16 : i32
    %mul3A_0 = arith.muli %arg0, %mul3A : i32
    %add3A = arith.addi %mul3A_0, %arg1 : i32
    %mul3A_1 = arith.constant 80 : i32
    %mul3A_2 = arith.muli %add3A, %mul3A_1 : i32
    %broadcast_in_dim3A = arith.constant 0.000000e+00 : f32
    %broadcast_in_dim3A_3 = vector.broadcast %broadcast_in_dim3A : f32 to vector<16xf32>
    %scan3A = arith.constant 0 : i32
    %scan3A_4 = arith.constant 16 : i32
    %scan3A_5 = arith.addi %scan3A, %scan3A_4 : i32
    %scan3A_6 = arith.constant 1 : i32
    scf.for %scan3A_82 = %scan3A to %scan3A_5 step %scan3A_6  : i32 {
      %mul3A_83 = arith.constant 1 : i32
      %mul3A_84 = arith.muli %scan3A_82, %mul3A_83 : i32
      %add3A_85 = arith.constant 0 : i32
      %add3A_86 = arith.addi %add3A_85, %mul3A_84 : i32
      %swap3A = arith.index_cast %add3A_86 : i32 to index
      %swap3A_87 = arith.constant 0 : index
      %swap3A_88 = tpu.vector_load %arg13[%swap3A, %swap3A_87] {strides = array<i32>} : memref<16x128xf32, #tpu.memory_space<vmem>>, vector<16xf32>,
      tpu.vector_store %arg13[%swap3A, %swap3A_87], %broadcast_in_dim3A_3 {strides = array<i32>} : memref<16x128xf32, #tpu.memory_space<vmem>>, vector<16xf32>,
      %swap3A_89 = arith.index_cast %add3A_86 : i32 to index
      %swap3A_90 = arith.constant 16 : index
      %swap3A_91 = tpu.vector_load %arg13[%swap3A_89, %swap3A_90] {strides = array<i32>} : memref<16x128xf32, #tpu.memory_space<vmem>>, vector<16xf32>,
      tpu.vector_store %arg13[%swap3A_89, %swap3A_90], %broadcast_in_dim3A_3 {strides = array<i32>} : memref<16x128xf32, #tpu.memory_space<vmem>>, vector<16xf32>,
      %swap3A_92 = arith.index_cast %add3A_86 : i32 to index
      %swap3A_93 = arith.constant 32 : index
      %swap3A_94 = tpu.vector_load %arg13[%swap3A_92, %swap3A_93] {strides = array<i32>} : memref<16x128xf32, #tpu.memory_space<vmem>>, vector<16xf32>,
      tpu.vector_store %arg13[%swap3A_92, %swap3A_93], %broadcast_in_dim3A_3 {strides = array<i32>} : memref<16x128xf32, #tpu.memory_space<vmem>>, vector<16xf32>,
      %swap3A_95 = arith.index_cast %add3A_86 : i32 to index
      %swap3A_96 = arith.constant 48 : index
      %swap3A_97 = tpu.vector_load %arg13[%swap3A_95, %swap3A_96] {strides = array<i32>} : memref<16x128xf32, #tpu.memory_space<vmem>>, vector<16xf32>,
      tpu.vector_store %arg13[%swap3A_95, %swap3A_96], %broadcast_in_dim3A_3 {strides = array<i32>} : memref<16x128xf32, #tpu.memory_space<vmem>>, vector<16xf32>,
      %swap3A_98 = arith.index_cast %add3A_86 : i32 to index
      %swap3A_99 = arith.constant 64 : index
      %swap3A_100 = tpu.vector_load %arg13[%swap3A_98, %swap3A_99] {strides = array<i32>} : memref<16x128xf32, #tpu.memory_space<vmem>>, vector<16xf32>,
      tpu.vector_store %arg13[%swap3A_98, %swap3A_99], %broadcast_in_dim3A_3 {strides = array<i32>} : memref<16x128xf32, #tpu.memory_space<vmem>>, vector<16xf32>,
      %swap3A_101 = arith.index_cast %add3A_86 : i32 to index
      %swap3A_102 = arith.constant 80 : index
      %swap3A_103 = tpu.vector_load %arg13[%swap3A_101, %swap3A_102] {strides = array<i32>} : memref<16x128xf32, #tpu.memory_space<vmem>>, vector<16xf32>,
      tpu.vector_store %arg13[%swap3A_101, %swap3A_102], %broadcast_in_dim3A_3 {strides = array<i32>} : memref<16x128xf32, #tpu.memory_space<vmem>>, vector<16xf32>,
      %swap3A_104 = arith.index_cast %add3A_86 : i32 to index
      %swap3A_105 = arith.constant 96 : index
      %swap3A_106 = tpu.vector_load %arg13[%swap3A_104, %swap3A_105] {strides = array<i32>} : memref<16x128xf32, #tpu.memory_space<vmem>>, vector<16xf32>,
      tpu.vector_store %arg13[%swap3A_104, %swap3A_105], %broadcast_in_dim3A_3 {strides = array<i32>} : memref<16x128xf32, #tpu.memory_space<vmem>>, vector<16xf32>,
      %swap3A_107 = arith.index_cast %add3A_86 : i32 to index
      %swap3A_108 = arith.constant 112 : index
      %swap3A_109 = tpu.vector_load %arg13[%swap3A_107, %swap3A_108] {strides = array<i32>} : memref<16x128xf32, #tpu.memory_space<vmem>>, vector<16xf32>,
      tpu.vector_store %arg13[%swap3A_107, %swap3A_108], %broadcast_in_dim3A_3 {strides = array<i32>} : memref<16x128xf32, #tpu.memory_space<vmem>>, vector<16xf32>,
    }
    %scan3A_7 = arith.constant 16 : i32
    "tpu.region"() ({
      %run_scoped3A_82 = tpu.sem_alloc : memref<!tpu.dma_semaphore, #tpu.memory_space<semaphore_mem>>
      %dma_start3A_83 = arith.constant 0 : i32
      %dma_start3A_84 = tpu.memref_slice %arg4[%mul3A_2, %dma_start3A_83] : memref<2640x64xi32, #tpu.memory_space<hbm>> -> memref<80x64xi32, #tpu.memory_space<hbm>>
      %dma_start3A_85 = arith.constant 0 : i32
      %dma_start3A_86 = tpu.memref_slice %arg4[%mul3A_2, %dma_start3A_85] : memref<2640x64xi32, #tpu.memory_space<hbm>> -> memref<80x64xi32, #tpu.memory_space<hbm>>
      tpu.enqueue_dma source(%dma_start3A_86 : memref<80x64xi32, #tpu.memory_space<hbm>>) target(%arg7 : memref<80x64xi32, #tpu.memory_space<vmem>>) target_semaphore(%run_scoped3A_82 : memref<!tpu.dma_semaphore, #tpu.memory_space<semaphore_mem>>)
      %dma_wait3A = arith.constant 0 : i32
      %dma_wait3A_87 = tpu.memref_slice %arg4[%mul3A_2, %dma_wait3A] : memref<2640x64xi32, #tpu.memory_space<hbm>> -> memref<80x64xi32, #tpu.memory_space<hbm>>
      %dma_wait3A_88 = arith.constant 0 : i32
      %dma_wait3A_89 = tpu.memref_slice %arg4[%mul3A_2, %dma_wait3A_88] : memref<2640x64xi32, #tpu.memory_space<hbm>> -> memref<80x64xi32, #tpu.memory_space<hbm>>
      tpu.wait_dma2 semaphore(%run_scoped3A_82 : memref<!tpu.dma_semaphore, #tpu.memory_space<semaphore_mem>>) src(%dma_wait3A_89 : memref<80x64xi32, #tpu.memory_space<hbm>>) dst(%arg7 : memref<80x64xi32, #tpu.memory_space<vmem>>)
      tpu.yield
    }) : () -> ()
    "tpu.region"() ({
      %run_scoped3A_82 = tpu.sem_alloc : memref<!tpu.dma_semaphore, #tpu.memory_space<semaphore_mem>>
      %dma_start3A_83 = arith.constant 0 : i32
      %dma_start3A_84 = tpu.memref_slice %arg5[%mul3A_2, %dma_start3A_83] : memref<2640x64xi32, #tpu.memory_space<hbm>> -> memref<80x64xi32, #tpu.memory_space<hbm>>
      %dma_start3A_85 = arith.constant 0 : i32
      %dma_start3A_86 = tpu.memref_slice %arg5[%mul3A_2, %dma_start3A_85] : memref<2640x64xi32, #tpu.memory_space<hbm>> -> memref<80x64xi32, #tpu.memory_space<hbm>>
      tpu.enqueue_dma source(%dma_start3A_86 : memref<80x64xi32, #tpu.memory_space<hbm>>) target(%arg8 : memref<80x64xi32, #tpu.memory_space<vmem>>) target_semaphore(%run_scoped3A_82 : memref<!tpu.dma_semaphore, #tpu.memory_space<semaphore_mem>>)
      %dma_wait3A = arith.constant 0 : i32
      %dma_wait3A_87 = tpu.memref_slice %arg5[%mul3A_2, %dma_wait3A] : memref<2640x64xi32, #tpu.memory_space<hbm>> -> memref<80x64xi32, #tpu.memory_space<hbm>>
      %dma_wait3A_88 = arith.constant 0 : i32
      %dma_wait3A_89 = tpu.memref_slice %arg5[%mul3A_2, %dma_wait3A_88] : memref<2640x64xi32, #tpu.memory_space<hbm>> -> memref<80x64xi32, #tpu.memory_space<hbm>>
      tpu.wait_dma2 semaphore(%run_scoped3A_82 : memref<!tpu.dma_semaphore, #tpu.memory_space<semaphore_mem>>) src(%dma_wait3A_89 : memref<80x64xi32, #tpu.memory_space<hbm>>) dst(%arg8 : memref<80x64xi32, #tpu.memory_space<vmem>>)
      tpu.yield
    }) : () -> ()
    %scan3A_8 = arith.constant 0 : i32
    %scan3A_9 = arith.constant 40 : i32
    %scan3A_10 = arith.addi %scan3A_8, %scan3A_9 : i32
    %scan3A_11 = arith.constant 1 : i32
    scf.for %scan3A_82 = %scan3A_8 to %scan3A_10 step %scan3A_11  : i32 {
      %mul3A_83 = arith.constant 1 : i32
      %mul3A_84 = arith.muli %scan3A_82, %mul3A_83 : i32
      %add3A_85 = arith.constant 0 : i32
      %add3A_86 = arith.addi %add3A_85, %mul3A_84 : i32
      %mul3A_87 = arith.constant 640 : i32
      %mul3A_88 = arith.muli %arg1, %mul3A_87 : i32
      %mul3A_89 = arith.constant 16 : i32
      %mul3A_90 = arith.muli %add3A_86, %mul3A_89 : i32
      %add3A_91 = arith.addi %mul3A_88, %mul3A_90 : i32
      "tpu.region"() ({
        %run_scoped3A_92 = tpu.sem_alloc : memref<!tpu.dma_semaphore, #tpu.memory_space<semaphore_mem>>
        %dma_start3A_93 = arith.constant 0 : i32
        %dma_start3A_94 = tpu.memref_slice %arg14[%add3A_91, %dma_start3A_93] : memref<10240x128xf32, #tpu.memory_space<vmem_shared>> -> memref<16x128xf32, #tpu.memory_space<vmem_shared>>
        %dma_start3A_95 = arith.constant 0 : i32
        %dma_start3A_96 = tpu.memref_slice %arg14[%add3A_91, %dma_start3A_95] : memref<10240x128xf32, #tpu.memory_space<vmem_shared>> -> memref<16x128xf32, #tpu.memory_space<vmem_shared>>
        tpu.enqueue_dma source(%arg13 : memref<16x128xf32, #tpu.memory_space<vmem>>) target(%dma_start3A_96 : memref<16x128xf32, #tpu.memory_space<vmem_shared>>) target_semaphore(%run_scoped3A_92 : memref<!tpu.dma_semaphore, #tpu.memory_space<semaphore_mem>>)
        %dma_wait3A = arith.constant 0 : i32
        %dma_wait3A_97 = tpu.memref_slice %arg14[%add3A_91, %dma_wait3A] : memref<10240x128xf32, #tpu.memory_space<vmem_shared>> -> memref<16x128xf32, #tpu.memory_space<vmem_shared>>
        %dma_wait3A_98 = arith.constant 0 : i32
        %dma_wait3A_99 = tpu.memref_slice %arg14[%add3A_91, %dma_wait3A_98] : memref<10240x128xf32, #tpu.memory_space<vmem_shared>> -> memref<16x128xf32, #tpu.memory_space<vmem_shared>>
        tpu.wait_dma2 semaphore(%run_scoped3A_92 : memref<!tpu.dma_semaphore, #tpu.memory_space<semaphore_mem>>) src(%arg13 : memref<16x128xf32, #tpu.memory_space<vmem>>) dst(%dma_wait3A_99 : memref<16x128xf32, #tpu.memory_space<vmem_shared>>)
        tpu.yield
      }) : () -> ()
    }
    %scan3A_12 = arith.constant 40 : i32
    %barrier3A = arith.constant 0 : index
    tpu.barrier barrier_id(%barrier3A)
    %dma_start3A = arith.constant 0 : i32
    %dma_start3A_13 = arith.constant 0 : i32
    %dma_start3A_14 = tpu.memref_slice %arg7[%dma_start3A, %dma_start3A_13] : memref<80x64xi32, #tpu.memory_space<vmem>> -> memref<1x64xi32, #tpu.memory_space<vmem>>
    %dma_start3A_15 = tpu.memref_squeeze %dma_start3A_14 : memref<1x64xi32, #tpu.memory_space<vmem>> -> memref<64xi32, #tpu.memory_space<vmem>>
    %dma_start3A_16 = arith.constant 0 : i32
    %dma_start3A_17 = arith.constant 0 : i32
    %dma_start3A_18 = tpu.memref_slice %arg2[%dma_start3A_16, %dma_start3A_17] : memref<10000x128xf32, #tpu.memory_space<hbm>> -> memref<10000x128xf32, #tpu.memory_space<hbm>>
    tpu.enqueue_indirect_dma source(%dma_start3A_18 : memref<10000x128xf32, #tpu.memory_space<hbm>>) target(%arg9 : memref<64x128xf32, #tpu.memory_space<vmem>>) offsets(%dma_start3A_15 : memref<64xi32, #tpu.memory_space<vmem>>) semaphore(%arg15 : memref<!tpu.dma_semaphore, #tpu.memory_space<semaphore_mem>>)
    %dma_start3A_19 = arith.constant 1 : i32
    %dma_start3A_20 = arith.constant 0 : i32
    %dma_start3A_21 = tpu.memref_slice %arg7[%dma_start3A_19, %dma_start3A_20] : memref<80x64xi32, #tpu.memory_space<vmem>> -> memref<1x64xi32, #tpu.memory_space<vmem>>
    %dma_start3A_22 = tpu.memref_squeeze %dma_start3A_21 : memref<1x64xi32, #tpu.memory_space<vmem>> -> memref<64xi32, #tpu.memory_space<vmem>>
    %dma_start3A_23 = arith.constant 0 : i32
    %dma_start3A_24 = arith.constant 0 : i32
    %dma_start3A_25 = tpu.memref_slice %arg2[%dma_start3A_23, %dma_start3A_24] : memref<10000x128xf32, #tpu.memory_space<hbm>> -> memref<10000x128xf32, #tpu.memory_space<hbm>>
    tpu.enqueue_indirect_dma source(%dma_start3A_25 : memref<10000x128xf32, #tpu.memory_space<hbm>>) target(%arg10 : memref<64x128xf32, #tpu.memory_space<vmem>>) offsets(%dma_start3A_22 : memref<64xi32, #tpu.memory_space<vmem>>) semaphore(%arg16 : memref<!tpu.dma_semaphore, #tpu.memory_space<semaphore_mem>>)
    %dma_start3A_26 = arith.constant 2 : i32
    %dma_start3A_27 = arith.constant 0 : i32
    %dma_start3A_28 = tpu.memref_slice %arg7[%dma_start3A_26, %dma_start3A_27] : memref<80x64xi32, #tpu.memory_space<vmem>> -> memref<1x64xi32, #tpu.memory_space<vmem>>
    %dma_start3A_29 = tpu.memref_squeeze %dma_start3A_28 : memref<1x64xi32, #tpu.memory_space<vmem>> -> memref<64xi32, #tpu.memory_space<vmem>>
    %dma_start3A_30 = arith.constant 0 : i32
    %dma_start3A_31 = arith.constant 0 : i32
    %dma_start3A_32 = tpu.memref_slice %arg2[%dma_start3A_30, %dma_start3A_31] : memref<10000x128xf32, #tpu.memory_space<hbm>> -> memref<10000x128xf32, #tpu.memory_space<hbm>>
    tpu.enqueue_indirect_dma source(%dma_start3A_32 : memref<10000x128xf32, #tpu.memory_space<hbm>>) target(%arg11 : memref<64x128xf32, #tpu.memory_space<vmem>>) offsets(%dma_start3A_29 : memref<64xi32, #tpu.memory_space<vmem>>) semaphore(%arg17 : memref<!tpu.dma_semaphore, #tpu.memory_space<semaphore_mem>>)
    %scan3A_33 = arith.constant 0 : i32
    %scan3A_34 = arith.constant 20 : i32
    %scan3A_35 = arith.addi %scan3A_33, %scan3A_34 : i32
    %scan3A_36 = arith.constant 1 : i32
    scf.for %scan3A_82 = %scan3A_33 to %scan3A_35 step %scan3A_36  : i32 {
      %mul3A_83 = arith.constant 4 : i32
      %mul3A_84 = arith.muli %scan3A_82, %mul3A_83 : i32
      %add3A_85 = arith.constant 0 : i32
      %add3A_86 = arith.addi %add3A_85, %mul3A_84 : i32
      %add3A_87 = arith.constant 0 : i32
      %add3A_88 = arith.addi %add3A_86, %add3A_87 : i32
      %lt3A = arith.constant 80 : i32
      %lt3A_89 = arith.cmpi slt, %add3A_88, %lt3A : i32
      %convert_element_type3A = arith.extui %lt3A_89 : i1 to i32
      %cond3A = arith.constant 0 : i32
      %cond3A_90 = arith.cmpi ne, %convert_element_type3A, %cond3A : i32
      scf.if %cond3A_90 {
        %dma_wait3A = arith.constant 0 : i32
        %dma_wait3A_112 = tpu.memref_slice %arg7[%add3A_88, %dma_wait3A] : memref<80x64xi32, #tpu.memory_space<vmem>> -> memref<1x64xi32, #tpu.memory_space<vmem>>
        %dma_wait3A_113 = tpu.memref_squeeze %dma_wait3A_112 : memref<1x64xi32, #tpu.memory_space<vmem>> -> memref<64xi32, #tpu.memory_space<vmem>>
        %dma_wait3A_114 = arith.constant 0 : i32
        %dma_wait3A_115 = arith.constant 0 : i32
        %dma_wait3A_116 = tpu.memref_slice %arg2[%dma_wait3A_114, %dma_wait3A_115] : memref<10000x128xf32, #tpu.memory_space<hbm>> -> memref<10000x128xf32, #tpu.memory_space<hbm>>
        tpu.wait_indirect_dma semaphore(%arg15 : memref<!tpu.dma_semaphore, #tpu.memory_space<semaphore_mem>>) src(%dma_wait3A_116 : memref<10000x128xf32, #tpu.memory_space<hbm>>) dst(%arg9 : memref<64x128xf32, #tpu.memory_space<vmem>>)
        "tpu.region"() ({
          %run_scoped3A_124 = tpu.sem_alloc : memref<!tpu.dma_semaphore, #tpu.memory_space<semaphore_mem>>
          %dma_start3A_125 = arith.constant 0 : i32
          %dma_start3A_126 = tpu.memref_slice %arg8[%add3A_88, %dma_start3A_125] : memref<80x64xi32, #tpu.memory_space<vmem>> -> memref<1x64xi32, #tpu.memory_space<vmem>>
          %dma_start3A_127 = tpu.memref_squeeze %dma_start3A_126 : memref<1x64xi32, #tpu.memory_space<vmem>> -> memref<64xi32, #tpu.memory_space<vmem>>
          %dma_start3A_128 = arith.constant 0 : i32
          %dma_start3A_129 = arith.constant 0 : i32
          %dma_start3A_130 = tpu.memref_slice %arg14[%dma_start3A_128, %dma_start3A_129] : memref<10240x128xf32, #tpu.memory_space<vmem_shared>> -> memref<10240x128xf32, #tpu.memory_space<vmem_shared>>
          tpu.enqueue_indirect_dma source(%arg9 : memref<64x128xf32, #tpu.memory_space<vmem>>) target(%dma_start3A_130 : memref<10240x128xf32, #tpu.memory_space<vmem_shared>>) offsets(%dma_start3A_127 : memref<64xi32, #tpu.memory_space<vmem>>) semaphore(%run_scoped3A_124 : memref<!tpu.dma_semaphore, #tpu.memory_space<semaphore_mem>>) {add = true}
          %dma_wait3A_131 = arith.constant 0 : i32
          %dma_wait3A_132 = tpu.memref_slice %arg8[%add3A_88, %dma_wait3A_131] : memref<80x64xi32, #tpu.memory_space<vmem>> -> memref<1x64xi32, #tpu.memory_space<vmem>>
          %dma_wait3A_133 = tpu.memref_squeeze %dma_wait3A_132 : memref<1x64xi32, #tpu.memory_space<vmem>> -> memref<64xi32, #tpu.memory_space<vmem>>
          %dma_wait3A_134 = arith.constant 0 : i32
          %dma_wait3A_135 = arith.constant 0 : i32
          %dma_wait3A_136 = tpu.memref_slice %arg14[%dma_wait3A_134, %dma_wait3A_135] : memref<10240x128xf32, #tpu.memory_space<vmem_shared>> -> memref<10240x128xf32, #tpu.memory_space<vmem_shared>>
          tpu.wait_indirect_dma semaphore(%run_scoped3A_124 : memref<!tpu.dma_semaphore, #tpu.memory_space<semaphore_mem>>) src(%arg9 : memref<64x128xf32, #tpu.memory_space<vmem>>) dst(%dma_wait3A_136 : memref<10240x128xf32, #tpu.memory_space<vmem_shared>>)
          tpu.yield
        }) : () -> ()
        %add3A_117 = arith.constant 3 : i32
        %add3A_118 = arith.addi %add3A_88, %add3A_117 : i32
        %lt3A_119 = arith.constant 80 : i32
        %lt3A_120 = arith.cmpi slt, %add3A_118, %lt3A_119 : i32
        %convert_element_type3A_121 = arith.extui %lt3A_120 : i1 to i32
        %cond3A_122 = arith.constant 0 : i32
        %cond3A_123 = arith.cmpi ne, %convert_element_type3A_121, %cond3A_122 : i32
        scf.if %cond3A_123 {
          %add3A_124 = arith.constant 3 : i32
          %add3A_125 = arith.addi %add3A_88, %add3A_124 : i32
          %dma_start3A_126 = arith.constant 0 : i32
          %dma_start3A_127 = tpu.memref_slice %arg7[%add3A_125, %dma_start3A_126] : memref<80x64xi32, #tpu.memory_space<vmem>> -> memref<1x64xi32, #tpu.memory_space<vmem>>
          %dma_start3A_128 = tpu.memref_squeeze %dma_start3A_127 : memref<1x64xi32, #tpu.memory_space<vmem>> -> memref<64xi32, #tpu.memory_space<vmem>>
          %dma_start3A_129 = arith.constant 0 : i32
          %dma_start3A_130 = arith.constant 0 : i32
          %dma_start3A_131 = tpu.memref_slice %arg2[%dma_start3A_129, %dma_start3A_130] : memref<10000x128xf32, #tpu.memory_space<hbm>> -> memref<10000x128xf32, #tpu.memory_space<hbm>>
          tpu.enqueue_indirect_dma source(%dma_start3A_131 : memref<10000x128xf32, #tpu.memory_space<hbm>>) target(%arg12 : memref<64x128xf32, #tpu.memory_space<vmem>>) offsets(%dma_start3A_128 : memref<64xi32, #tpu.memory_space<vmem>>) semaphore(%arg18 : memref<!tpu.dma_semaphore, #tpu.memory_space<semaphore_mem>>)
        } else {
        }
      } else {
      }
      %add3A_91 = arith.constant 1 : i32
      %add3A_92 = arith.addi %add3A_86, %add3A_91 : i32
      %lt3A_93 = arith.constant 80 : i32
      %lt3A_94 = arith.cmpi slt, %add3A_92, %lt3A_93 : i32
      %convert_element_type3A_95 = arith.extui %lt3A_94 : i1 to i32
      %cond3A_96 = arith.constant 0 : i32
      %cond3A_97 = arith.cmpi ne, %convert_element_type3A_95, %cond3A_96 : i32
      scf.if %cond3A_97 {
        %dma_wait3A = arith.constant 0 : i32
        %dma_wait3A_112 = tpu.memref_slice %arg7[%add3A_92, %dma_wait3A] : memref<80x64xi32, #tpu.memory_space<vmem>> -> memref<1x64xi32, #tpu.memory_space<vmem>>
        %dma_wait3A_113 = tpu.memref_squeeze %dma_wait3A_112 : memref<1x64xi32, #tpu.memory_space<vmem>> -> memref<64xi32, #tpu.memory_space<vmem>>
        %dma_wait3A_114 = arith.constant 0 : i32
        %dma_wait3A_115 = arith.constant 0 : i32
        %dma_wait3A_116 = tpu.memref_slice %arg2[%dma_wait3A_114, %dma_wait3A_115] : memref<10000x128xf32, #tpu.memory_space<hbm>> -> memref<10000x128xf32, #tpu.memory_space<hbm>>
        tpu.wait_indirect_dma semaphore(%arg16 : memref<!tpu.dma_semaphore, #tpu.memory_space<semaphore_mem>>) src(%dma_wait3A_116 : memref<10000x128xf32, #tpu.memory_space<hbm>>) dst(%arg10 : memref<64x128xf32, #tpu.memory_space<vmem>>)
        "tpu.region"() ({
          %run_scoped3A_124 = tpu.sem_alloc : memref<!tpu.dma_semaphore, #tpu.memory_space<semaphore_mem>>
          %dma_start3A_125 = arith.constant 0 : i32
          %dma_start3A_126 = tpu.memref_slice %arg8[%add3A_92, %dma_start3A_125] : memref<80x64xi32, #tpu.memory_space<vmem>> -> memref<1x64xi32, #tpu.memory_space<vmem>>
          %dma_start3A_127 = tpu.memref_squeeze %dma_start3A_126 : memref<1x64xi32, #tpu.memory_space<vmem>> -> memref<64xi32, #tpu.memory_space<vmem>>
          %dma_start3A_128 = arith.constant 0 : i32
          %dma_start3A_129 = arith.constant 0 : i32
          %dma_start3A_130 = tpu.memref_slice %arg14[%dma_start3A_128, %dma_start3A_129] : memref<10240x128xf32, #tpu.memory_space<vmem_shared>> -> memref<10240x128xf32, #tpu.memory_space<vmem_shared>>
          tpu.enqueue_indirect_dma source(%arg10 : memref<64x128xf32, #tpu.memory_space<vmem>>) target(%dma_start3A_130 : memref<10240x128xf32, #tpu.memory_space<vmem_shared>>) offsets(%dma_start3A_127 : memref<64xi32, #tpu.memory_space<vmem>>) semaphore(%run_scoped3A_124 : memref<!tpu.dma_semaphore, #tpu.memory_space<semaphore_mem>>) {add = true}
          %dma_wait3A_131 = arith.constant 0 : i32
          %dma_wait3A_132 = tpu.memref_slice %arg8[%add3A_92, %dma_wait3A_131] : memref<80x64xi32, #tpu.memory_space<vmem>> -> memref<1x64xi32, #tpu.memory_space<vmem>>
          %dma_wait3A_133 = tpu.memref_squeeze %dma_wait3A_132 : memref<1x64xi32, #tpu.memory_space<vmem>> -> memref<64xi32, #tpu.memory_space<vmem>>
          %dma_wait3A_134 = arith.constant 0 : i32
          %dma_wait3A_135 = arith.constant 0 : i32
          %dma_wait3A_136 = tpu.memref_slice %arg14[%dma_wait3A_134, %dma_wait3A_135] : memref<10240x128xf32, #tpu.memory_space<vmem_shared>> -> memref<10240x128xf32, #tpu.memory_space<vmem_shared>>
          tpu.wait_indirect_dma semaphore(%run_scoped3A_124 : memref<!tpu.dma_semaphore, #tpu.memory_space<semaphore_mem>>) src(%arg10 : memref<64x128xf32, #tpu.memory_space<vmem>>) dst(%dma_wait3A_136 : memref<10240x128xf32, #tpu.memory_space<vmem_shared>>)
          tpu.yield
        }) : () -> ()
        %add3A_117 = arith.constant 3 : i32
        %add3A_118 = arith.addi %add3A_92, %add3A_117 : i32
        %lt3A_119 = arith.constant 80 : i32
        %lt3A_120 = arith.cmpi slt, %add3A_118, %lt3A_119 : i32
        %convert_element_type3A_121 = arith.extui %lt3A_120 : i1 to i32
        %cond3A_122 = arith.constant 0 : i32
        %cond3A_123 = arith.cmpi ne, %convert_element_type3A_121, %cond3A_122 : i32
        scf.if %cond3A_123 {
          %add3A_124 = arith.constant 3 : i32
          %add3A_125 = arith.addi %add3A_92, %add3A_124 : i32
          %dma_start3A_126 = arith.constant 0 : i32
          %dma_start3A_127 = tpu.memref_slice %arg7[%add3A_125, %dma_start3A_126] : memref<80x64xi32, #tpu.memory_space<vmem>> -> memref<1x64xi32, #tpu.memory_space<vmem>>
          %dma_start3A_128 = tpu.memref_squeeze %dma_start3A_127 : memref<1x64xi32, #tpu.memory_space<vmem>> -> memref<64xi32, #tpu.memory_space<vmem>>
          %dma_start3A_129 = arith.constant 0 : i32
          %dma_start3A_130 = arith.constant 0 : i32
          %dma_start3A_131 = tpu.memref_slice %arg2[%dma_start3A_129, %dma_start3A_130] : memref<10000x128xf32, #tpu.memory_space<hbm>> -> memref<10000x128xf32, #tpu.memory_space<hbm>>
          tpu.enqueue_indirect_dma source(%dma_start3A_131 : memref<10000x128xf32, #tpu.memory_space<hbm>>) target(%arg9 : memref<64x128xf32, #tpu.memory_space<vmem>>) offsets(%dma_start3A_128 : memref<64xi32, #tpu.memory_space<vmem>>) semaphore(%arg15 : memref<!tpu.dma_semaphore, #tpu.memory_space<semaphore_mem>>)
        } else {
        }
      } else {
      }
      %add3A_98 = arith.constant 2 : i32
      %add3A_99 = arith.addi %add3A_86, %add3A_98 : i32
      %lt3A_100 = arith.constant 80 : i32
      %lt3A_101 = arith.cmpi slt, %add3A_99, %lt3A_100 : i32
      %convert_element_type3A_102 = arith.extui %lt3A_101 : i1 to i32
      %cond3A_103 = arith.constant 0 : i32
      %cond3A_104 = arith.cmpi ne, %convert_element_type3A_102, %cond3A_103 : i32
      scf.if %cond3A_104 {
        %dma_wait3A = arith.constant 0 : i32
        %dma_wait3A_112 = tpu.memref_slice %arg7[%add3A_99, %dma_wait3A] : memref<80x64xi32, #tpu.memory_space<vmem>> -> memref<1x64xi32, #tpu.memory_space<vmem>>
        %dma_wait3A_113 = tpu.memref_squeeze %dma_wait3A_112 : memref<1x64xi32, #tpu.memory_space<vmem>> -> memref<64xi32, #tpu.memory_space<vmem>>
        %dma_wait3A_114 = arith.constant 0 : i32
        %dma_wait3A_115 = arith.constant 0 : i32
        %dma_wait3A_116 = tpu.memref_slice %arg2[%dma_wait3A_114, %dma_wait3A_115] : memref<10000x128xf32, #tpu.memory_space<hbm>> -> memref<10000x128xf32, #tpu.memory_space<hbm>>
        tpu.wait_indirect_dma semaphore(%arg17 : memref<!tpu.dma_semaphore, #tpu.memory_space<semaphore_mem>>) src(%dma_wait3A_116 : memref<10000x128xf32, #tpu.memory_space<hbm>>) dst(%arg11 : memref<64x128xf32, #tpu.memory_space<vmem>>)
        "tpu.region"() ({
          %run_scoped3A_124 = tpu.sem_alloc : memref<!tpu.dma_semaphore, #tpu.memory_space<semaphore_mem>>
          %dma_start3A_125 = arith.constant 0 : i32
          %dma_start3A_126 = tpu.memref_slice %arg8[%add3A_99, %dma_start3A_125] : memref<80x64xi32, #tpu.memory_space<vmem>> -> memref<1x64xi32, #tpu.memory_space<vmem>>
          %dma_start3A_127 = tpu.memref_squeeze %dma_start3A_126 : memref<1x64xi32, #tpu.memory_space<vmem>> -> memref<64xi32, #tpu.memory_space<vmem>>
          %dma_start3A_128 = arith.constant 0 : i32
          %dma_start3A_129 = arith.constant 0 : i32
          %dma_start3A_130 = tpu.memref_slice %arg14[%dma_start3A_128, %dma_start3A_129] : memref<10240x128xf32, #tpu.memory_space<vmem_shared>> -> memref<10240x128xf32, #tpu.memory_space<vmem_shared>>
          tpu.enqueue_indirect_dma source(%arg11 : memref<64x128xf32, #tpu.memory_space<vmem>>) target(%dma_start3A_130 : memref<10240x128xf32, #tpu.memory_space<vmem_shared>>) offsets(%dma_start3A_127 : memref<64xi32, #tpu.memory_space<vmem>>) semaphore(%run_scoped3A_124 : memref<!tpu.dma_semaphore, #tpu.memory_space<semaphore_mem>>) {add = true}
          %dma_wait3A_131 = arith.constant 0 : i32
          %dma_wait3A_132 = tpu.memref_slice %arg8[%add3A_99, %dma_wait3A_131] : memref<80x64xi32, #tpu.memory_space<vmem>> -> memref<1x64xi32, #tpu.memory_space<vmem>>
          %dma_wait3A_133 = tpu.memref_squeeze %dma_wait3A_132 : memref<1x64xi32, #tpu.memory_space<vmem>> -> memref<64xi32, #tpu.memory_space<vmem>>
          %dma_wait3A_134 = arith.constant 0 : i32
          %dma_wait3A_135 = arith.constant 0 : i32
          %dma_wait3A_136 = tpu.memref_slice %arg14[%dma_wait3A_134, %dma_wait3A_135] : memref<10240x128xf32, #tpu.memory_space<vmem_shared>> -> memref<10240x128xf32, #tpu.memory_space<vmem_shared>>
          tpu.wait_indirect_dma semaphore(%run_scoped3A_124 : memref<!tpu.dma_semaphore, #tpu.memory_space<semaphore_mem>>) src(%arg11 : memref<64x128xf32, #tpu.memory_space<vmem>>) dst(%dma_wait3A_136 : memref<10240x128xf32, #tpu.memory_space<vmem_shared>>)
          tpu.yield
        }) : () -> ()
        %add3A_117 = arith.constant 3 : i32
        %add3A_118 = arith.addi %add3A_99, %add3A_117 : i32
        %lt3A_119 = arith.constant 80 : i32
        %lt3A_120 = arith.cmpi slt, %add3A_118, %lt3A_119 : i32
        %convert_element_type3A_121 = arith.extui %lt3A_120 : i1 to i32
        %cond3A_122 = arith.constant 0 : i32
        %cond3A_123 = arith.cmpi ne, %convert_element_type3A_121, %cond3A_122 : i32
        scf.if %cond3A_123 {
          %add3A_124 = arith.constant 3 : i32
          %add3A_125 = arith.addi %add3A_99, %add3A_124 : i32
          %dma_start3A_126 = arith.constant 0 : i32
          %dma_start3A_127 = tpu.memref_slice %arg7[%add3A_125, %dma_start3A_126] : memref<80x64xi32, #tpu.memory_space<vmem>> -> memref<1x64xi32, #tpu.memory_space<vmem>>
          %dma_start3A_128 = tpu.memref_squeeze %dma_start3A_127 : memref<1x64xi32, #tpu.memory_space<vmem>> -> memref<64xi32, #tpu.memory_space<vmem>>
          %dma_start3A_129 = arith.constant 0 : i32
          %dma_start3A_130 = arith.constant 0 : i32
          %dma_start3A_131 = tpu.memref_slice %arg2[%dma_start3A_129, %dma_start3A_130] : memref<10000x128xf32, #tpu.memory_space<hbm>> -> memref<10000x128xf32, #tpu.memory_space<hbm>>
          tpu.enqueue_indirect_dma source(%dma_start3A_131 : memref<10000x128xf32, #tpu.memory_space<hbm>>) target(%arg10 : memref<64x128xf32, #tpu.memory_space<vmem>>) offsets(%dma_start3A_128 : memref<64xi32, #tpu.memory_space<vmem>>) semaphore(%arg16 : memref<!tpu.dma_semaphore, #tpu.memory_space<semaphore_mem>>)
        } else {
        }
      } else {
      }
      %add3A_105 = arith.constant 3 : i32
      %add3A_106 = arith.addi %add3A_86, %add3A_105 : i32
      %lt3A_107 = arith.constant 80 : i32
      %lt3A_108 = arith.cmpi slt, %add3A_106, %lt3A_107 : i32
      %convert_element_type3A_109 = arith.extui %lt3A_108 : i1 to i32
      %cond3A_110 = arith.constant 0 : i32
      %cond3A_111 = arith.cmpi ne, %convert_element_type3A_109, %cond3A_110 : i32
      scf.if %cond3A_111 {
        %dma_wait3A = arith.constant 0 : i32
        %dma_wait3A_112 = tpu.memref_slice %arg7[%add3A_106, %dma_wait3A] : memref<80x64xi32, #tpu.memory_space<vmem>> -> memref<1x64xi32, #tpu.memory_space<vmem>>
        %dma_wait3A_113 = tpu.memref_squeeze %dma_wait3A_112 : memref<1x64xi32, #tpu.memory_space<vmem>> -> memref<64xi32, #tpu.memory_space<vmem>>
        %dma_wait3A_114 = arith.constant 0 : i32
        %dma_wait3A_115 = arith.constant 0 : i32
        %dma_wait3A_116 = tpu.memref_slice %arg2[%dma_wait3A_114, %dma_wait3A_115] : memref<10000x128xf32, #tpu.memory_space<hbm>> -> memref<10000x128xf32, #tpu.memory_space<hbm>>
        tpu.wait_indirect_dma semaphore(%arg18 : memref<!tpu.dma_semaphore, #tpu.memory_space<semaphore_mem>>) src(%dma_wait3A_116 : memref<10000x128xf32, #tpu.memory_space<hbm>>) dst(%arg12 : memref<64x128xf32, #tpu.memory_space<vmem>>)
        "tpu.region"() ({
          %run_scoped3A_124 = tpu.sem_alloc : memref<!tpu.dma_semaphore, #tpu.memory_space<semaphore_mem>>
          %dma_start3A_125 = arith.constant 0 : i32
          %dma_start3A_126 = tpu.memref_slice %arg8[%add3A_106, %dma_start3A_125] : memref<80x64xi32, #tpu.memory_space<vmem>> -> memref<1x64xi32, #tpu.memory_space<vmem>>
          %dma_start3A_127 = tpu.memref_squeeze %dma_start3A_126 : memref<1x64xi32, #tpu.memory_space<vmem>> -> memref<64xi32, #tpu.memory_space<vmem>>
          %dma_start3A_128 = arith.constant 0 : i32
          %dma_start3A_129 = arith.constant 0 : i32
          %dma_start3A_130 = tpu.memref_slice %arg14[%dma_start3A_128, %dma_start3A_129] : memref<10240x128xf32, #tpu.memory_space<vmem_shared>> -> memref<10240x128xf32, #tpu.memory_space<vmem_shared>>
          tpu.enqueue_indirect_dma source(%arg12 : memref<64x128xf32, #tpu.memory_space<vmem>>) target(%dma_start3A_130 : memref<10240x128xf32, #tpu.memory_space<vmem_shared>>) offsets(%dma_start3A_127 : memref<64xi32, #tpu.memory_space<vmem>>) semaphore(%run_scoped3A_124 : memref<!tpu.dma_semaphore, #tpu.memory_space<semaphore_mem>>) {add = true}
          %dma_wait3A_131 = arith.constant 0 : i32
          %dma_wait3A_132 = tpu.memref_slice %arg8[%add3A_106, %dma_wait3A_131] : memref<80x64xi32, #tpu.memory_space<vmem>> -> memref<1x64xi32, #tpu.memory_space<vmem>>
          %dma_wait3A_133 = tpu.memref_squeeze %dma_wait3A_132 : memref<1x64xi32, #tpu.memory_space<vmem>> -> memref<64xi32, #tpu.memory_space<vmem>>
          %dma_wait3A_134 = arith.constant 0 : i32
          %dma_wait3A_135 = arith.constant 0 : i32
          %dma_wait3A_136 = tpu.memref_slice %arg14[%dma_wait3A_134, %dma_wait3A_135] : memref<10240x128xf32, #tpu.memory_space<vmem_shared>> -> memref<10240x128xf32, #tpu.memory_space<vmem_shared>>
          tpu.wait_indirect_dma semaphore(%run_scoped3A_124 : memref<!tpu.dma_semaphore, #tpu.memory_space<semaphore_mem>>) src(%arg12 : memref<64x128xf32, #tpu.memory_space<vmem>>) dst(%dma_wait3A_136 : memref<10240x128xf32, #tpu.memory_space<vmem_shared>>)
          tpu.yield
        }) : () -> ()
        %add3A_117 = arith.constant 3 : i32
        %add3A_118 = arith.addi %add3A_106, %add3A_117 : i32
        %lt3A_119 = arith.constant 80 : i32
        %lt3A_120 = arith.cmpi slt, %add3A_118, %lt3A_119 : i32
        %convert_element_type3A_121 = arith.extui %lt3A_120 : i1 to i32
        %cond3A_122 = arith.constant 0 : i32
        %cond3A_123 = arith.cmpi ne, %convert_element_type3A_121, %cond3A_122 : i32
        scf.if %cond3A_123 {
          %add3A_124 = arith.constant 3 : i32
          %add3A_125 = arith.addi %add3A_106, %add3A_124 : i32
          %dma_start3A_126 = arith.constant 0 : i32
          %dma_start3A_127 = tpu.memref_slice %arg7[%add3A_125, %dma_start3A_126] : memref<80x64xi32, #tpu.memory_space<vmem>> -> memref<1x64xi32, #tpu.memory_space<vmem>>
          %dma_start3A_128 = tpu.memref_squeeze %dma_start3A_127 : memref<1x64xi32, #tpu.memory_space<vmem>> -> memref<64xi32, #tpu.memory_space<vmem>>
          %dma_start3A_129 = arith.constant 0 : i32
          %dma_start3A_130 = arith.constant 0 : i32
          %dma_start3A_131 = tpu.memref_slice %arg2[%dma_start3A_129, %dma_start3A_130] : memref<10000x128xf32, #tpu.memory_space<hbm>> -> memref<10000x128xf32, #tpu.memory_space<hbm>>
          tpu.enqueue_indirect_dma source(%dma_start3A_131 : memref<10000x128xf32, #tpu.memory_space<hbm>>) target(%arg11 : memref<64x128xf32, #tpu.memory_space<vmem>>) offsets(%dma_start3A_128 : memref<64xi32, #tpu.memory_space<vmem>>) semaphore(%arg17 : memref<!tpu.dma_semaphore, #tpu.memory_space<semaphore_mem>>)
        } else {
        }
      } else {
      }
    }
    %scan3A_37 = arith.constant 20 : i32
    %barrier3A_38 = arith.constant 0 : index
    tpu.barrier barrier_id(%barrier3A_38)
    %mul3A_39 = arith.constant 625 : i32
    %mul3A_40 = arith.muli %arg1, %mul3A_39 : i32
    %mul3A_41 = arith.constant 625 : i32
    %mul3A_42 = arith.muli %arg1, %mul3A_41 : i32
    %run_scoped3A = arith.constant 0 : i32
    "tpu.region"() ({
      %run_scoped3A_82 = tpu.sem_alloc : memref<!tpu.dma_semaphore, #tpu.memory_space<semaphore_mem>>
      %dma_start3A_83 = arith.constant 0 : i32
      %dma_start3A_84 = tpu.memref_slice %arg6[%run_scoped3A, %arg0, %mul3A_42, %dma_start3A_83] : memref<2x2x10000x128xf32, #tpu.memory_space<hbm>> -> memref<1x1x625x128xf32, #tpu.memory_space<hbm>>
      %dma_start3A_85 = tpu.memref_squeeze %dma_start3A_84 : memref<1x1x625x128xf32, #tpu.memory_space<hbm>> -> memref<625x128xf32, #tpu.memory_space<hbm>>
      %dma_start3A_86 = arith.constant 0 : i32
      %dma_start3A_87 = tpu.memref_slice %arg14[%mul3A_40, %dma_start3A_86] : memref<10240x128xf32, #tpu.memory_space<vmem_shared>> -> memref<625x128xf32, #tpu.memory_space<vmem_shared>>
      tpu.enqueue_dma source(%dma_start3A_87 : memref<625x128xf32, #tpu.memory_space<vmem_shared>>) target(%dma_start3A_85 : memref<625x128xf32, #tpu.memory_space<hbm>>) target_semaphore(%run_scoped3A_82 : memref<!tpu.dma_semaphore, #tpu.memory_space<semaphore_mem>>)
      %dma_wait3A = arith.constant 0 : i32
      %dma_wait3A_88 = tpu.memref_slice %arg6[%run_scoped3A, %arg0, %mul3A_42, %dma_wait3A] : memref<2x2x10000x128xf32, #tpu.memory_space<hbm>> -> memref<1x1x625x128xf32, #tpu.memory_space<hbm>>
      %dma_wait3A_89 = tpu.memref_squeeze %dma_wait3A_88 : memref<1x1x625x128xf32, #tpu.memory_space<hbm>> -> memref<625x128xf32, #tpu.memory_space<hbm>>
      %dma_wait3A_90 = arith.constant 0 : i32
      %dma_wait3A_91 = tpu.memref_slice %arg14[%mul3A_40, %dma_wait3A_90] : memref<10240x128xf32, #tpu.memory_space<vmem_shared>> -> memref<625x128xf32, #tpu.memory_space<vmem_shared>>
      tpu.wait_dma2 semaphore(%run_scoped3A_82 : memref<!tpu.dma_semaphore, #tpu.memory_space<semaphore_mem>>) src(%dma_wait3A_91 : memref<625x128xf32, #tpu.memory_space<vmem_shared>>) dst(%dma_wait3A_89 : memref<625x128xf32, #tpu.memory_space<hbm>>)
      tpu.yield
    }) : () -> ()
    %barrier3A_43 = arith.constant 0 : index
    tpu.barrier barrier_id(%barrier3A_43)
    %scan3A_44 = arith.constant 0 : i32
    %scan3A_45 = arith.constant 40 : i32
    %scan3A_46 = arith.addi %scan3A_44, %scan3A_45 : i32
    %scan3A_47 = arith.constant 1 : i32
    scf.for %scan3A_82 = %scan3A_44 to %scan3A_46 step %scan3A_47  : i32 {
      %mul3A_83 = arith.constant 1 : i32
      %mul3A_84 = arith.muli %scan3A_82, %mul3A_83 : i32
      %add3A_85 = arith.constant 0 : i32
      %add3A_86 = arith.addi %add3A_85, %mul3A_84 : i32
      %mul3A_87 = arith.constant 640 : i32
      %mul3A_88 = arith.muli %arg1, %mul3A_87 : i32
      %mul3A_89 = arith.constant 16 : i32
      %mul3A_90 = arith.muli %add3A_86, %mul3A_89 : i32
      %add3A_91 = arith.addi %mul3A_88, %mul3A_90 : i32
      "tpu.region"() ({
        %run_scoped3A_92 = tpu.sem_alloc : memref<!tpu.dma_semaphore, #tpu.memory_space<semaphore_mem>>
        %dma_start3A_93 = arith.constant 0 : i32
        %dma_start3A_94 = tpu.memref_slice %arg14[%add3A_91, %dma_start3A_93] : memref<10240x128xf32, #tpu.memory_space<vmem_shared>> -> memref<16x128xf32, #tpu.memory_space<vmem_shared>>
        %dma_start3A_95 = arith.constant 0 : i32
        %dma_start3A_96 = tpu.memref_slice %arg14[%add3A_91, %dma_start3A_95] : memref<10240x128xf32, #tpu.memory_space<vmem_shared>> -> memref<16x128xf32, #tpu.memory_space<vmem_shared>>
        tpu.enqueue_dma source(%arg13 : memref<16x128xf32, #tpu.memory_space<vmem>>) target(%dma_start3A_96 : memref<16x128xf32, #tpu.memory_space<vmem_shared>>) target_semaphore(%run_scoped3A_92 : memref<!tpu.dma_semaphore, #tpu.memory_space<semaphore_mem>>)
        %dma_wait3A = arith.constant 0 : i32
        %dma_wait3A_97 = tpu.memref_slice %arg14[%add3A_91, %dma_wait3A] : memref<10240x128xf32, #tpu.memory_space<vmem_shared>> -> memref<16x128xf32, #tpu.memory_space<vmem_shared>>
        %dma_wait3A_98 = arith.constant 0 : i32
        %dma_wait3A_99 = tpu.memref_slice %arg14[%add3A_91, %dma_wait3A_98] : memref<10240x128xf32, #tpu.memory_space<vmem_shared>> -> memref<16x128xf32, #tpu.memory_space<vmem_shared>>
        tpu.wait_dma2 semaphore(%run_scoped3A_92 : memref<!tpu.dma_semaphore, #tpu.memory_space<semaphore_mem>>) src(%arg13 : memref<16x128xf32, #tpu.memory_space<vmem>>) dst(%dma_wait3A_99 : memref<16x128xf32, #tpu.memory_space<vmem_shared>>)
        tpu.yield
      }) : () -> ()
    }
    %scan3A_48 = arith.constant 40 : i32
    %barrier3A_49 = arith.constant 0 : index
    tpu.barrier barrier_id(%barrier3A_49)
    %dma_start3A_50 = arith.constant 0 : i32
    %dma_start3A_51 = arith.constant 0 : i32
    %dma_start3A_52 = tpu.memref_slice %arg7[%dma_start3A_50, %dma_start3A_51] : memref<80x64xi32, #tpu.memory_space<vmem>> -> memref<1x64xi32, #tpu.memory_space<vmem>>
    %dma_start3A_53 = tpu.memref_squeeze %dma_start3A_52 : memref<1x64xi32, #tpu.memory_space<vmem>> -> memref<64xi32, #tpu.memory_space<vmem>>
    %dma_start3A_54 = arith.constant 0 : i32
    %dma_start3A_55 = arith.constant 0 : i32
    %dma_start3A_56 = tpu.memref_slice %arg3[%dma_start3A_54, %dma_start3A_55] : memref<10000x128xf32, #tpu.memory_space<hbm>> -> memref<10000x128xf32, #tpu.memory_space<hbm>>
    tpu.enqueue_indirect_dma source(%dma_start3A_56 : memref<10000x128xf32, #tpu.memory_space<hbm>>) target(%arg9 : memref<64x128xf32, #tpu.memory_space<vmem>>) offsets(%dma_start3A_53 : memref<64xi32, #tpu.memory_space<vmem>>) semaphore(%arg15 : memref<!tpu.dma_semaphore, #tpu.memory_space<semaphore_mem>>)
    %dma_start3A_57 = arith.constant 1 : i32
    %dma_start3A_58 = arith.constant 0 : i32
    %dma_start3A_59 = tpu.memref_slice %arg7[%dma_start3A_57, %dma_start3A_58] : memref<80x64xi32, #tpu.memory_space<vmem>> -> memref<1x64xi32, #tpu.memory_space<vmem>>
    %dma_start3A_60 = tpu.memref_squeeze %dma_start3A_59 : memref<1x64xi32, #tpu.memory_space<vmem>> -> memref<64xi32, #tpu.memory_space<vmem>>
    %dma_start3A_61 = arith.constant 0 : i32
    %dma_start3A_62 = arith.constant 0 : i32
    %dma_start3A_63 = tpu.memref_slice %arg3[%dma_start3A_61, %dma_start3A_62] : memref<10000x128xf32, #tpu.memory_space<hbm>> -> memref<10000x128xf32, #tpu.memory_space<hbm>>
    tpu.enqueue_indirect_dma source(%dma_start3A_63 : memref<10000x128xf32, #tpu.memory_space<hbm>>) target(%arg10 : memref<64x128xf32, #tpu.memory_space<vmem>>) offsets(%dma_start3A_60 : memref<64xi32, #tpu.memory_space<vmem>>) semaphore(%arg16 : memref<!tpu.dma_semaphore, #tpu.memory_space<semaphore_mem>>)
    %dma_start3A_64 = arith.constant 2 : i32
    %dma_start3A_65 = arith.constant 0 : i32
    %dma_start3A_66 = tpu.memref_slice %arg7[%dma_start3A_64, %dma_start3A_65] : memref<80x64xi32, #tpu.memory_space<vmem>> -> memref<1x64xi32, #tpu.memory_space<vmem>>
    %dma_start3A_67 = tpu.memref_squeeze %dma_start3A_66 : memref<1x64xi32, #tpu.memory_space<vmem>> -> memref<64xi32, #tpu.memory_space<vmem>>
    %dma_start3A_68 = arith.constant 0 : i32
    %dma_start3A_69 = arith.constant 0 : i32
    %dma_start3A_70 = tpu.memref_slice %arg3[%dma_start3A_68, %dma_start3A_69] : memref<10000x128xf32, #tpu.memory_space<hbm>> -> memref<10000x128xf32, #tpu.memory_space<hbm>>
    tpu.enqueue_indirect_dma source(%dma_start3A_70 : memref<10000x128xf32, #tpu.memory_space<hbm>>) target(%arg11 : memref<64x128xf32, #tpu.memory_space<vmem>>) offsets(%dma_start3A_67 : memref<64xi32, #tpu.memory_space<vmem>>) semaphore(%arg17 : memref<!tpu.dma_semaphore, #tpu.memory_space<semaphore_mem>>)
    %scan3A_71 = arith.constant 0 : i32
    %scan3A_72 = arith.constant 20 : i32
    %scan3A_73 = arith.addi %scan3A_71, %scan3A_72 : i32
    %scan3A_74 = arith.constant 1 : i32
    scf.for %scan3A_82 = %scan3A_71 to %scan3A_73 step %scan3A_74  : i32 {
      %mul3A_83 = arith.constant 4 : i32
      %mul3A_84 = arith.muli %scan3A_82, %mul3A_83 : i32
      %add3A_85 = arith.constant 0 : i32
      %add3A_86 = arith.addi %add3A_85, %mul3A_84 : i32
      %add3A_87 = arith.constant 0 : i32
      %add3A_88 = arith.addi %add3A_86, %add3A_87 : i32
      %lt3A = arith.constant 80 : i32
      %lt3A_89 = arith.cmpi slt, %add3A_88, %lt3A : i32
      %convert_element_type3A = arith.extui %lt3A_89 : i1 to i32
      %cond3A = arith.constant 0 : i32
      %cond3A_90 = arith.cmpi ne, %convert_element_type3A, %cond3A : i32
      scf.if %cond3A_90 {
        %dma_wait3A = arith.constant 0 : i32
        %dma_wait3A_112 = tpu.memref_slice %arg7[%add3A_88, %dma_wait3A] : memref<80x64xi32, #tpu.memory_space<vmem>> -> memref<1x64xi32, #tpu.memory_space<vmem>>
        %dma_wait3A_113 = tpu.memref_squeeze %dma_wait3A_112 : memref<1x64xi32, #tpu.memory_space<vmem>> -> memref<64xi32, #tpu.memory_space<vmem>>
        %dma_wait3A_114 = arith.constant 0 : i32
        %dma_wait3A_115 = arith.constant 0 : i32
        %dma_wait3A_116 = tpu.memref_slice %arg3[%dma_wait3A_114, %dma_wait3A_115] : memref<10000x128xf32, #tpu.memory_space<hbm>> -> memref<10000x128xf32, #tpu.memory_space<hbm>>
        tpu.wait_indirect_dma semaphore(%arg15 : memref<!tpu.dma_semaphore, #tpu.memory_space<semaphore_mem>>) src(%dma_wait3A_116 : memref<10000x128xf32, #tpu.memory_space<hbm>>) dst(%arg9 : memref<64x128xf32, #tpu.memory_space<vmem>>)
        "tpu.region"() ({
          %run_scoped3A_124 = tpu.sem_alloc : memref<!tpu.dma_semaphore, #tpu.memory_space<semaphore_mem>>
          %dma_start3A_125 = arith.constant 0 : i32
          %dma_start3A_126 = tpu.memref_slice %arg8[%add3A_88, %dma_start3A_125] : memref<80x64xi32, #tpu.memory_space<vmem>> -> memref<1x64xi32, #tpu.memory_space<vmem>>
          %dma_start3A_127 = tpu.memref_squeeze %dma_start3A_126 : memref<1x64xi32, #tpu.memory_space<vmem>> -> memref<64xi32, #tpu.memory_space<vmem>>
          %dma_start3A_128 = arith.constant 0 : i32
          %dma_start3A_129 = arith.constant 0 : i32
          %dma_start3A_130 = tpu.memref_slice %arg14[%dma_start3A_128, %dma_start3A_129] : memref<10240x128xf32, #tpu.memory_space<vmem_shared>> -> memref<10240x128xf32, #tpu.memory_space<vmem_shared>>
          tpu.enqueue_indirect_dma source(%arg9 : memref<64x128xf32, #tpu.memory_space<vmem>>) target(%dma_start3A_130 : memref<10240x128xf32, #tpu.memory_space<vmem_shared>>) offsets(%dma_start3A_127 : memref<64xi32, #tpu.memory_space<vmem>>) semaphore(%run_scoped3A_124 : memref<!tpu.dma_semaphore, #tpu.memory_space<semaphore_mem>>) {add = true}
          %dma_wait3A_131 = arith.constant 0 : i32
          %dma_wait3A_132 = tpu.memref_slice %arg8[%add3A_88, %dma_wait3A_131] : memref<80x64xi32, #tpu.memory_space<vmem>> -> memref<1x64xi32, #tpu.memory_space<vmem>>
          %dma_wait3A_133 = tpu.memref_squeeze %dma_wait3A_132 : memref<1x64xi32, #tpu.memory_space<vmem>> -> memref<64xi32, #tpu.memory_space<vmem>>
          %dma_wait3A_134 = arith.constant 0 : i32
          %dma_wait3A_135 = arith.constant 0 : i32
          %dma_wait3A_136 = tpu.memref_slice %arg14[%dma_wait3A_134, %dma_wait3A_135] : memref<10240x128xf32, #tpu.memory_space<vmem_shared>> -> memref<10240x128xf32, #tpu.memory_space<vmem_shared>>
          tpu.wait_indirect_dma semaphore(%run_scoped3A_124 : memref<!tpu.dma_semaphore, #tpu.memory_space<semaphore_mem>>) src(%arg9 : memref<64x128xf32, #tpu.memory_space<vmem>>) dst(%dma_wait3A_136 : memref<10240x128xf32, #tpu.memory_space<vmem_shared>>)
          tpu.yield
        }) : () -> ()
        %add3A_117 = arith.constant 3 : i32
        %add3A_118 = arith.addi %add3A_88, %add3A_117 : i32
        %lt3A_119 = arith.constant 80 : i32
        %lt3A_120 = arith.cmpi slt, %add3A_118, %lt3A_119 : i32
        %convert_element_type3A_121 = arith.extui %lt3A_120 : i1 to i32
        %cond3A_122 = arith.constant 0 : i32
        %cond3A_123 = arith.cmpi ne, %convert_element_type3A_121, %cond3A_122 : i32
        scf.if %cond3A_123 {
          %add3A_124 = arith.constant 3 : i32
          %add3A_125 = arith.addi %add3A_88, %add3A_124 : i32
          %dma_start3A_126 = arith.constant 0 : i32
          %dma_start3A_127 = tpu.memref_slice %arg7[%add3A_125, %dma_start3A_126] : memref<80x64xi32, #tpu.memory_space<vmem>> -> memref<1x64xi32, #tpu.memory_space<vmem>>
          %dma_start3A_128 = tpu.memref_squeeze %dma_start3A_127 : memref<1x64xi32, #tpu.memory_space<vmem>> -> memref<64xi32, #tpu.memory_space<vmem>>
          %dma_start3A_129 = arith.constant 0 : i32
          %dma_start3A_130 = arith.constant 0 : i32
          %dma_start3A_131 = tpu.memref_slice %arg3[%dma_start3A_129, %dma_start3A_130] : memref<10000x128xf32, #tpu.memory_space<hbm>> -> memref<10000x128xf32, #tpu.memory_space<hbm>>
          tpu.enqueue_indirect_dma source(%dma_start3A_131 : memref<10000x128xf32, #tpu.memory_space<hbm>>) target(%arg12 : memref<64x128xf32, #tpu.memory_space<vmem>>) offsets(%dma_start3A_128 : memref<64xi32, #tpu.memory_space<vmem>>) semaphore(%arg18 : memref<!tpu.dma_semaphore, #tpu.memory_space<semaphore_mem>>)
        } else {
        }
      } else {
      }
      %add3A_91 = arith.constant 1 : i32
      %add3A_92 = arith.addi %add3A_86, %add3A_91 : i32
      %lt3A_93 = arith.constant 80 : i32
      %lt3A_94 = arith.cmpi slt, %add3A_92, %lt3A_93 : i32
      %convert_element_type3A_95 = arith.extui %lt3A_94 : i1 to i32
      %cond3A_96 = arith.constant 0 : i32
      %cond3A_97 = arith.cmpi ne, %convert_element_type3A_95, %cond3A_96 : i32
      scf.if %cond3A_97 {
        %dma_wait3A = arith.constant 0 : i32
        %dma_wait3A_112 = tpu.memref_slice %arg7[%add3A_92, %dma_wait3A] : memref<80x64xi32, #tpu.memory_space<vmem>> -> memref<1x64xi32, #tpu.memory_space<vmem>>
        %dma_wait3A_113 = tpu.memref_squeeze %dma_wait3A_112 : memref<1x64xi32, #tpu.memory_space<vmem>> -> memref<64xi32, #tpu.memory_space<vmem>>
        %dma_wait3A_114 = arith.constant 0 : i32
        %dma_wait3A_115 = arith.constant 0 : i32
        %dma_wait3A_116 = tpu.memref_slice %arg3[%dma_wait3A_114, %dma_wait3A_115] : memref<10000x128xf32, #tpu.memory_space<hbm>> -> memref<10000x128xf32, #tpu.memory_space<hbm>>
        tpu.wait_indirect_dma semaphore(%arg16 : memref<!tpu.dma_semaphore, #tpu.memory_space<semaphore_mem>>) src(%dma_wait3A_116 : memref<10000x128xf32, #tpu.memory_space<hbm>>) dst(%arg10 : memref<64x128xf32, #tpu.memory_space<vmem>>)
        "tpu.region"() ({
          %run_scoped3A_124 = tpu.sem_alloc : memref<!tpu.dma_semaphore, #tpu.memory_space<semaphore_mem>>
          %dma_start3A_125 = arith.constant 0 : i32
          %dma_start3A_126 = tpu.memref_slice %arg8[%add3A_92, %dma_start3A_125] : memref<80x64xi32, #tpu.memory_space<vmem>> -> memref<1x64xi32, #tpu.memory_space<vmem>>
          %dma_start3A_127 = tpu.memref_squeeze %dma_start3A_126 : memref<1x64xi32, #tpu.memory_space<vmem>> -> memref<64xi32, #tpu.memory_space<vmem>>
          %dma_start3A_128 = arith.constant 0 : i32
          %dma_start3A_129 = arith.constant 0 : i32
          %dma_start3A_130 = tpu.memref_slice %arg14[%dma_start3A_128, %dma_start3A_129] : memref<10240x128xf32, #tpu.memory_space<vmem_shared>> -> memref<10240x128xf32, #tpu.memory_space<vmem_shared>>
          tpu.enqueue_indirect_dma source(%arg10 : memref<64x128xf32, #tpu.memory_space<vmem>>) target(%dma_start3A_130 : memref<10240x128xf32, #tpu.memory_space<vmem_shared>>) offsets(%dma_start3A_127 : memref<64xi32, #tpu.memory_space<vmem>>) semaphore(%run_scoped3A_124 : memref<!tpu.dma_semaphore, #tpu.memory_space<semaphore_mem>>) {add = true}
          %dma_wait3A_131 = arith.constant 0 : i32
          %dma_wait3A_132 = tpu.memref_slice %arg8[%add3A_92, %dma_wait3A_131] : memref<80x64xi32, #tpu.memory_space<vmem>> -> memref<1x64xi32, #tpu.memory_space<vmem>>
          %dma_wait3A_133 = tpu.memref_squeeze %dma_wait3A_132 : memref<1x64xi32, #tpu.memory_space<vmem>> -> memref<64xi32, #tpu.memory_space<vmem>>
          %dma_wait3A_134 = arith.constant 0 : i32
          %dma_wait3A_135 = arith.constant 0 : i32
          %dma_wait3A_136 = tpu.memref_slice %arg14[%dma_wait3A_134, %dma_wait3A_135] : memref<10240x128xf32, #tpu.memory_space<vmem_shared>> -> memref<10240x128xf32, #tpu.memory_space<vmem_shared>>
          tpu.wait_indirect_dma semaphore(%run_scoped3A_124 : memref<!tpu.dma_semaphore, #tpu.memory_space<semaphore_mem>>) src(%arg10 : memref<64x128xf32, #tpu.memory_space<vmem>>) dst(%dma_wait3A_136 : memref<10240x128xf32, #tpu.memory_space<vmem_shared>>)
          tpu.yield
        }) : () -> ()
        %add3A_117 = arith.constant 3 : i32
        %add3A_118 = arith.addi %add3A_92, %add3A_117 : i32
        %lt3A_119 = arith.constant 80 : i32
        %lt3A_120 = arith.cmpi slt, %add3A_118, %lt3A_119 : i32
        %convert_element_type3A_121 = arith.extui %lt3A_120 : i1 to i32
        %cond3A_122 = arith.constant 0 : i32
        %cond3A_123 = arith.cmpi ne, %convert_element_type3A_121, %cond3A_122 : i32
        scf.if %cond3A_123 {
          %add3A_124 = arith.constant 3 : i32
          %add3A_125 = arith.addi %add3A_92, %add3A_124 : i32
          %dma_start3A_126 = arith.constant 0 : i32
          %dma_start3A_127 = tpu.memref_slice %arg7[%add3A_125, %dma_start3A_126] : memref<80x64xi32, #tpu.memory_space<vmem>> -> memref<1x64xi32, #tpu.memory_space<vmem>>
          %dma_start3A_128 = tpu.memref_squeeze %dma_start3A_127 : memref<1x64xi32, #tpu.memory_space<vmem>> -> memref<64xi32, #tpu.memory_space<vmem>>
          %dma_start3A_129 = arith.constant 0 : i32
          %dma_start3A_130 = arith.constant 0 : i32
          %dma_start3A_131 = tpu.memref_slice %arg3[%dma_start3A_129, %dma_start3A_130] : memref<10000x128xf32, #tpu.memory_space<hbm>> -> memref<10000x128xf32, #tpu.memory_space<hbm>>
          tpu.enqueue_indirect_dma source(%dma_start3A_131 : memref<10000x128xf32, #tpu.memory_space<hbm>>) target(%arg9 : memref<64x128xf32, #tpu.memory_space<vmem>>) offsets(%dma_start3A_128 : memref<64xi32, #tpu.memory_space<vmem>>) semaphore(%arg15 : memref<!tpu.dma_semaphore, #tpu.memory_space<semaphore_mem>>)
        } else {
        }
      } else {
      }
      %add3A_98 = arith.constant 2 : i32
      %add3A_99 = arith.addi %add3A_86, %add3A_98 : i32
      %lt3A_100 = arith.constant 80 : i32
      %lt3A_101 = arith.cmpi slt, %add3A_99, %lt3A_100 : i32
      %convert_element_type3A_102 = arith.extui %lt3A_101 : i1 to i32
      %cond3A_103 = arith.constant 0 : i32
      %cond3A_104 = arith.cmpi ne, %convert_element_type3A_102, %cond3A_103 : i32
      scf.if %cond3A_104 {
        %dma_wait3A = arith.constant 0 : i32
        %dma_wait3A_112 = tpu.memref_slice %arg7[%add3A_99, %dma_wait3A] : memref<80x64xi32, #tpu.memory_space<vmem>> -> memref<1x64xi32, #tpu.memory_space<vmem>>
        %dma_wait3A_113 = tpu.memref_squeeze %dma_wait3A_112 : memref<1x64xi32, #tpu.memory_space<vmem>> -> memref<64xi32, #tpu.memory_space<vmem>>
        %dma_wait3A_114 = arith.constant 0 : i32
        %dma_wait3A_115 = arith.constant 0 : i32
        %dma_wait3A_116 = tpu.memref_slice %arg3[%dma_wait3A_114, %dma_wait3A_115] : memref<10000x128xf32, #tpu.memory_space<hbm>> -> memref<10000x128xf32, #tpu.memory_space<hbm>>
        tpu.wait_indirect_dma semaphore(%arg17 : memref<!tpu.dma_semaphore, #tpu.memory_space<semaphore_mem>>) src(%dma_wait3A_116 : memref<10000x128xf32, #tpu.memory_space<hbm>>) dst(%arg11 : memref<64x128xf32, #tpu.memory_space<vmem>>)
        "tpu.region"() ({
          %run_scoped3A_124 = tpu.sem_alloc : memref<!tpu.dma_semaphore, #tpu.memory_space<semaphore_mem>>
          %dma_start3A_125 = arith.constant 0 : i32
          %dma_start3A_126 = tpu.memref_slice %arg8[%add3A_99, %dma_start3A_125] : memref<80x64xi32, #tpu.memory_space<vmem>> -> memref<1x64xi32, #tpu.memory_space<vmem>>
          %dma_start3A_127 = tpu.memref_squeeze %dma_start3A_126 : memref<1x64xi32, #tpu.memory_space<vmem>> -> memref<64xi32, #tpu.memory_space<vmem>>
          %dma_start3A_128 = arith.constant 0 : i32
          %dma_start3A_129 = arith.constant 0 : i32
          %dma_start3A_130 = tpu.memref_slice %arg14[%dma_start3A_128, %dma_start3A_129] : memref<10240x128xf32, #tpu.memory_space<vmem_shared>> -> memref<10240x128xf32, #tpu.memory_space<vmem_shared>>
          tpu.enqueue_indirect_dma source(%arg11 : memref<64x128xf32, #tpu.memory_space<vmem>>) target(%dma_start3A_130 : memref<10240x128xf32, #tpu.memory_space<vmem_shared>>) offsets(%dma_start3A_127 : memref<64xi32, #tpu.memory_space<vmem>>) semaphore(%run_scoped3A_124 : memref<!tpu.dma_semaphore, #tpu.memory_space<semaphore_mem>>) {add = true}
          %dma_wait3A_131 = arith.constant 0 : i32
          %dma_wait3A_132 = tpu.memref_slice %arg8[%add3A_99, %dma_wait3A_131] : memref<80x64xi32, #tpu.memory_space<vmem>> -> memref<1x64xi32, #tpu.memory_space<vmem>>
          %dma_wait3A_133 = tpu.memref_squeeze %dma_wait3A_132 : memref<1x64xi32, #tpu.memory_space<vmem>> -> memref<64xi32, #tpu.memory_space<vmem>>
          %dma_wait3A_134 = arith.constant 0 : i32
          %dma_wait3A_135 = arith.constant 0 : i32
          %dma_wait3A_136 = tpu.memref_slice %arg14[%dma_wait3A_134, %dma_wait3A_135] : memref<10240x128xf32, #tpu.memory_space<vmem_shared>> -> memref<10240x128xf32, #tpu.memory_space<vmem_shared>>
          tpu.wait_indirect_dma semaphore(%run_scoped3A_124 : memref<!tpu.dma_semaphore, #tpu.memory_space<semaphore_mem>>) src(%arg11 : memref<64x128xf32, #tpu.memory_space<vmem>>) dst(%dma_wait3A_136 : memref<10240x128xf32, #tpu.memory_space<vmem_shared>>)
          tpu.yield
        }) : () -> ()
        %add3A_117 = arith.constant 3 : i32
        %add3A_118 = arith.addi %add3A_99, %add3A_117 : i32
        %lt3A_119 = arith.constant 80 : i32
        %lt3A_120 = arith.cmpi slt, %add3A_118, %lt3A_119 : i32
        %convert_element_type3A_121 = arith.extui %lt3A_120 : i1 to i32
        %cond3A_122 = arith.constant 0 : i32
        %cond3A_123 = arith.cmpi ne, %convert_element_type3A_121, %cond3A_122 : i32
        scf.if %cond3A_123 {
          %add3A_124 = arith.constant 3 : i32
          %add3A_125 = arith.addi %add3A_99, %add3A_124 : i32
          %dma_start3A_126 = arith.constant 0 : i32
          %dma_start3A_127 = tpu.memref_slice %arg7[%add3A_125, %dma_start3A_126] : memref<80x64xi32, #tpu.memory_space<vmem>> -> memref<1x64xi32, #tpu.memory_space<vmem>>
          %dma_start3A_128 = tpu.memref_squeeze %dma_start3A_127 : memref<1x64xi32, #tpu.memory_space<vmem>> -> memref<64xi32, #tpu.memory_space<vmem>>
          %dma_start3A_129 = arith.constant 0 : i32
          %dma_start3A_130 = arith.constant 0 : i32
          %dma_start3A_131 = tpu.memref_slice %arg3[%dma_start3A_129, %dma_start3A_130] : memref<10000x128xf32, #tpu.memory_space<hbm>> -> memref<10000x128xf32, #tpu.memory_space<hbm>>
          tpu.enqueue_indirect_dma source(%dma_start3A_131 : memref<10000x128xf32, #tpu.memory_space<hbm>>) target(%arg10 : memref<64x128xf32, #tpu.memory_space<vmem>>) offsets(%dma_start3A_128 : memref<64xi32, #tpu.memory_space<vmem>>) semaphore(%arg16 : memref<!tpu.dma_semaphore, #tpu.memory_space<semaphore_mem>>)
        } else {
        }
      } else {
      }
      %add3A_105 = arith.constant 3 : i32
      %add3A_106 = arith.addi %add3A_86, %add3A_105 : i32
      %lt3A_107 = arith.constant 80 : i32
      %lt3A_108 = arith.cmpi slt, %add3A_106, %lt3A_107 : i32
      %convert_element_type3A_109 = arith.extui %lt3A_108 : i1 to i32
      %cond3A_110 = arith.constant 0 : i32
      %cond3A_111 = arith.cmpi ne, %convert_element_type3A_109, %cond3A_110 : i32
      scf.if %cond3A_111 {
        %dma_wait3A = arith.constant 0 : i32
        %dma_wait3A_112 = tpu.memref_slice %arg7[%add3A_106, %dma_wait3A] : memref<80x64xi32, #tpu.memory_space<vmem>> -> memref<1x64xi32, #tpu.memory_space<vmem>>
        %dma_wait3A_113 = tpu.memref_squeeze %dma_wait3A_112 : memref<1x64xi32, #tpu.memory_space<vmem>> -> memref<64xi32, #tpu.memory_space<vmem>>
        %dma_wait3A_114 = arith.constant 0 : i32
        %dma_wait3A_115 = arith.constant 0 : i32
        %dma_wait3A_116 = tpu.memref_slice %arg3[%dma_wait3A_114, %dma_wait3A_115] : memref<10000x128xf32, #tpu.memory_space<hbm>> -> memref<10000x128xf32, #tpu.memory_space<hbm>>
        tpu.wait_indirect_dma semaphore(%arg18 : memref<!tpu.dma_semaphore, #tpu.memory_space<semaphore_mem>>) src(%dma_wait3A_116 : memref<10000x128xf32, #tpu.memory_space<hbm>>) dst(%arg12 : memref<64x128xf32, #tpu.memory_space<vmem>>)
        "tpu.region"() ({
          %run_scoped3A_124 = tpu.sem_alloc : memref<!tpu.dma_semaphore, #tpu.memory_space<semaphore_mem>>
          %dma_start3A_125 = arith.constant 0 : i32
          %dma_start3A_126 = tpu.memref_slice %arg8[%add3A_106, %dma_start3A_125] : memref<80x64xi32, #tpu.memory_space<vmem>> -> memref<1x64xi32, #tpu.memory_space<vmem>>
          %dma_start3A_127 = tpu.memref_squeeze %dma_start3A_126 : memref<1x64xi32, #tpu.memory_space<vmem>> -> memref<64xi32, #tpu.memory_space<vmem>>
          %dma_start3A_128 = arith.constant 0 : i32
          %dma_start3A_129 = arith.constant 0 : i32
          %dma_start3A_130 = tpu.memref_slice %arg14[%dma_start3A_128, %dma_start3A_129] : memref<10240x128xf32, #tpu.memory_space<vmem_shared>> -> memref<10240x128xf32, #tpu.memory_space<vmem_shared>>
          tpu.enqueue_indirect_dma source(%arg12 : memref<64x128xf32, #tpu.memory_space<vmem>>) target(%dma_start3A_130 : memref<10240x128xf32, #tpu.memory_space<vmem_shared>>) offsets(%dma_start3A_127 : memref<64xi32, #tpu.memory_space<vmem>>) semaphore(%run_scoped3A_124 : memref<!tpu.dma_semaphore, #tpu.memory_space<semaphore_mem>>) {add = true}
          %dma_wait3A_131 = arith.constant 0 : i32
          %dma_wait3A_132 = tpu.memref_slice %arg8[%add3A_106, %dma_wait3A_131] : memref<80x64xi32, #tpu.memory_space<vmem>> -> memref<1x64xi32, #tpu.memory_space<vmem>>
          %dma_wait3A_133 = tpu.memref_squeeze %dma_wait3A_132 : memref<1x64xi32, #tpu.memory_space<vmem>> -> memref<64xi32, #tpu.memory_space<vmem>>
          %dma_wait3A_134 = arith.constant 0 : i32
          %dma_wait3A_135 = arith.constant 0 : i32
          %dma_wait3A_136 = tpu.memref_slice %arg14[%dma_wait3A_134, %dma_wait3A_135] : memref<10240x128xf32, #tpu.memory_space<vmem_shared>> -> memref<10240x128xf32, #tpu.memory_space<vmem_shared>>
          tpu.wait_indirect_dma semaphore(%run_scoped3A_124 : memref<!tpu.dma_semaphore, #tpu.memory_space<semaphore_mem>>) src(%arg12 : memref<64x128xf32, #tpu.memory_space<vmem>>) dst(%dma_wait3A_136 : memref<10240x128xf32, #tpu.memory_space<vmem_shared>>)
          tpu.yield
        }) : () -> ()
        %add3A_117 = arith.constant 3 : i32
        %add3A_118 = arith.addi %add3A_106, %add3A_117 : i32
        %lt3A_119 = arith.constant 80 : i32
        %lt3A_120 = arith.cmpi slt, %add3A_118, %lt3A_119 : i32
        %convert_element_type3A_121 = arith.extui %lt3A_120 : i1 to i32
        %cond3A_122 = arith.constant 0 : i32
        %cond3A_123 = arith.cmpi ne, %convert_element_type3A_121, %cond3A_122 : i32
        scf.if %cond3A_123 {
          %add3A_124 = arith.constant 3 : i32
          %add3A_125 = arith.addi %add3A_106, %add3A_124 : i32
          %dma_start3A_126 = arith.constant 0 : i32
          %dma_start3A_127 = tpu.memref_slice %arg7[%add3A_125, %dma_start3A_126] : memref<80x64xi32, #tpu.memory_space<vmem>> -> memref<1x64xi32, #tpu.memory_space<vmem>>
          %dma_start3A_128 = tpu.memref_squeeze %dma_start3A_127 : memref<1x64xi32, #tpu.memory_space<vmem>> -> memref<64xi32, #tpu.memory_space<vmem>>
          %dma_start3A_129 = arith.constant 0 : i32
          %dma_start3A_130 = arith.constant 0 : i32
          %dma_start3A_131 = tpu.memref_slice %arg3[%dma_start3A_129, %dma_start3A_130] : memref<10000x128xf32, #tpu.memory_space<hbm>> -> memref<10000x128xf32, #tpu.memory_space<hbm>>
          tpu.enqueue_indirect_dma source(%dma_start3A_131 : memref<10000x128xf32, #tpu.memory_space<hbm>>) target(%arg11 : memref<64x128xf32, #tpu.memory_space<vmem>>) offsets(%dma_start3A_128 : memref<64xi32, #tpu.memory_space<vmem>>) semaphore(%arg17 : memref<!tpu.dma_semaphore, #tpu.memory_space<semaphore_mem>>)
        } else {
        }
      } else {
      }
    }
    %scan3A_75 = arith.constant 20 : i32
    %barrier3A_76 = arith.constant 0 : index
    tpu.barrier barrier_id(%barrier3A_76)
    %mul3A_77 = arith.constant 625 : i32
    %mul3A_78 = arith.muli %arg1, %mul3A_77 : i32
    %mul3A_79 = arith.constant 625 : i32
    %mul3A_80 = arith.muli %arg1, %mul3A_79 : i32
    %run_scoped3A_81 = arith.constant 1 : i32
    "tpu.region"() ({
      %run_scoped3A_82 = tpu.sem_alloc : memref<!tpu.dma_semaphore, #tpu.memory_space<semaphore_mem>>
      %dma_start3A_83 = arith.constant 0 : i32
      %dma_start3A_84 = tpu.memref_slice %arg6[%run_scoped3A_81, %arg0, %mul3A_80, %dma_start3A_83] : memref<2x2x10000x128xf32, #tpu.memory_space<hbm>> -> memref<1x1x625x128xf32, #tpu.memory_space<hbm>>
      %dma_start3A_85 = tpu.memref_squeeze %dma_start3A_84 : memref<1x1x625x128xf32, #tpu.memory_space<hbm>> -> memref<625x128xf32, #tpu.memory_space<hbm>>
      %dma_start3A_86 = arith.constant 0 : i32
      %dma_start3A_87 = tpu.memref_slice %arg14[%mul3A_78, %dma_start3A_86] : memref<10240x128xf32, #tpu.memory_space<vmem_shared>> -> memref<625x128xf32, #tpu.memory_space<vmem_shared>>
      tpu.enqueue_dma source(%dma_start3A_87 : memref<625x128xf32, #tpu.memory_space<vmem_shared>>) target(%dma_start3A_85 : memref<625x128xf32, #tpu.memory_space<hbm>>) target_semaphore(%run_scoped3A_82 : memref<!tpu.dma_semaphore, #tpu.memory_space<semaphore_mem>>)
      %dma_wait3A = arith.constant 0 : i32
      %dma_wait3A_88 = tpu.memref_slice %arg6[%run_scoped3A_81, %arg0, %mul3A_80, %dma_wait3A] : memref<2x2x10000x128xf32, #tpu.memory_space<hbm>> -> memref<1x1x625x128xf32, #tpu.memory_space<hbm>>
      %dma_wait3A_89 = tpu.memref_squeeze %dma_wait3A_88 : memref<1x1x625x128xf32, #tpu.memory_space<hbm>> -> memref<625x128xf32, #tpu.memory_space<hbm>>
      %dma_wait3A_90 = arith.constant 0 : i32
      %dma_wait3A_91 = tpu.memref_slice %arg14[%mul3A_78, %dma_wait3A_90] : memref<10240x128xf32, #tpu.memory_space<vmem_shared>> -> memref<625x128xf32, #tpu.memory_space<vmem_shared>>
      tpu.wait_dma2 semaphore(%run_scoped3A_82 : memref<!tpu.dma_semaphore, #tpu.memory_space<semaphore_mem>>) src(%dma_wait3A_91 : memref<625x128xf32, #tpu.memory_space<vmem_shared>>) dst(%dma_wait3A_89 : memref<625x128xf32, #tpu.memory_space<hbm>>)
      tpu.yield
    }) : () -> ()
    return
  }
}

module attributes {stable_mosaic.version = 14 : i64} {
  func.func @body(%arg0: i32, %arg1: memref<400x256xf32, #tpu.memory_space<vmem>>, %arg2: memref<256x256xf32, #tpu.memory_space<vmem>>, %arg3: memref<400x1xi32, #tpu.memory_space<vmem>>, %arg4: memref<400x1xi32, #tpu.memory_space<vmem>>, %arg5: memref<400x128xf32, #tpu.memory_space<vmem>>, %arg6: memref<400x128xf32, #tpu.memory_space<vmem>>, %arg7: memref<400x1xf32, #tpu.memory_space<vmem>>) attributes {dimension_semantics = [#tpu.dimension_semantics<arbitrary>], iteration_bounds = array<i64: 25>, scalar_prefetch = 0 : i64, scratch_operands = 0 : i64, tpu.core_type = #tpu.core_type<tc>, window_params = [{transform_indices = @transform_0, window_bounds = array<i64: 400, 256>}, {pipeline_mode = #tpu.pipeline_mode<synchronous>, transform_indices = @transform_1, window_bounds = array<i64: 256, 256>}, {transform_indices = @transform_2, window_bounds = array<i64: 400, 1>}, {transform_indices = @transform_3, window_bounds = array<i64: 400, 1>}, {transform_indices = @transform_4, window_bounds = array<i64: 400, 128>}, {transform_indices = @transform_5, window_bounds = array<i64: 400, 128>}, {transform_indices = @transform_6, window_bounds = array<i64: 400, 1>}]} {
    %get3A = arith.constant 0 : index
    %get3A_0 = arith.constant 0 : index
    %get3A_1 = vector.load %arg3[%get3A, %get3A_0] : memref<400x1xi32, #tpu.memory_space<vmem>>, vector<400x1xi32>
    %get3A_2 = arith.constant 0 : index
    %get3A_3 = arith.constant 0 : index
    %get3A_4 = vector.load %arg4[%get3A_2, %get3A_3] : memref<400x1xi32, #tpu.memory_space<vmem>>, vector<400x1xi32>
    %add3A = arith.addi %get3A_1, %get3A_4 : vector<400x1xi32>
    %convert_element_type3A = arith.sitofp %add3A : vector<400x1xi32> to vector<400x1xf32>
    %add3A_5 = arith.constant 1.000000e+00 : f32
    %add3A_6 = vector.broadcast %add3A_5 : f32 to vector<400x1xf32>
    %add3A_7 = arith.addf %convert_element_type3A, %add3A_6 : vector<400x1xf32>
    %rsqrt3A = math.rsqrt %add3A_7 : vector<400x1xf32>
    %swap3A = arith.constant 0 : index
    %swap3A_8 = arith.constant 0 : index
    %swap3A_9 = vector.load %arg7[%swap3A, %swap3A_8] : memref<400x1xf32, #tpu.memory_space<vmem>>, vector<400x1xf32>
    tpu.vector_store %arg7[%swap3A, %swap3A_8], %rsqrt3A {strides = array<i32>} : memref<400x1xf32, #tpu.memory_space<vmem>>, vector<400x1xf32>,
    %get3A_10 = arith.constant 0 : index
    %get3A_11 = arith.constant 0 : index
    %get3A_12 = vector.load %arg1[%get3A_10, %get3A_11] : memref<400x256xf32, #tpu.memory_space<vmem>>, vector<400x256xf32>
    %get3A_13 = arith.constant 0 : index
    %get3A_14 = arith.constant 0 : index
    %get3A_15 = vector.load %arg2[%get3A_13, %get3A_14] : memref<256x256xf32, #tpu.memory_space<vmem>>, vector<256x256xf32>
    %dot_general3A = arith.constant dense<0.000000e+00> : vector<400x256xf32>
    %dot_general3A_16 = tpu.matmul %get3A_12, %get3A_15, %dot_general3A {dimension_numbers = #tpu.dot_dimension_numbers<[1], [0], [0], [1], [0, 0, 1, 1], [], []>, transpose_lhs_hint = false} : vector<400x256xf32>, vector<256x256xf32>, vector<400x256xf32> -> vector<400x256xf32>
    %mul3A = vector.broadcast %rsqrt3A : vector<400x1xf32> to vector<400x256xf32>
    %mul3A_17 = arith.mulf %dot_general3A_16, %mul3A : vector<400x256xf32>
    %slice3A = vector.extract_strided_slice %mul3A_17 {offsets = [0, 0], sizes = [400, 128], strides = [1, 1]} : vector<400x256xf32> to vector<400x128xf32>
    %swap3A_18 = arith.constant 0 : index
    %swap3A_19 = arith.constant 0 : index
    %swap3A_20 = vector.load %arg5[%swap3A_18, %swap3A_19] : memref<400x128xf32, #tpu.memory_space<vmem>>, vector<400x128xf32>
    tpu.vector_store %arg5[%swap3A_18, %swap3A_19], %slice3A {strides = array<i32>} : memref<400x128xf32, #tpu.memory_space<vmem>>, vector<400x128xf32>,
    %slice3A_21 = vector.extract_strided_slice %mul3A_17 {offsets = [0, 128], sizes = [400, 128], strides = [1, 1]} : vector<400x256xf32> to vector<400x128xf32>
    %swap3A_22 = arith.constant 0 : index
    %swap3A_23 = arith.constant 0 : index
    %swap3A_24 = vector.load %arg6[%swap3A_22, %swap3A_23] : memref<400x128xf32, #tpu.memory_space<vmem>>, vector<400x128xf32>
    tpu.vector_store %arg6[%swap3A_22, %swap3A_23], %slice3A_21 {strides = array<i32>} : memref<400x128xf32, #tpu.memory_space<vmem>>, vector<400x128xf32>,
    return
  }
  func.func @transform_0(%arg0: i32) -> (i32, i32) {
    %c0_i32 = arith.constant 0 : i32
    %c0_i32_0 = arith.constant 0 : i32
    return %arg0, %c0_i32 : i32, i32
  }
  func.func @transform_1(%arg0: i32) -> (i32, i32) {
    %c0_i32 = arith.constant 0 : i32
    %c0_i32_0 = arith.constant 0 : i32
    %c0_i32_1 = arith.constant 0 : i32
    return %c0_i32, %c0_i32_0 : i32, i32
  }
  func.func @transform_2(%arg0: i32) -> (i32, i32) {
    %c0_i32 = arith.constant 0 : i32
    %c0_i32_0 = arith.constant 0 : i32
    return %arg0, %c0_i32 : i32, i32
  }
  func.func @transform_3(%arg0: i32) -> (i32, i32) {
    %c0_i32 = arith.constant 0 : i32
    %c0_i32_0 = arith.constant 0 : i32
    return %arg0, %c0_i32 : i32, i32
  }
  func.func @transform_4(%arg0: i32) -> (i32, i32) {
    %c0_i32 = arith.constant 0 : i32
    %c0_i32_0 = arith.constant 0 : i32
    return %arg0, %c0_i32 : i32, i32
  }
  func.func @transform_5(%arg0: i32) -> (i32, i32) {
    %c0_i32 = arith.constant 0 : i32
    %c0_i32_0 = arith.constant 0 : i32
    return %arg0, %c0_i32 : i32, i32
  }
  func.func @transform_6(%arg0: i32) -> (i32, i32) {
    %c0_i32 = arith.constant 0 : i32
    %c0_i32_0 = arith.constant 0 : i32
    return %arg0, %c0_i32 : i32, i32
  }
}

module attributes {stable_mosaic.version = 14 : i64} {
  func.func @body(%arg0: i32, %arg1: memref<2x400x128xf32, #tpu.memory_space<vmem>>, %arg2: memref<400x128xf32, #tpu.memory_space<vmem>>, %arg3: memref<400x1xf32, #tpu.memory_space<vmem>>, %arg4: memref<1x128xf32, #tpu.memory_space<vmem>>, %arg5: memref<400x128xf32, #tpu.memory_space<vmem>>) attributes {dimension_semantics = [#tpu.dimension_semantics<arbitrary>], iteration_bounds = array<i64: 25>, scalar_prefetch = 0 : i64, scratch_operands = 0 : i64, tpu.core_type = #tpu.core_type<tc>, window_params = [{transform_indices = @transform_0, window_bounds = array<i64: 2, 400, 128>}, {transform_indices = @transform_1, window_bounds = array<i64: 400, 128>}, {transform_indices = @transform_2, window_bounds = array<i64: 400, 1>}, {pipeline_mode = #tpu.pipeline_mode<synchronous>, transform_indices = @transform_3, window_bounds = array<i64: 1, 128>}, {transform_indices = @transform_4, window_bounds = array<i64: 400, 128>}]} {
    %get3A = arith.constant 0 : index
    %get3A_0 = arith.constant 0 : index
    %get3A_1 = vector.load %arg3[%get3A, %get3A_0] : memref<400x1xf32, #tpu.memory_space<vmem>>, vector<400x1xf32>
    %get3A_2 = arith.constant 0 : index
    %get3A_3 = arith.constant 0 : index
    %get3A_4 = arith.constant 0 : index
    %get3A_5 = vector.load %arg1[%get3A_2, %get3A_3, %get3A_4] : memref<2x400x128xf32, #tpu.memory_space<vmem>>, vector<1x400x128xf32>
    %get3A_6 = vector.shape_cast %get3A_5 : vector<1x400x128xf32> to vector<400x128xf32>
    %get3A_7 = arith.constant 1 : index
    %get3A_8 = arith.constant 0 : index
    %get3A_9 = arith.constant 0 : index
    %get3A_10 = vector.load %arg1[%get3A_7, %get3A_8, %get3A_9] : memref<2x400x128xf32, #tpu.memory_space<vmem>>, vector<1x400x128xf32>
    %get3A_11 = vector.shape_cast %get3A_10 : vector<1x400x128xf32> to vector<400x128xf32>
    %add3A = arith.addf %get3A_6, %get3A_11 : vector<400x128xf32>
    %get3A_12 = arith.constant 0 : index
    %get3A_13 = arith.constant 0 : index
    %get3A_14 = vector.load %arg2[%get3A_12, %get3A_13] : memref<400x128xf32, #tpu.memory_space<vmem>>, vector<400x128xf32>
    %add3A_15 = arith.addf %add3A, %get3A_14 : vector<400x128xf32>
    %mul3A = vector.broadcast %get3A_1 : vector<400x1xf32> to vector<400x128xf32>
    %mul3A_16 = arith.mulf %mul3A, %add3A_15 : vector<400x128xf32>
    %get3A_17 = arith.constant 0 : index
    %get3A_18 = arith.constant 0 : index
    %get3A_19 = vector.load %arg4[%get3A_17, %get3A_18] : memref<1x128xf32, #tpu.memory_space<vmem>>, vector<1x128xf32>
    %add3A_20 = vector.broadcast %get3A_19 : vector<1x128xf32> to vector<400x128xf32>
    %add3A_21 = arith.addf %mul3A_16, %add3A_20 : vector<400x128xf32>
    %swap3A = arith.constant 0 : index
    %swap3A_22 = arith.constant 0 : index
    %swap3A_23 = vector.load %arg5[%swap3A, %swap3A_22] : memref<400x128xf32, #tpu.memory_space<vmem>>, vector<400x128xf32>
    tpu.vector_store %arg5[%swap3A, %swap3A_22], %add3A_21 {strides = array<i32>} : memref<400x128xf32, #tpu.memory_space<vmem>>, vector<400x128xf32>,
    return
  }
  func.func @transform_0(%arg0: i32) -> (i32, i32, i32) {
    %c0_i32 = arith.constant 0 : i32
    %c0_i32_0 = arith.constant 0 : i32
    %c0_i32_1 = arith.constant 0 : i32
    return %c0_i32, %arg0, %c0_i32_0 : i32, i32, i32
  }
  func.func @transform_1(%arg0: i32) -> (i32, i32) {
    %c0_i32 = arith.constant 0 : i32
    %c0_i32_0 = arith.constant 0 : i32
    return %arg0, %c0_i32 : i32, i32
  }
  func.func @transform_2(%arg0: i32) -> (i32, i32) {
    %c0_i32 = arith.constant 0 : i32
    %c0_i32_0 = arith.constant 0 : i32
    return %arg0, %c0_i32 : i32, i32
  }
  func.func @transform_3(%arg0: i32) -> (i32, i32) {
    %c0_i32 = arith.constant 0 : i32
    %c0_i32_0 = arith.constant 0 : i32
    %c0_i32_1 = arith.constant 0 : i32
    return %c0_i32, %c0_i32_0 : i32, i32
  }
  func.func @transform_4(%arg0: i32) -> (i32, i32) {
    %c0_i32 = arith.constant 0 : i32
    %c0_i32_0 = arith.constant 0 : i32
    return %arg0, %c0_i32 : i32, i32
  }
}

module attributes {stable_mosaic.version = 14 : i64} {
  func.func @body(%arg0: i32, %arg1: memref<4x400x128xf32, #tpu.memory_space<vmem>>, %arg2: memref<400x128xf32, #tpu.memory_space<vmem>>, %arg3: memref<400x128xf32, #tpu.memory_space<vmem>>, %arg4: memref<400x1xf32, #tpu.memory_space<vmem>>, %arg5: memref<2x128xf32, #tpu.memory_space<vmem>>, %arg6: memref<256x128xf32, #tpu.memory_space<vmem>>, %arg7: memref<400x128xf32, #tpu.memory_space<vmem>>) attributes {dimension_semantics = [#tpu.dimension_semantics<arbitrary>], iteration_bounds = array<i64: 25>, scalar_prefetch = 0 : i64, scratch_operands = 0 : i64, tpu.core_type = #tpu.core_type<tc>, window_params = [{transform_indices = @transform_0, window_bounds = array<i64: 4, 400, 128>}, {transform_indices = @transform_1, window_bounds = array<i64: 400, 128>}, {transform_indices = @transform_2, window_bounds = array<i64: 400, 128>}, {transform_indices = @transform_3, window_bounds = array<i64: 400, 1>}, {pipeline_mode = #tpu.pipeline_mode<synchronous>, transform_indices = @transform_4, window_bounds = array<i64: 2, 128>}, {pipeline_mode = #tpu.pipeline_mode<synchronous>, transform_indices = @transform_5, window_bounds = array<i64: 256, 128>}, {transform_indices = @transform_6, window_bounds = array<i64: 400, 128>}]} {
    %get3A = arith.constant 0 : index
    %get3A_0 = arith.constant 0 : index
    %get3A_1 = vector.load %arg4[%get3A, %get3A_0] : memref<400x1xf32, #tpu.memory_space<vmem>>, vector<400x1xf32>
    %get3A_2 = arith.constant 0 : index
    %get3A_3 = arith.constant 0 : index
    %get3A_4 = arith.constant 0 : index
    %get3A_5 = vector.load %arg1[%get3A_2, %get3A_3, %get3A_4] : memref<4x400x128xf32, #tpu.memory_space<vmem>>, vector<1x400x128xf32>
    %get3A_6 = vector.shape_cast %get3A_5 : vector<1x400x128xf32> to vector<400x128xf32>
    %get3A_7 = arith.constant 1 : index
    %get3A_8 = arith.constant 0 : index
    %get3A_9 = arith.constant 0 : index
    %get3A_10 = vector.load %arg1[%get3A_7, %get3A_8, %get3A_9] : memref<4x400x128xf32, #tpu.memory_space<vmem>>, vector<1x400x128xf32>
    %get3A_11 = vector.shape_cast %get3A_10 : vector<1x400x128xf32> to vector<400x128xf32>
    %add3A = arith.addf %get3A_6, %get3A_11 : vector<400x128xf32>
    %get3A_12 = arith.constant 0 : index
    %get3A_13 = arith.constant 0 : index
    %get3A_14 = vector.load %arg2[%get3A_12, %get3A_13] : memref<400x128xf32, #tpu.memory_space<vmem>>, vector<400x128xf32>
    %add3A_15 = arith.addf %add3A, %get3A_14 : vector<400x128xf32>
    %mul3A = vector.broadcast %get3A_1 : vector<400x1xf32> to vector<400x128xf32>
    %mul3A_16 = arith.mulf %mul3A, %add3A_15 : vector<400x128xf32>
    %get3A_17 = arith.constant 0 : index
    %get3A_18 = arith.constant 0 : index
    %get3A_19 = vector.load %arg5[%get3A_17, %get3A_18] : memref<2x128xf32, #tpu.memory_space<vmem>>, vector<1x128xf32>
    %add3A_20 = vector.broadcast %get3A_19 : vector<1x128xf32> to vector<400x128xf32>
    %add3A_21 = arith.addf %mul3A_16, %add3A_20 : vector<400x128xf32>
    %get3A_22 = arith.constant 2 : index
    %get3A_23 = arith.constant 0 : index
    %get3A_24 = arith.constant 0 : index
    %get3A_25 = vector.load %arg1[%get3A_22, %get3A_23, %get3A_24] : memref<4x400x128xf32, #tpu.memory_space<vmem>>, vector<1x400x128xf32>
    %get3A_26 = vector.shape_cast %get3A_25 : vector<1x400x128xf32> to vector<400x128xf32>
    %get3A_27 = arith.constant 3 : index
    %get3A_28 = arith.constant 0 : index
    %get3A_29 = arith.constant 0 : index
    %get3A_30 = vector.load %arg1[%get3A_27, %get3A_28, %get3A_29] : memref<4x400x128xf32, #tpu.memory_space<vmem>>, vector<1x400x128xf32>
    %get3A_31 = vector.shape_cast %get3A_30 : vector<1x400x128xf32> to vector<400x128xf32>
    %add3A_32 = arith.addf %get3A_26, %get3A_31 : vector<400x128xf32>
    %get3A_33 = arith.constant 0 : index
    %get3A_34 = arith.constant 0 : index
    %get3A_35 = vector.load %arg3[%get3A_33, %get3A_34] : memref<400x128xf32, #tpu.memory_space<vmem>>, vector<400x128xf32>
    %add3A_36 = arith.addf %add3A_32, %get3A_35 : vector<400x128xf32>
    %mul3A_37 = vector.broadcast %get3A_1 : vector<400x1xf32> to vector<400x128xf32>
    %mul3A_38 = arith.mulf %mul3A_37, %add3A_36 : vector<400x128xf32>
    %get3A_39 = arith.constant 1 : index
    %get3A_40 = arith.constant 0 : index
    %get3A_41 = vector.load %arg5[%get3A_39, %get3A_40] : memref<2x128xf32, #tpu.memory_space<vmem>>, vector<1x128xf32>
    %add3A_42 = vector.broadcast %get3A_41 : vector<1x128xf32> to vector<400x128xf32>
    %add3A_43 = arith.addf %mul3A_38, %add3A_42 : vector<400x128xf32>
    %max3A = arith.constant 0.000000e+00 : f32
    %max3A_44 = vector.broadcast %max3A : f32 to vector<400x128xf32>
    %max3A_45 = arith.maximumf %add3A_21, %max3A_44 : vector<400x128xf32>
    %max3A_46 = arith.constant 0.000000e+00 : f32
    %max3A_47 = vector.broadcast %max3A_46 : f32 to vector<400x128xf32>
    %max3A_48 = arith.maximumf %add3A_43, %max3A_47 : vector<400x128xf32>
    %concatenate3A = tpu.concatenate %max3A_45, %max3A_48 in 1 : vector<400x128xf32>, vector<400x128xf32> -> vector<400x256xf32>
    %get3A_49 = arith.constant 0 : index
    %get3A_50 = arith.constant 0 : index
    %get3A_51 = vector.load %arg6[%get3A_49, %get3A_50] : memref<256x128xf32, #tpu.memory_space<vmem>>, vector<256x128xf32>
    %dot_general3A = arith.constant dense<0.000000e+00> : vector<400x128xf32>
    %dot_general3A_52 = tpu.matmul %concatenate3A, %get3A_51, %dot_general3A {dimension_numbers = #tpu.dot_dimension_numbers<[1], [0], [0], [1], [0, 0, 1, 1], [], []>, transpose_lhs_hint = false} : vector<400x256xf32>, vector<256x128xf32>, vector<400x128xf32> -> vector<400x128xf32>
    %mul3A_53 = vector.broadcast %get3A_1 : vector<400x1xf32> to vector<400x128xf32>
    %mul3A_54 = arith.mulf %dot_general3A_52, %mul3A_53 : vector<400x128xf32>
    %swap3A = arith.constant 0 : index
    %swap3A_55 = arith.constant 0 : index
    %swap3A_56 = vector.load %arg7[%swap3A, %swap3A_55] : memref<400x128xf32, #tpu.memory_space<vmem>>, vector<400x128xf32>
    tpu.vector_store %arg7[%swap3A, %swap3A_55], %mul3A_54 {strides = array<i32>} : memref<400x128xf32, #tpu.memory_space<vmem>>, vector<400x128xf32>,
    return
  }
  func.func @transform_0(%arg0: i32) -> (i32, i32, i32) {
    %c0_i32 = arith.constant 0 : i32
    %c0_i32_0 = arith.constant 0 : i32
    %c0_i32_1 = arith.constant 0 : i32
    return %c0_i32, %arg0, %c0_i32_0 : i32, i32, i32
  }
  func.func @transform_1(%arg0: i32) -> (i32, i32) {
    %c0_i32 = arith.constant 0 : i32
    %c0_i32_0 = arith.constant 0 : i32
    return %arg0, %c0_i32 : i32, i32
  }
  func.func @transform_2(%arg0: i32) -> (i32, i32) {
    %c0_i32 = arith.constant 0 : i32
    %c0_i32_0 = arith.constant 0 : i32
    return %arg0, %c0_i32 : i32, i32
  }
  func.func @transform_3(%arg0: i32) -> (i32, i32) {
    %c0_i32 = arith.constant 0 : i32
    %c0_i32_0 = arith.constant 0 : i32
    return %arg0, %c0_i32 : i32, i32
  }
  func.func @transform_4(%arg0: i32) -> (i32, i32) {
    %c0_i32 = arith.constant 0 : i32
    %c0_i32_0 = arith.constant 0 : i32
    %c0_i32_1 = arith.constant 0 : i32
    return %c0_i32, %c0_i32_0 : i32, i32
  }
  func.func @transform_5(%arg0: i32) -> (i32, i32) {
    %c0_i32 = arith.constant 0 : i32
    %c0_i32_0 = arith.constant 0 : i32
    %c0_i32_1 = arith.constant 0 : i32
    return %c0_i32, %c0_i32_0 : i32, i32
  }
  func.func @transform_6(%arg0: i32) -> (i32, i32) {
    %c0_i32 = arith.constant 0 : i32
    %c0_i32_0 = arith.constant 0 : i32
    return %arg0, %c0_i32 : i32, i32
  }
}

</mosaic_0001>

<sc_bundles>
// kernel: kernel.11.cloned.1.call-start
scs
__scs_entry_jumppad:
0x0: {  	(pc) =	sbr.rel $0x88, $3  }
0x1: {  	(tag) =	ssettag $0x0;
	lr =	simm.s32 $0x1  }
0x2: {  	[smem:$0x3F9B] =	sst lr;
	_ =	strace $0xD0000000  }
0x3: {  	_ = 	snop  }
0x4: {  	_ = 	snop  }
0x5: {  	_ = 	snop  }
0x6: {  	_ = 	snop  }
0x7: {  	_ = 	snop  }
__scs_overlays_trampoline_lowered:
0x8: {  	[smem:$0x3FAA] =	sst s0  }
0x9: {  	[smem:$0x3FAB] =	sst s1  }
0xa: {  	[smem:$0x3FAC] =	sst s2  }
0xb: {  	[smem:$0x3FAD] =	sst s3  }
0xc: {  	[smem:$0x3FAE] =	sst s4  }
0xd: {  	[smem:$0x3FAF] =	sst s5  }
0xe: {  	[smem:$0x3FB0] =	sst s6  }
0xf: {  	[smem:$0x3FB1] =	sst s7  }
0x10: {  	[smem:$0x3FB2] =	sst s8  }
0x11: {  	[smem:$0x3FB3] =	sst s9;
	s0 =	simm.s32 @!p0 $0x0  }
0x12: {  	s1 =	sld [smem:$0x3F99];
	s0 =	simm.s32 @p0 $0x1  }
0x13: {  	[smem:$0x3FB4] =	sst s0;
	s0 =	simm.s32 @!p1 $0x0  }
0x14: {  	s2 =	sld [smem:$0x3F98];
	s0 =	simm.s32 @p1 $0x1  }
0x15: {  	[smem:$0x3FB5] =	sst s0;
	s0 =	simm.s32 @!p2 $0x0  }
0x16: {  	s3 =	sld [smem:$0x3FDB];
	s0 =	simm.s32 @p2 $0x1  }
0x17: {  	s4 =	simm.s32 $0x1BF5;
	[smem:$0x3FB7] =	sst s0  }
0x18: {  	s0 =	sld [smem:$0x3F9A];
	_ =	swait.ge [sflag:s4], $0x0  }
0x19: {  	s7 =	sld [smem:$0x3F9B]  }
0x1a: {  	s8 =	sadd.s32 $0xFFFFE003, lr  }
0x1b: {  	s9 =	sadd.s32 $0xFFFFFEF7, lr;
	s5 =	simm.s32 $0xFFFFFFFF;
	p2 =	slt.u32 s8, $0xFFFFF086  }
0x1c: {  	p1 =	slt.u32 s9, $0xF7A;
	s5 =	simm.s32 @!p2 $0x0  }
0x1d: {  	s5 =	simm.s32 @p1 $0x1;
	p0 =	seq.s32 s7, s2  }
0x1e: {  	s7 =	smul.u32 @!p0 $0xF7A, s2;
	p2 =	seq.s32 @!p0 s5, $0x0  }
0x1f: {  	s9 =	smul.u32 $0xF7A, s1;
	s8 =	simm.s32 @!p0 $0x1BF5;
	p2 =	por !p2, p0  }
0x20: {  	[sflag:s8] =	ssyncset.s32 @!p0 $0xFFFFF086;
	s6 =	sadd.s32 @!p0 s3, s7;
	s7 =	simm.s32 @!p0 $0x108  }
0x21: {  	s3 =	sadd.s32 s3, s9;
	s6 =	sadd.s32 @!p0 $0x88, s6;
	s7 =	simm.s32 @p2 $0x1082  }
0x22: {  	[simem:s7], [sflag:s8] =	dma.local @!p0 [hbm:s6], $0xF7A  }
0x23: {  	s9 =	sor.u32 $0xD0000000, s2;
	s6 =	simm.s32 $0x108;
	_ =	swait.ge @!p0 [sflag:s8], $0x0  }
0x24: {  	s3 =	sadd.s32 $0x88, s3;
	s6 =	simm.s32 @!p1 $0x1082;
	[sflag:s4] =	ssyncset.s32 $0xFFFFF086  }
0x25: {  	[simem:s6], [sflag:s4] =	dma.local [hbm:s3], $0xF7A  }
0x26: {  	[smem:$0x3F9B] =	sst s1;
	(tag) =	ssettag s2;
	_ =	strace s9  }
0x27: {  	s1 =	sld [smem:$0x3FAB]  }
0x28: {  	s2 =	sld [smem:$0x3FAC]  }
0x29: {  	s4 =	sld [smem:$0x3FAE]  }
0x2a: {  	p0 =	seq.s32 s5, $0x0;
	s5 =	sld [smem:$0x3FAF]  }
0x2b: {  	s6 =	sld [smem:$0x3FB0]  }
0x2c: {  	s7 =	sld [smem:$0x3FB1]  }
0x2d: {  	s3 =	simm.s32 $0x108;
	s8 =	sld [smem:$0x3FB2]  }
0x2e: {  	s3 =	simm.s32 @!p0 $0x1082;
	s9 =	sld [smem:$0x3FB3]  }
0x2f: {  	lr =	sadd.s32 s0, s3;
	s0 =	sld [smem:$0x3FAA]  }
0x30: {  	s3 =	sld [smem:$0x3FAD]  }
0x31: {  	[smem:$0x3FB6] =	sst s10  }
0x32: {  	s10 =	sld [smem:$0x3FB4];
	_ =	sdelay $0x3  }
0x33: {  	p0 =	seq.s32 s10, $0x1;
	s10 =	sld [smem:$0x3FB6];
	_ =	sdelay $0x3  }
0x34: {  	[smem:$0x3FB6] =	sst s10  }
0x35: {  	s10 =	sld [smem:$0x3FB5];
	_ =	sdelay $0x3  }
0x36: {  	p1 =	seq.s32 s10, $0x1;
	s10 =	sld [smem:$0x3FB6];
	_ =	sdelay $0x3  }
0x37: {  	[smem:$0x3FB6] =	sst s10  }
0x38: {  	s10 =	sld [smem:$0x3FB7]  }
0x39: {  	_ = 	snop;
	(pc) =	sbr.ind lr, $3  }
0x3a: {  	_ = 	snop  }
0x3b: {  	_ = 	snop  }
0x3c: {  	p2 =	seq.s32 s10, $0x1;
	s10 =	sld [smem:$0x3FB6]  }
0x3d: {  	_ =	shalt  }
0x3e: {  	_ =	shalt  }
0x3f: {  	_ =	shalt  }
0x40: {  	_ =	shalt  }
0x41: {  	_ =	shalt  }
0x42: {  	_ =	shalt  }
0x43: {  	_ =	shalt  }
0x44: {  	_ =	shalt  }
0x45: {  	_ =	shalt  }
0x46: {  	_ =	shalt  }
0x47: {  	_ =	shalt  }
0x48: {  	_ =	shalt  }
0x49: {  	_ =	shalt  }
0x4a: {  	_ =	shalt  }
0x4b: {  	_ =	shalt  }
0x4c: {  	_ =	shalt  }
0x4d: {  	_ =	shalt  }
0x4e: {  	_ =	shalt  }
0x4f: {  	_ =	shalt  }
0x50: {  	_ =	shalt  }
0x51: {  	_ =	shalt  }
0x52: {  	_ =	shalt  }
0x53: {  	_ =	shalt  }
0x54: {  	_ =	shalt  }
0x55: {  	_ =	shalt  }
0x56: {  	_ =	shalt  }
0x57: {  	_ =	shalt  }
0x58: {  	_ =	shalt  }
0x59: {  	_ =	shalt  }
0x5a: {  	_ =	shalt  }
0x5b: {  	_ =	shalt  }
0x5c: {  	_ =	shalt  }
0x5d: {  	_ =	shalt  }
0x5e: {  	_ =	shalt  }
0x5f: {  	_ =	shalt  }
0x60: {  	_ =	shalt  }
0x61: {  	_ =	shalt  }
0x62: {  	_ =	shalt  }
0x63: {  	_ =	shalt  }
0x64: {  	_ =	shalt  }
0x65: {  	_ =	shalt  }
0x66: {  	_ =	shalt  }
0x67: {  	_ =	shalt  }
0x68: {  	_ =	shalt  }
0x69: {  	_ =	shalt  }
0x6a: {  	_ =	shalt  }
0x6b: {  	_ =	shalt  }
0x6c: {  	_ =	shalt  }
0x6d: {  	_ =	shalt  }
0x6e: {  	_ =	shalt  }
0x6f: {  	_ =	shalt  }
0x70: {  	_ =	shalt  }
0x71: {  	_ =	shalt  }
0x72: {  	_ =	shalt  }
0x73: {  	_ =	shalt  }
0x74: {  	_ =	shalt  }
0x75: {  	_ =	shalt  }
0x76: {  	_ =	shalt  }
0x77: {  	_ =	shalt  }
0x78: {  	_ =	shalt  }
0x79: {  	_ =	shalt  }
0x7a: {  	_ =	shalt  }
0x7b: {  	_ =	shalt  }
0x7c: {  	_ =	shalt  }
0x7d: {  	_ =	shalt  }
0x7e: {  	_ =	shalt  }
0x7f: {  	_ =	shalt  }
0x80: {  	_ =	shalt  }
0x81: {  	_ =	shalt  }
0x82: {  	_ =	shalt  }
0x83: {  	_ =	shalt  }
0x84: {  	_ =	shalt  }
0x85: {  	_ =	shalt  }
0x86: {  	_ =	shalt  }
0x87: {  	_ =	shalt  }
.Lfunc_end0:
.L_simem_size_0:
called_computation.1_lowered:
.L_overlay_start_0:
0x88: {  	s2 =	sld [smem:$0x3FD9]  }
0x89: {  	s3 =	sld [smem:$0x3FFE];
	_ =	sdelay $0x1  }
0x8a: {  	s1 =	srdreg.scid  }
0x8b: {  	s0 =	sand.u32 $0x1, s1  }
0x8c: {  	s17 =	sshll.u32 s0, $0xA;
	s2 =	sadd.s32 s3, s2  }
0x8d: {  	s2 =	sadd.s32 s2, s17  }
0x8e: {  	[smem:$0x3FC2] =	sst s2  }
0x8f: {  	_ = 	snop  }
0x90: {  	s2 =	sld [smem:$0x3FD0];
	(tm) =	ssettm $0x1  }
0x91: {  	s18 =	sld [smem:$0x3FFB];
	_ =	sdelay $0x3  }
0x92: {  	_ =	strace s18  }
0x93: {  	s3 =	sld [smem:$0x3FFC];
	_ =	sdelay $0x3  }
0x94: {  	_ =	strace s3  }
0x95: {  	s3 =	sld [smem:$0x3FFD];
	_ =	sdelay $0x3  }
0x96: {  	_ =	strace s3  }
0x97: {  	_ =	strace $0x8FFFFFFF  }
0x98: {  	s19 =	sld [smem:$0x3FDB];
	_ =	sdelay $0x1  }
0x99: {  	s4 =	simm.s32 $_scs_section_size  }
0x9a: {  	s5 =	simm.s32 $_size__tile_overlayer_lowered;
	s6 =	simm.s32 $_tile_overlayer_lowered  }
0x9b: {  	s22 =	simm.s32 $0x1BFF;
	s21 =	sshll.u32 s6, $0x1;
	s3 =	sadd.s32 s4, s19  }
0x9c: {  	s7 =	simm.s32 $0x0;
	s20 =	sshll.u32 s5, $0x1;
	s5 =	sadd.s32 s21, s3  }
0x9d: {  	[timem:s7], [sflag:s22] =	dma.local [hbm:s5], s20  }
0x9e: {  	_ =	swait.ge [sflag:s22], s20  }
0x9f: {  	s4 =	ssub.s32 $0x0, s20;
	[sflag:s22] =	ssyncset.done $0x0  }
0xa0: {  	[sflag:s22] =	ssyncadd.s32 s4;
	_ =	sdelay $0x1  }
0xa1: {  	s23 =	simm.s32 $0x1B8B  }
0xa2: {  	_ =	swait.ge [sflag:s23], $0x1  }
0xa3: {  	[sflag:s23] =	ssyncset.done $0x0  }
0xa4: {  	s25 =	simm.s32 $0x1B8E;
	s24 =	sld [smem:$0x3FFE];
	[sflag:s23] =	ssyncadd.s32 $0xFFFFFFFF  }
0xa5: {  	s26 =	simm.s32 $execute0_lowered;
	[smem:$0x3FD2] =	sst s25  }
0xa6: {  	s5 =	sshll.u32 s26, $0x1;
	_ =	strace $0x80000049;
	[dreg:$0x1] =	wrdreg $0xFFFFFFFF  }
0xa7: {  	s28 =	simm.s32 $_size_execute0_lowered;
	s3 =	sadd.s32 s3, s5;
	[dreg:$0x0] =	wrdreg $0x0  }
0xa8: {  	s5 =	sshll.u32 s28, $0x1;
	[dreg:$0x2] =	wrdreg s3  }
0xa9: {  	[dreg:$0x3] =	wrdreg s5  }
0xaa: {  	[dreg:$0x4] =	wrdreg $0xC0  }
0xab: {  	_ =	task [dreg:s7], $0x5FFFF  }
0xac: {  	[dreg:$0x1] =	wrdreg $0xFFFFFFFF  }
0xad: {  	[dreg:$0x0] =	wrdreg $0x60  }
0xae: {  	[dreg:$0x2] =	wrdreg s2  }
0xaf: {  	[dreg:$0x3] =	wrdreg s24  }
0xb0: {  	[dreg:$0x4] =	wrdreg $0xB0000  }
0xb1: {  	[dreg:$0x5] =	wrdreg $0x9  }
0xb2: {  	_ =	task.clear_ibuf [dreg:s7], $0x6FFFF;
	_ =	strace $0x90000049  }
0xb3: {  	s29 =	simm.s32 $0x9;
	_ =	strace $0x8000004B  }
0xb4: {  	_ =	swait.ge [sflag:s29], $0x1  }
0xb5: {  	[sflag:s29] =	ssyncadd.s32 $0xFFFFFFFF  }
0xb6: {  	_ =	strace $0x9000004B  }
0xb7: {  	_ =	sfence  }
0xb8: {  	s30 =	sld [smem:$0x0];
	_ =	sdelay $0x2  }
0xb9: {  	s31 =	sshll.u32 s1, $0xD;
	s1 =	sshrl.u32 s1, $0x2  }
0xba: {  	s3 =	sand.u32 $0x4000, s31;
	s1 =	sadd.s32 s1, s30  }
0xbb: {  	s0 =	sor.u32 s3, s0;
	s1 =	sshll.u32 s1, $0x11  }
0xbc: {  	s0 =	sor.u32 s1, s0  }
0xbd: {  	s0 =	sadd.s32 $0x8F2B, s0  }
0xbe: {  	[sflag:s0] =	ssyncadd.remote.s32 $0x1  }
0xbf: {  	_ =	sfence.sel $0xFFFF  }
0xc0: {  	[dreg:$0x0] =	wrdreg $0xFFFFFFFF;
	(pc) =	sbr.abs _section_cstart, $3  }
0xc1: {  	[dreg:$0x1] =	wrdreg $0xFFFFFFFF  }
0xc2: {  	_ =	task.clear_ibuf [dreg:s7], $0x2FFFF;
	_ =	strace $0x9FFFFFFF  }
0xc3: {  	(tm) =	ssettm $0x7FFFFFFF  }
tec
execute0_lowered:
.L_overlay_start_1:
0x0: {  	(tag) =	ssettag $0x1  }
0x1: {  	s1 =	rddreg [dreg:$0x0]  }
0x2: {  	s0 =	rddreg [dreg:$0x1]  }
0x3: {  	s2 =	rddreg [dreg:$0x2];
	s3 =	srdreg.scid;
	s4 =	simm.s32 $0x0  }
0x4: {  	s8 =	stileid.u32;
	s13 =	simm.s32 $0x5;
	s15 =	simm.s32 $0xA800  }
0x5: {  	s16 =	simm.s32 $0x40;
	s17 =	simm.s32 $0x2800;
	s18 =	simm.s32 $0x4800  }
0x6: {  	s19 =	simm.s32 $0x80;
	s20 =	simm.s32 $0x6800;
	s21 =	simm.s32 $0x1  }
0x7: {  	s22 =	simm.s32 $0x8800;
	s23 =	simm.s32 $0x2;
	s28 =	simm.s32 $0x13C0  }
0x8: {  	s29 =	simm.s32 $0x2740;
	s30 =	simm.s32 $0x2780;
	s31 =	simm.s32 $0x27C0  }
0x9: {  	s3 =	sand.u32 $0x1, s3;
	[smem:$0x7FF] =	sst s4;
	s10 =	smul.u32 $0x13880, s8  }
0xa: {  	s6 =	smul.u32 $0x138800, s3;
	s5 =	sshll.u32 s3, $0x4;
	_ =	strace $0x8000004A  }
0xb: {  	s3 =	ssub.s32 $0x2, s3;
	s7 =	sor.u32 s8, s5;
	s8 =	smul.u32 $0x50000, s8  }
0xc: {  	s5 =	sadd.s32 $0xD000, s0;
	s24 =	sshrl.u32 s3, $0x1;
	s7 =	smul.u32 $0x280, s7  }
0xd: {  	s6 =	sadd.s32 s10, s6;
	s3 =	ssub.s32 s3, s24;
	s10 =	sadd.s32 s10, s2  }
0xe: {  	s24 =	simm.s32 $0x3;
	s6 =	sshrl.u32 s6, $0x3;
	s26 =	sshrl.u32 s8, $0x2  }
0xf: {  	s12 =	smax.u32 s3, $0x1;
	s7 =	sadd.s32 s7, s0;
	s0 =	sadd.s32 s6, s0  }
0x10: {  	s8 =	sadd.s32 s26, s2;
	s26 =	simm.s32 $0x2700;
	s25 =	sadd.s32 $0x7C00, s7  }
0x11: {  	s7 =	sadd.s32 $0x2800, s7;
	s9 =	sadd.s32 $0x34200, s0;
	[dreg:$0x4] =	wrdreg s25  }
0x12: {  	v0 =	vimm.f32 $0.0e+00;
	s11 =	sadd.s32 $0x82400, s0;
	[dreg:$0x5] =	wrdreg s7;
	s25 =	simm.s32 $0x4  }
.LBB2_1:
0x13: {  	s0 =	simm.s32 $0x0;
	s3 =	simm.s32 $0x200  }
.LBB2_2:
0x14: {  	p0 =	sne.s32 s3, $0x1E00;
	[tilespmem:s0+$0xA870] =	vst v0  }
0x15: {  	[tilespmem:s0+$0xA800] =	vst v0  }
0x16: {  	[tilespmem:s0+$0xA810] =	vst v0  }
.Ltmp0:
0x17: {  	[tilespmem:s0+$0xA820] =	vst v0;
	(pc) =	sbr.rel @p0 .LBB2_2-.Ltmp0, $4  }
0x18: {  	[tilespmem:s0+$0xA830] =	vst v0  }
0x19: {  	[tilespmem:s0+$0xA840] =	vst v0  }
0x1a: {  	[tilespmem:s0+$0xA850] =	vst v0  }
0x1b: {  	[tilespmem:s0+$0xA860] =	vst v0;
	s0 =	sshra.s32 s3, $0x2;
	s3 =	sadd.s32 $0x200, s3  }
0x1c: {  	[tilespmem:s0+$0xA870] =	vst v0  }
0x1d: {  	[tilespmem:s0+$0xA800] =	vst v0  }
0x1e: {  	[tilespmem:s0+$0xA810] =	vst v0  }
0x1f: {  	[tilespmem:s0+$0xA820] =	vst v0  }
0x20: {  	[tilespmem:s0+$0xA830] =	vst v0  }
0x21: {  	[tilespmem:s0+$0xA840] =	vst v0  }
0x22: {  	[tilespmem:s0+$0xA850] =	vst v0  }
0x23: {  	[tilespmem:s0+$0xA860] =	vst v0;
	s14 =	simm.s32 $0x0;
	s3 =	rddreg [dreg:$0x4]  }
0x24: {  	[tilespmem:s14], [sflag:$0x5] =	stream.linear.gather [hbm4b:s3+s14], $0x1400, $0x38;
	[tilespmem:$0x1F000] =	vst v63  }
0x25: {  	_ =	swait.ge [sflag:s13], $0x1400  }
0x26: {  	[sflag:s13] =	ssyncset.done $0x0  }
0x27: {  	s6 =	simm.s32 $0x1400;
	s7 =	rddreg [dreg:$0x5];
	[sflag:s13] =	ssyncadd.s32 $0xFFFFEC00  }
0x28: {  	[tilespmem:s6], [sflag:$0x5] =	stream.linear.gather [hbm4b:s7+s14], $0x1400, $0x38;
	[tilespmem:$0x1F000] =	vst v63  }
0x29: {  	_ =	swait.ge [sflag:s13], $0x1400  }
0x2a: {  	[sflag:s13] =	ssyncset.done $0x0  }
0x2b: {  	s14 =	sadd.s32 $0x0, s8;
	[sflag:s13] =	ssyncadd.s32 $0xFFFFEC00  }
0x2c: {  	[spmem:s14] =	stream.linear.scatter [tilespmem:s15], [sflag:$0x5], $0x800, $0x38;
	[tilespmem:$0x1F000] =	vst v63  }
0x2d: {  	s0 =	simm.s32 $0x2000;
	_ =	swait.ge [sflag:s13], $0x800  }
.LBB2_4:
0x2e: {  	s3 =	sshra.s32 s0, $0x2;
	[sflag:s13] =	ssyncset.done $0x0;
	p0 =	sne.s32 s0, $0x4E000  }
.Ltmp1:
0x2f: {  	s3 =	sadd.s32 s3, s8;
	[sflag:s13] =	ssyncadd.s32 $0xFFFFF800;
	(pc) =	sbr.rel @p0 .LBB2_4-.Ltmp1, $3  }
0x30: {  	[spmem:s3] =	stream.linear.scatter [tilespmem:s15], [sflag:$0x5], $0x800, $0x38;
	[tilespmem:$0x1F000] =	vst v63  }
0x31: {  	s0 =	sadd.s32 $0x2000, s0;
	_ =	sdelay $0x1  }
0x32: {  	_ =	swait.ge [sflag:s13], $0x800  }
0x33: {  	[sflag:s13] =	ssyncset.done $0x0  }
0x34: {  	[sflag:s13] =	ssyncadd.s32 $0xFFFFF800  }
0x35: {  	s0 =	simm.s32 $0x0;
	[bflag:$0x0] =	sbarrier.arrive $0xFFFF  }
0x36: {  	[tilespmem:s17], [sflag:$0x1] =	stream.indirect.gather [hbm4b:s1+s16], $0x80, s0, s16, $0xb8;
	[tilespmem:$0x1F000] =	vst v63  }
0x37: {  	_ = 	snop  }
0x38: {  	[tilespmem:s18], [sflag:$0x2] =	stream.indirect.gather [hbm4b:s1+s16], $0x80, s16, s16, $0xb8;
	[tilespmem:$0x1F000] =	vst v63  }
0x39: {  	_ = 	snop  }
0x3a: {  	[tilespmem:s20], [sflag:$0x3] =	stream.indirect.gather [hbm4b:s1+s16], $0x80, s19, s16, $0xb8;
	[tilespmem:$0x1F000] =	vst v63  }
0x3b: {  	_ =	swait.ge [sflag:s21], $0x2000  }
0x3c: {  	[sflag:s21] =	ssyncset.done $0x0  }
0x3d: {  	s6 =	simm.s32 $0x1400;
	[sflag:s21] =	ssyncadd.s32 $0xFFFFE000  }
0x3e: {  	[spmem:s2] =	stream.indirect.scatter.add.f32 [tilespmem:s17], [sflag:$0x5], $0x80, s6, s16, $0xb8;
	[tilespmem:$0x1F000] =	vst v63  }
0x3f: {  	_ =	swait.ge [sflag:s13], $0x2000  }
0x40: {  	[sflag:s13] =	ssyncset.done $0x0  }
0x41: {  	s7 =	simm.s32 $0xC0;
	[sflag:s13] =	ssyncadd.s32 $0xFFFFE000  }
0x42: {  	[tilespmem:s22], [sflag:$0x4] =	stream.indirect.gather [hbm4b:s1+s16], $0x80, s7, s16, $0xb8;
	[tilespmem:$0x1F000] =	vst v63  }
0x43: {  	_ =	swait.ge [sflag:s23], $0x2000  }
0x44: {  	[sflag:s23] =	ssyncset.done $0x0  }
0x45: {  	s14 =	simm.s32 $0x1440;
	[sflag:s23] =	ssyncadd.s32 $0xFFFFE000  }
0x46: {  	[spmem:s2] =	stream.indirect.scatter.add.f32 [tilespmem:s18], [sflag:$0x5], $0x80, s14, s16, $0xb8;
	[tilespmem:$0x1F000] =	vst v63  }
0x47: {  	_ =	swait.ge [sflag:s13], $0x2000  }
0x48: {  	[sflag:s13] =	ssyncset.done $0x0  }
0x49: {  	s3 =	simm.s32 $0x100;
	[sflag:s13] =	ssyncadd.s32 $0xFFFFE000  }
0x4a: {  	[tilespmem:s17], [sflag:$0x1] =	stream.indirect.gather [hbm4b:s1+s16], $0x80, s3, s16, $0xb8;
	[tilespmem:$0x1F000] =	vst v63  }
0x4b: {  	_ =	swait.ge [sflag:s24], $0x2000  }
0x4c: {  	[sflag:s24] =	ssyncset.done $0x0  }
0x4d: {  	s6 =	simm.s32 $0x1480;
	[sflag:s24] =	ssyncadd.s32 $0xFFFFE000  }
0x4e: {  	[spmem:s2] =	stream.indirect.scatter.add.f32 [tilespmem:s20], [sflag:$0x5], $0x80, s6, s16, $0xb8;
	[tilespmem:$0x1F000] =	vst v63  }
0x4f: {  	_ =	swait.ge [sflag:s13], $0x2000  }
0x50: {  	[sflag:s13] =	ssyncset.done $0x0  }
0x51: {  	s7 =	simm.s32 $0x140;
	[sflag:s13] =	ssyncadd.s32 $0xFFFFE000  }
0x52: {  	[tilespmem:s18], [sflag:$0x2] =	stream.indirect.gather [hbm4b:s1+s16], $0x80, s7, s16, $0xb8;
	[tilespmem:$0x1F000] =	vst v63  }
0x53: {  	_ =	swait.ge [sflag:s25], $0x2000  }
0x54: {  	[sflag:s25] =	ssyncset.done $0x0  }
0x55: {  	s14 =	simm.s32 $0x14C0;
	[sflag:s25] =	ssyncadd.s32 $0xFFFFE000  }
0x56: {  	[spmem:s2] =	stream.indirect.scatter.add.f32 [tilespmem:s22], [sflag:$0x5], $0x80, s14, s16, $0xb8;
	[tilespmem:$0x1F000] =	vst v63  }
0x57: {  	_ =	swait.ge [sflag:s13], $0x2000  }
0x58: {  	[sflag:s13] =	ssyncset.done $0x0  }
0x59: {  	s0 =	simm.s32 $0x400;
	s3 =	simm.s32 $0x180;
	[sflag:s13] =	ssyncadd.s32 $0xFFFFE000  }
.LBB2_6:
0x5a: {  	[tilespmem:s20], [sflag:$0x3] =	stream.indirect.gather [hbm4b:s1+s16], $0x80, s3, s16, $0xb8;
	[tilespmem:$0x1F000] =	vst v63  }
0x5b: {  	s3 =	smov.u32 s0  }
0x5c: {  	p0 =	sne.s32 s0, $0x4800;
	s0 =	sadd.s32 $0x400, s0;
	_ =	swait.ge [sflag:s21], $0x2000  }
0x5d: {  	s3 =	sshra.s32 s3, $0x2;
	[sflag:s21] =	ssyncset.done $0x0  }
0x5e: {  	s6 =	sadd.s32 $0x1400, s3;
	[sflag:s21] =	ssyncadd.s32 $0xFFFFE000  }
0x5f: {  	[spmem:s2] =	stream.indirect.scatter.add.f32 [tilespmem:s17], [sflag:$0x5], $0x80, s6, s16, $0xb8;
	[tilespmem:$0x1F000] =	vst v63  }
0x60: {  	_ =	swait.ge [sflag:s13], $0x2000  }
0x61: {  	[sflag:s13] =	ssyncset.done $0x0  }
0x62: {  	s6 =	sadd.s32 $0xC0, s3;
	[sflag:s13] =	ssyncadd.s32 $0xFFFFE000  }
0x63: {  	[tilespmem:s22], [sflag:$0x4] =	stream.indirect.gather [hbm4b:s1+s16], $0x80, s6, s16, $0xb8;
	[tilespmem:$0x1F000] =	vst v63  }
0x64: {  	_ =	swait.ge [sflag:s23], $0x2000  }
0x65: {  	[sflag:s23] =	ssyncset.done $0x0  }
0x66: {  	s6 =	sadd.s32 $0x1440, s3;
	[sflag:s23] =	ssyncadd.s32 $0xFFFFE000  }
0x67: {  	[spmem:s2] =	stream.indirect.scatter.add.f32 [tilespmem:s18], [sflag:$0x5], $0x80, s6, s16, $0xb8;
	[tilespmem:$0x1F000] =	vst v63  }
0x68: {  	_ =	swait.ge [sflag:s13], $0x2000  }
0x69: {  	[sflag:s13] =	ssyncset.done $0x0  }
0x6a: {  	s6 =	sadd.s32 $0x100, s3;
	[sflag:s13] =	ssyncadd.s32 $0xFFFFE000  }
0x6b: {  	[tilespmem:s17], [sflag:$0x1] =	stream.indirect.gather [hbm4b:s1+s16], $0x80, s6, s16, $0xb8;
	[tilespmem:$0x1F000] =	vst v63  }
0x6c: {  	_ =	swait.ge [sflag:s24], $0x2000  }
0x6d: {  	[sflag:s24] =	ssyncset.done $0x0  }
0x6e: {  	s6 =	sadd.s32 $0x1480, s3;
	[sflag:s24] =	ssyncadd.s32 $0xFFFFE000  }
0x6f: {  	[spmem:s2] =	stream.indirect.scatter.add.f32 [tilespmem:s20], [sflag:$0x5], $0x80, s6, s16, $0xb8;
	[tilespmem:$0x1F000] =	vst v63  }
0x70: {  	_ =	swait.ge [sflag:s13], $0x2000  }
0x71: {  	[sflag:s13] =	ssyncset.done $0x0  }
0x72: {  	s6 =	sadd.s32 $0x140, s3;
	[sflag:s13] =	ssyncadd.s32 $0xFFFFE000  }
0x73: {  	[tilespmem:s18], [sflag:$0x2] =	stream.indirect.gather [hbm4b:s1+s16], $0x80, s6, s16, $0xb8;
	[tilespmem:$0x1F000] =	vst v63  }
0x74: {  	_ =	swait.ge [sflag:s25], $0x2000  }
0x75: {  	[sflag:s25] =	ssyncset.done $0x0  }
.Ltmp2:
0x76: {  	s6 =	sadd.s32 $0x14C0, s3;
	[sflag:s25] =	ssyncadd.s32 $0xFFFFE000;
	(pc) =	sbr.rel @p0 .LBB2_6-.Ltmp2, $4  }
0x77: {  	[spmem:s2] =	stream.indirect.scatter.add.f32 [tilespmem:s22], [sflag:$0x5], $0x80, s6, s16, $0xb8;
	[tilespmem:$0x1F000] =	vst v63  }
0x78: {  	_ =	swait.ge [sflag:s13], $0x2000  }
0x79: {  	[sflag:s13] =	ssyncset.done $0x0  }
0x7a: {  	s3 =	sadd.s32 $0x180, s3;
	[sflag:s13] =	ssyncadd.s32 $0xFFFFE000  }
0x7b: {  	[tilespmem:s20], [sflag:$0x3] =	stream.indirect.gather [hbm4b:s1+s16], $0x80, s3, s16, $0xb8;
	[tilespmem:$0x1F000] =	vst v63  }
0x7c: {  	_ =	swait.ge [sflag:s21], $0x2000  }
0x7d: {  	[sflag:s21] =	ssyncset.done $0x0  }
0x7e: {  	[sflag:s21] =	ssyncadd.s32 $0xFFFFE000  }
0x7f: {  	[spmem:s2] =	stream.indirect.scatter.add.f32 [tilespmem:s17], [sflag:$0x5], $0x80, s26, s16, $0xb8;
	[tilespmem:$0x1F000] =	vst v63  }
0x80: {  	_ =	swait.ge [sflag:s13], $0x2000  }
0x81: {  	[sflag:s13] =	ssyncset.done $0x0  }
0x82: {  	[sflag:s13] =	ssyncadd.s32 $0xFFFFE000  }
0x83: {  	[tilespmem:s22], [sflag:$0x4] =	stream.indirect.gather [hbm4b:s1+s16], $0x80, s28, s16, $0xb8;
	[tilespmem:$0x1F000] =	vst v63  }
0x84: {  	_ =	swait.ge [sflag:s23], $0x2000  }
0x85: {  	[sflag:s23] =	ssyncset.done $0x0  }
0x86: {  	[sflag:s23] =	ssyncadd.s32 $0xFFFFE000  }
0x87: {  	[spmem:s2] =	stream.indirect.scatter.add.f32 [tilespmem:s18], [sflag:$0x5], $0x80, s29, s16, $0xb8;
	[tilespmem:$0x1F000] =	vst v63  }
0x88: {  	_ =	swait.ge [sflag:s13], $0x2000  }
0x89: {  	[sflag:s13] =	ssyncset.done $0x0  }
0x8a: {  	[sflag:s13] =	ssyncadd.s32 $0xFFFFE000  }
0x8b: {  	_ =	swait.ge [sflag:s24], $0x2000  }
0x8c: {  	[sflag:s24] =	ssyncset.done $0x0  }
0x8d: {  	[sflag:s24] =	ssyncadd.s32 $0xFFFFE000  }
0x8e: {  	[spmem:s2] =	stream.indirect.scatter.add.f32 [tilespmem:s20], [sflag:$0x5], $0x80, s30, s16, $0xb8;
	[tilespmem:$0x1F000] =	vst v63  }
0x8f: {  	_ =	swait.ge [sflag:s13], $0x2000  }
0x90: {  	[sflag:s13] =	ssyncset.done $0x0  }
0x91: {  	[sflag:s13] =	ssyncadd.s32 $0xFFFFE000  }
0x92: {  	_ =	swait.ge [sflag:s25], $0x2000  }
0x93: {  	[sflag:s25] =	ssyncset.done $0x0  }
0x94: {  	[sflag:s25] =	ssyncadd.s32 $0xFFFFE000  }
0x95: {  	[spmem:s2] =	stream.indirect.scatter.add.f32 [tilespmem:s22], [sflag:$0x5], $0x80, s31, s16, $0xb8;
	[tilespmem:$0x1F000] =	vst v63  }
0x96: {  	_ =	swait.ge [sflag:s13], $0x2000  }
0x97: {  	s0 =	stileid.u32;
	[sflag:s13] =	ssyncset.done $0x0  }
0x98: {  	s0 =	sshll.u32 s0, $0x6;
	[sflag:s13] =	ssyncadd.s32 $0xFFFFE000  }
0x99: {  	s14 =	sshrl.u32 s10, $0x3;
	s0 =	sor.u32 $0x1C05, s0;
	[bflag:$0x0] =	sbarrier.arrive $0xFFFF  }
0x9a: {  	[hbm:s9], [sflag:s0] =	dma.local [spmem:s14], $0x2710  }
0x9b: {  	_ =	swait.ge [sflag:s13], $0x2710  }
0x9c: {  	[sflag:s13] =	ssyncset.done $0x0  }
0x9d: {  	[sflag:s13] =	ssyncadd.s32 $0xFFFFD8F0  }
0x9e: {  	s7 =	sadd.s32 $0x0, s8;
	[bflag:$0x0] =	sbarrier.arrive $0xFFFF  }
0x9f: {  	[spmem:s7] =	stream.linear.scatter [tilespmem:s15], [sflag:$0x5], $0x800, $0x38;
	[tilespmem:$0x1F000] =	vst v63  }
0xa0: {  	s3 =	simm.s32 $0x2000;
	_ =	swait.ge [sflag:s13], $0x800  }
.LBB2_8:
0xa1: {  	s6 =	sshra.s32 s3, $0x2;
	[sflag:s13] =	ssyncset.done $0x0;
	p0 =	sne.s32 s3, $0x4E000  }
.Ltmp3:
0xa2: {  	s6 =	sadd.s32 s6, s8;
	[sflag:s13] =	ssyncadd.s32 $0xFFFFF800;
	(pc) =	sbr.rel @p0 .LBB2_8-.Ltmp3, $3  }
0xa3: {  	[spmem:s6] =	stream.linear.scatter [tilespmem:s15], [sflag:$0x5], $0x800, $0x38;
	[tilespmem:$0x1F000] =	vst v63  }
0xa4: {  	s3 =	sadd.s32 $0x2000, s3;
	_ =	sdelay $0x1  }
0xa5: {  	_ =	swait.ge [sflag:s13], $0x800  }
0xa6: {  	[sflag:s13] =	ssyncset.done $0x0  }
0xa7: {  	[sflag:s13] =	ssyncadd.s32 $0xFFFFF800  }
0xa8: {  	s3 =	simm.s32 $0x0;
	[bflag:$0x0] =	sbarrier.arrive $0xFFFF  }
0xa9: {  	[tilespmem:s17], [sflag:$0x1] =	stream.indirect.gather [hbm4b:s5+s16], $0x80, s3, s16, $0xb8;
	[tilespmem:$0x1F000] =	vst v63  }
0xaa: {  	_ = 	snop  }
0xab: {  	[tilespmem:s18], [sflag:$0x2] =	stream.indirect.gather [hbm4b:s5+s16], $0x80, s16, s16, $0xb8;
	[tilespmem:$0x1F000] =	vst v63  }
0xac: {  	_ = 	snop  }
0xad: {  	[tilespmem:s20], [sflag:$0x3] =	stream.indirect.gather [hbm4b:s5+s16], $0x80, s19, s16, $0xb8;
	[tilespmem:$0x1F000] =	vst v63  }
0xae: {  	_ =	swait.ge [sflag:s21], $0x2000  }
0xaf: {  	[sflag:s21] =	ssyncset.done $0x0  }
0xb0: {  	s7 =	simm.s32 $0x1400;
	[sflag:s21] =	ssyncadd.s32 $0xFFFFE000  }
0xb1: {  	[spmem:s2] =	stream.indirect.scatter.add.f32 [tilespmem:s17], [sflag:$0x5], $0x80, s7, s16, $0xb8;
	[tilespmem:$0x1F000] =	vst v63  }
0xb2: {  	_ =	swait.ge [sflag:s13], $0x2000  }
0xb3: {  	[sflag:s13] =	ssyncset.done $0x0  }
0xb4: {  	s6 =	simm.s32 $0xC0;
	[sflag:s13] =	ssyncadd.s32 $0xFFFFE000  }
0xb5: {  	[tilespmem:s22], [sflag:$0x4] =	stream.indirect.gather [hbm4b:s5+s16], $0x80, s6, s16, $0xb8;
	[tilespmem:$0x1F000] =	vst v63  }
0xb6: {  	_ =	swait.ge [sflag:s23], $0x2000  }
0xb7: {  	[sflag:s23] =	ssyncset.done $0x0  }
0xb8: {  	s7 =	simm.s32 $0x1440;
	[sflag:s23] =	ssyncadd.s32 $0xFFFFE000  }
0xb9: {  	[spmem:s2] =	stream.indirect.scatter.add.f32 [tilespmem:s18], [sflag:$0x5], $0x80, s7, s16, $0xb8;
	[tilespmem:$0x1F000] =	vst v63  }
0xba: {  	_ =	swait.ge [sflag:s13], $0x2000  }
0xbb: {  	[sflag:s13] =	ssyncset.done $0x0  }
0xbc: {  	s6 =	simm.s32 $0x100;
	[sflag:s13] =	ssyncadd.s32 $0xFFFFE000  }
0xbd: {  	[tilespmem:s17], [sflag:$0x1] =	stream.indirect.gather [hbm4b:s5+s16], $0x80, s6, s16, $0xb8;
	[tilespmem:$0x1F000] =	vst v63  }
0xbe: {  	_ =	swait.ge [sflag:s24], $0x2000  }
0xbf: {  	[sflag:s24] =	ssyncset.done $0x0  }
0xc0: {  	s7 =	simm.s32 $0x1480;
	[sflag:s24] =	ssyncadd.s32 $0xFFFFE000  }
0xc1: {  	[spmem:s2] =	stream.indirect.scatter.add.f32 [tilespmem:s20], [sflag:$0x5], $0x80, s7, s16, $0xb8;
	[tilespmem:$0x1F000] =	vst v63  }
0xc2: {  	_ =	swait.ge [sflag:s13], $0x2000  }
0xc3: {  	[sflag:s13] =	ssyncset.done $0x0  }
0xc4: {  	s6 =	simm.s32 $0x140;
	[sflag:s13] =	ssyncadd.s32 $0xFFFFE000  }
0xc5: {  	[tilespmem:s18], [sflag:$0x2] =	stream.indirect.gather [hbm4b:s5+s16], $0x80, s6, s16, $0xb8;
	[tilespmem:$0x1F000] =	vst v63  }
0xc6: {  	_ =	swait.ge [sflag:s25], $0x2000  }
0xc7: {  	[sflag:s25] =	ssyncset.done $0x0  }
0xc8: {  	s7 =	simm.s32 $0x14C0;
	[sflag:s25] =	ssyncadd.s32 $0xFFFFE000  }
0xc9: {  	[spmem:s2] =	stream.indirect.scatter.add.f32 [tilespmem:s22], [sflag:$0x5], $0x80, s7, s16, $0xb8;
	[tilespmem:$0x1F000] =	vst v63  }
0xca: {  	_ =	swait.ge [sflag:s13], $0x2000  }
0xcb: {  	[sflag:s13] =	ssyncset.done $0x0  }
0xcc: {  	s3 =	simm.s32 $0x400;
	s6 =	simm.s32 $0x180;
	[sflag:s13] =	ssyncadd.s32 $0xFFFFE000  }
.LBB2_10:
0xcd: {  	[tilespmem:s20], [sflag:$0x3] =	stream.indirect.gather [hbm4b:s5+s16], $0x80, s6, s16, $0xb8;
	[tilespmem:$0x1F000] =	vst v63  }
0xce: {  	s6 =	smov.u32 s3  }
0xcf: {  	p0 =	sne.s32 s3, $0x4800;
	s3 =	sadd.s32 $0x400, s3;
	_ =	swait.ge [sflag:s21], $0x2000  }
0xd0: {  	s6 =	sshra.s32 s6, $0x2;
	[sflag:s21] =	ssyncset.done $0x0  }
0xd1: {  	s7 =	sadd.s32 $0x1400, s6;
	[sflag:s21] =	ssyncadd.s32 $0xFFFFE000  }
0xd2: {  	[spmem:s2] =	stream.indirect.scatter.add.f32 [tilespmem:s17], [sflag:$0x5], $0x80, s7, s16, $0xb8;
	[tilespmem:$0x1F000] =	vst v63  }
0xd3: {  	_ =	swait.ge [sflag:s13], $0x2000  }
0xd4: {  	[sflag:s13] =	ssyncset.done $0x0  }
0xd5: {  	s7 =	sadd.s32 $0xC0, s6;
	[sflag:s13] =	ssyncadd.s32 $0xFFFFE000  }
0xd6: {  	[tilespmem:s22], [sflag:$0x4] =	stream.indirect.gather [hbm4b:s5+s16], $0x80, s7, s16, $0xb8;
	[tilespmem:$0x1F000] =	vst v63  }
0xd7: {  	_ =	swait.ge [sflag:s23], $0x2000  }
0xd8: {  	[sflag:s23] =	ssyncset.done $0x0  }
0xd9: {  	s7 =	sadd.s32 $0x1440, s6;
	[sflag:s23] =	ssyncadd.s32 $0xFFFFE000  }
0xda: {  	[spmem:s2] =	stream.indirect.scatter.add.f32 [tilespmem:s18], [sflag:$0x5], $0x80, s7, s16, $0xb8;
	[tilespmem:$0x1F000] =	vst v63  }
0xdb: {  	_ =	swait.ge [sflag:s13], $0x2000  }
0xdc: {  	[sflag:s13] =	ssyncset.done $0x0  }
0xdd: {  	s7 =	sadd.s32 $0x100, s6;
	[sflag:s13] =	ssyncadd.s32 $0xFFFFE000  }
0xde: {  	[tilespmem:s17], [sflag:$0x1] =	stream.indirect.gather [hbm4b:s5+s16], $0x80, s7, s16, $0xb8;
	[tilespmem:$0x1F000] =	vst v63  }
0xdf: {  	_ =	swait.ge [sflag:s24], $0x2000  }
0xe0: {  	[sflag:s24] =	ssyncset.done $0x0  }
0xe1: {  	s7 =	sadd.s32 $0x1480, s6;
	[sflag:s24] =	ssyncadd.s32 $0xFFFFE000  }
0xe2: {  	[spmem:s2] =	stream.indirect.scatter.add.f32 [tilespmem:s20], [sflag:$0x5], $0x80, s7, s16, $0xb8;
	[tilespmem:$0x1F000] =	vst v63  }
0xe3: {  	_ =	swait.ge [sflag:s13], $0x2000  }
0xe4: {  	[sflag:s13] =	ssyncset.done $0x0  }
0xe5: {  	s7 =	sadd.s32 $0x140, s6;
	[sflag:s13] =	ssyncadd.s32 $0xFFFFE000  }
0xe6: {  	[tilespmem:s18], [sflag:$0x2] =	stream.indirect.gather [hbm4b:s5+s16], $0x80, s7, s16, $0xb8;
	[tilespmem:$0x1F000] =	vst v63  }
0xe7: {  	_ =	swait.ge [sflag:s25], $0x2000  }
0xe8: {  	[sflag:s25] =	ssyncset.done $0x0  }
.Ltmp4:
0xe9: {  	s7 =	sadd.s32 $0x14C0, s6;
	[sflag:s25] =	ssyncadd.s32 $0xFFFFE000;
	(pc) =	sbr.rel @p0 .LBB2_10-.Ltmp4, $4  }
0xea: {  	[spmem:s2] =	stream.indirect.scatter.add.f32 [tilespmem:s22], [sflag:$0x5], $0x80, s7, s16, $0xb8;
	[tilespmem:$0x1F000] =	vst v63  }
0xeb: {  	_ =	swait.ge [sflag:s13], $0x2000  }
0xec: {  	[sflag:s13] =	ssyncset.done $0x0  }
0xed: {  	s6 =	sadd.s32 $0x180, s6;
	[sflag:s13] =	ssyncadd.s32 $0xFFFFE000  }
0xee: {  	[tilespmem:s20], [sflag:$0x3] =	stream.indirect.gather [hbm4b:s5+s16], $0x80, s6, s16, $0xb8;
	[tilespmem:$0x1F000] =	vst v63  }
0xef: {  	_ =	swait.ge [sflag:s21], $0x2000  }
0xf0: {  	[sflag:s21] =	ssyncset.done $0x0  }
0xf1: {  	[sflag:s21] =	ssyncadd.s32 $0xFFFFE000  }
0xf2: {  	[spmem:s2] =	stream.indirect.scatter.add.f32 [tilespmem:s17], [sflag:$0x5], $0x80, s26, s16, $0xb8;
	[tilespmem:$0x1F000] =	vst v63  }
0xf3: {  	_ =	swait.ge [sflag:s13], $0x2000  }
0xf4: {  	[sflag:s13] =	ssyncset.done $0x0  }
0xf5: {  	[sflag:s13] =	ssyncadd.s32 $0xFFFFE000  }
0xf6: {  	[tilespmem:s22], [sflag:$0x4] =	stream.indirect.gather [hbm4b:s5+s16], $0x80, s28, s16, $0xb8;
	[tilespmem:$0x1F000] =	vst v63  }
0xf7: {  	_ =	swait.ge [sflag:s23], $0x2000  }
0xf8: {  	[sflag:s23] =	ssyncset.done $0x0  }
0xf9: {  	[sflag:s23] =	ssyncadd.s32 $0xFFFFE000  }
0xfa: {  	[spmem:s2] =	stream.indirect.scatter.add.f32 [tilespmem:s18], [sflag:$0x5], $0x80, s29, s16, $0xb8;
	[tilespmem:$0x1F000] =	vst v63  }
0xfb: {  	_ =	swait.ge [sflag:s13], $0x2000  }
0xfc: {  	[sflag:s13] =	ssyncset.done $0x0  }
0xfd: {  	[sflag:s13] =	ssyncadd.s32 $0xFFFFE000  }
0xfe: {  	_ =	swait.ge [sflag:s24], $0x2000  }
0xff: {  	[sflag:s24] =	ssyncset.done $0x0  }
0x100: {  	[sflag:s24] =	ssyncadd.s32 $0xFFFFE000  }
0x101: {  	[spmem:s2] =	stream.indirect.scatter.add.f32 [tilespmem:s20], [sflag:$0x5], $0x80, s30, s16, $0xb8;
	[tilespmem:$0x1F000] =	vst v63  }
0x102: {  	_ =	swait.ge [sflag:s13], $0x2000  }
0x103: {  	[sflag:s13] =	ssyncset.done $0x0  }
0x104: {  	[sflag:s13] =	ssyncadd.s32 $0xFFFFE000  }
0x105: {  	_ =	swait.ge [sflag:s25], $0x2000  }
0x106: {  	[sflag:s25] =	ssyncset.done $0x0  }
0x107: {  	[sflag:s25] =	ssyncadd.s32 $0xFFFFE000  }
0x108: {  	[spmem:s2] =	stream.indirect.scatter.add.f32 [tilespmem:s22], [sflag:$0x5], $0x80, s31, s16, $0xb8;
	[tilespmem:$0x1F000] =	vst v63  }
0x109: {  	_ =	swait.ge [sflag:s13], $0x2000  }
0x10a: {  	s4 =	sadd.s32 $0x1, s4;
	[sflag:s13] =	ssyncset.done $0x0  }
0x10b: {  	p0 =	sne.s32 s4, s12;
	[sflag:s13] =	ssyncadd.s32 $0xFFFFE000  }
.Ltmp5:
0x10c: {  	[bflag:$0x0] =	sbarrier.arrive $0xFFFF;
	(pc) =	sbr.rel @p0 .LBB2_1-.Ltmp5, $4  }
0x10d: {  	[hbm:s11], [sflag:s0] =	dma.local [spmem:s14], $0x2710  }
0x10e: {  	_ =	swait.ge [sflag:s13], $0x2710  }
0x10f: {  	[sflag:s13] =	ssyncset.done $0x0  }
0x110: {  	[sflag:s13] =	ssyncadd.s32 $0xFFFFD8F0  }
0x111: {  	_ =	sfence.sel $0x180000  }
0x112: {  	[bflag:$0x0] =	sbarrier.arrive $0xFFFF  }
0x113: {  	_ =	strace $0x9000004A  }
0x114: {  	s0 =	stileid.u32;
	[bflag:$0x2] =	sbarrier.arrive $0xFFFF  }
0x115: {  	p0 =	sne.s32 s0, $0x0;
	s0 =	rddreg [dreg:$0x3]  }
0x116: {  	s0 =	sadd.s32 @!p0 $0x100000, s0  }
0x117: {  	[sflag:s0] =	ssyncadd.tile.s32 @!p0 $0x1;
	_ =	shalt  }
.Lfunc_end2:
_tile_overlayer_lowered:
.L_overlay_start_2:
0x118: {  	(tag) =	ssettag $0x2  }
0x119: {  	s0 =	rddreg [dreg:$0x0];
	s2 =	stileid.u32  }
0x11a: {  	s1 =	rddreg [dreg:$0x1];
	p0 =	sne.s32 s2, $0x0  }
0x11b: {  	s3 =	rddreg [dreg:$0x2];
	[bflag:$0x3] =	sbarrier.arrive $0xFFFF;
	s2 =	simm.s32 @!p0 $0x1C05  }
0x11c: {  	[timem:s3], [sflag:s2] =	dma.local @!p0 [hbm:s0], s1  }
0x11d: {  	s0 =	simm.s32 @!p0 $0x5  }
0x11e: {  	_ =	swait.ge @!p0 [sflag:s0], s1  }
0x11f: {  	s1 =	ssub.s32 @!p0 $0x0, s1;
	[sflag:s0] =	ssyncset.done @!p0 $0x0  }
0x120: {  	[sflag:s0] =	ssyncadd.s32 @!p0 s1  }
0x121: {  	[bflag:$0x3] =	sbarrier.arrive $0xFFFF  }
0x122: {  	_ =	shalt  }

// kernel: kernel.14.cloned.1.call-start
scs
__scs_entry_jumppad:
0x0: {  	(pc) =	sbr.rel $0x88, $3  }
0x1: {  	(tag) =	ssettag $0x0;
	lr =	simm.s32 $0x1  }
0x2: {  	[smem:$0x3F9B] =	sst lr;
	_ =	strace $0xD0000000  }
0x3: {  	_ = 	snop  }
0x4: {  	_ = 	snop  }
0x5: {  	_ = 	snop  }
0x6: {  	_ = 	snop  }
0x7: {  	_ = 	snop  }
__scs_overlays_trampoline_lowered:
0x8: {  	[smem:$0x3FAA] =	sst s0  }
0x9: {  	[smem:$0x3FAB] =	sst s1  }
0xa: {  	[smem:$0x3FAC] =	sst s2  }
0xb: {  	[smem:$0x3FAD] =	sst s3  }
0xc: {  	[smem:$0x3FAE] =	sst s4  }
0xd: {  	[smem:$0x3FAF] =	sst s5  }
0xe: {  	[smem:$0x3FB0] =	sst s6  }
0xf: {  	[smem:$0x3FB1] =	sst s7  }
0x10: {  	[smem:$0x3FB2] =	sst s8  }
0x11: {  	[smem:$0x3FB3] =	sst s9;
	s0 =	simm.s32 @!p0 $0x0  }
0x12: {  	s1 =	sld [smem:$0x3F99];
	s0 =	simm.s32 @p0 $0x1  }
0x13: {  	[smem:$0x3FB4] =	sst s0;
	s0 =	simm.s32 @!p1 $0x0  }
0x14: {  	s2 =	sld [smem:$0x3F98];
	s0 =	simm.s32 @p1 $0x1  }
0x15: {  	[smem:$0x3FB5] =	sst s0;
	s0 =	simm.s32 @!p2 $0x0  }
0x16: {  	s3 =	sld [smem:$0x3FDB];
	s0 =	simm.s32 @p2 $0x1  }
0x17: {  	s4 =	simm.s32 $0x1BF5;
	[smem:$0x3FB7] =	sst s0  }
0x18: {  	s0 =	sld [smem:$0x3F9A];
	_ =	swait.ge [sflag:s4], $0x0  }
0x19: {  	s7 =	sld [smem:$0x3F9B]  }
0x1a: {  	s8 =	sadd.s32 $0xFFFFE003, lr  }
0x1b: {  	s9 =	sadd.s32 $0xFFFFFEF7, lr;
	s5 =	simm.s32 $0xFFFFFFFF;
	p2 =	slt.u32 s8, $0xFFFFF086  }
0x1c: {  	p1 =	slt.u32 s9, $0xF7A;
	s5 =	simm.s32 @!p2 $0x0  }
0x1d: {  	s5 =	simm.s32 @p1 $0x1;
	p0 =	seq.s32 s7, s2  }
0x1e: {  	s7 =	smul.u32 @!p0 $0xF7A, s2;
	p2 =	seq.s32 @!p0 s5, $0x0  }
0x1f: {  	s9 =	smul.u32 $0xF7A, s1;
	s8 =	simm.s32 @!p0 $0x1BF5;
	p2 =	por !p2, p0  }
0x20: {  	[sflag:s8] =	ssyncset.s32 @!p0 $0xFFFFF086;
	s6 =	sadd.s32 @!p0 s3, s7;
	s7 =	simm.s32 @!p0 $0x108  }
0x21: {  	s3 =	sadd.s32 s3, s9;
	s6 =	sadd.s32 @!p0 $0x88, s6;
	s7 =	simm.s32 @p2 $0x1082  }
0x22: {  	[simem:s7], [sflag:s8] =	dma.local @!p0 [hbm:s6], $0xF7A  }
0x23: {  	s9 =	sor.u32 $0xD0000000, s2;
	s6 =	simm.s32 $0x108;
	_ =	swait.ge @!p0 [sflag:s8], $0x0  }
0x24: {  	s3 =	sadd.s32 $0x88, s3;
	s6 =	simm.s32 @!p1 $0x1082;
	[sflag:s4] =	ssyncset.s32 $0xFFFFF086  }
0x25: {  	[simem:s6], [sflag:s4] =	dma.local [hbm:s3], $0xF7A  }
0x26: {  	[smem:$0x3F9B] =	sst s1;
	(tag) =	ssettag s2;
	_ =	strace s9  }
0x27: {  	s1 =	sld [smem:$0x3FAB]  }
0x28: {  	s2 =	sld [smem:$0x3FAC]  }
0x29: {  	s4 =	sld [smem:$0x3FAE]  }
0x2a: {  	p0 =	seq.s32 s5, $0x0;
	s5 =	sld [smem:$0x3FAF]  }
0x2b: {  	s6 =	sld [smem:$0x3FB0]  }
0x2c: {  	s7 =	sld [smem:$0x3FB1]  }
0x2d: {  	s3 =	simm.s32 $0x108;
	s8 =	sld [smem:$0x3FB2]  }
0x2e: {  	s3 =	simm.s32 @!p0 $0x1082;
	s9 =	sld [smem:$0x3FB3]  }
0x2f: {  	lr =	sadd.s32 s0, s3;
	s0 =	sld [smem:$0x3FAA]  }
0x30: {  	s3 =	sld [smem:$0x3FAD]  }
0x31: {  	[smem:$0x3FB6] =	sst s10  }
0x32: {  	s10 =	sld [smem:$0x3FB4];
	_ =	sdelay $0x3  }
0x33: {  	p0 =	seq.s32 s10, $0x1;
	s10 =	sld [smem:$0x3FB6];
	_ =	sdelay $0x3  }
0x34: {  	[smem:$0x3FB6] =	sst s10  }
0x35: {  	s10 =	sld [smem:$0x3FB5];
	_ =	sdelay $0x3  }
0x36: {  	p1 =	seq.s32 s10, $0x1;
	s10 =	sld [smem:$0x3FB6];
	_ =	sdelay $0x3  }
0x37: {  	[smem:$0x3FB6] =	sst s10  }
0x38: {  	s10 =	sld [smem:$0x3FB7]  }
0x39: {  	_ = 	snop;
	(pc) =	sbr.ind lr, $3  }
0x3a: {  	_ = 	snop  }
0x3b: {  	_ = 	snop  }
0x3c: {  	p2 =	seq.s32 s10, $0x1;
	s10 =	sld [smem:$0x3FB6]  }
0x3d: {  	_ =	shalt  }
0x3e: {  	_ =	shalt  }
0x3f: {  	_ =	shalt  }
0x40: {  	_ =	shalt  }
0x41: {  	_ =	shalt  }
0x42: {  	_ =	shalt  }
0x43: {  	_ =	shalt  }
0x44: {  	_ =	shalt  }
0x45: {  	_ =	shalt  }
0x46: {  	_ =	shalt  }
0x47: {  	_ =	shalt  }
0x48: {  	_ =	shalt  }
0x49: {  	_ =	shalt  }
0x4a: {  	_ =	shalt  }
0x4b: {  	_ =	shalt  }
0x4c: {  	_ =	shalt  }
0x4d: {  	_ =	shalt  }
0x4e: {  	_ =	shalt  }
0x4f: {  	_ =	shalt  }
0x50: {  	_ =	shalt  }
0x51: {  	_ =	shalt  }
0x52: {  	_ =	shalt  }
0x53: {  	_ =	shalt  }
0x54: {  	_ =	shalt  }
0x55: {  	_ =	shalt  }
0x56: {  	_ =	shalt  }
0x57: {  	_ =	shalt  }
0x58: {  	_ =	shalt  }
0x59: {  	_ =	shalt  }
0x5a: {  	_ =	shalt  }
0x5b: {  	_ =	shalt  }
0x5c: {  	_ =	shalt  }
0x5d: {  	_ =	shalt  }
0x5e: {  	_ =	shalt  }
0x5f: {  	_ =	shalt  }
0x60: {  	_ =	shalt  }
0x61: {  	_ =	shalt  }
0x62: {  	_ =	shalt  }
0x63: {  	_ =	shalt  }
0x64: {  	_ =	shalt  }
0x65: {  	_ =	shalt  }
0x66: {  	_ =	shalt  }
0x67: {  	_ =	shalt  }
0x68: {  	_ =	shalt  }
0x69: {  	_ =	shalt  }
0x6a: {  	_ =	shalt  }
0x6b: {  	_ =	shalt  }
0x6c: {  	_ =	shalt  }
0x6d: {  	_ =	shalt  }
0x6e: {  	_ =	shalt  }
0x6f: {  	_ =	shalt  }
0x70: {  	_ =	shalt  }
0x71: {  	_ =	shalt  }
0x72: {  	_ =	shalt  }
0x73: {  	_ =	shalt  }
0x74: {  	_ =	shalt  }
0x75: {  	_ =	shalt  }
0x76: {  	_ =	shalt  }
0x77: {  	_ =	shalt  }
0x78: {  	_ =	shalt  }
0x79: {  	_ =	shalt  }
0x7a: {  	_ =	shalt  }
0x7b: {  	_ =	shalt  }
0x7c: {  	_ =	shalt  }
0x7d: {  	_ =	shalt  }
0x7e: {  	_ =	shalt  }
0x7f: {  	_ =	shalt  }
0x80: {  	_ =	shalt  }
0x81: {  	_ =	shalt  }
0x82: {  	_ =	shalt  }
0x83: {  	_ =	shalt  }
0x84: {  	_ =	shalt  }
0x85: {  	_ =	shalt  }
0x86: {  	_ =	shalt  }
0x87: {  	_ =	shalt  }
.Lfunc_end0:
.L_simem_size_0:
called_computation.2_lowered:
.L_overlay_start_0:
0x88: {  	s2 =	sld [smem:$0x3FD9]  }
0x89: {  	s3 =	sld [smem:$0x3FFE];
	_ =	sdelay $0x1  }
0x8a: {  	s1 =	srdreg.scid  }
0x8b: {  	s0 =	sand.u32 $0x1, s1  }
0x8c: {  	s17 =	sshll.u32 s0, $0xA;
	s2 =	sadd.s32 s3, s2  }
0x8d: {  	s2 =	sadd.s32 s2, s17  }
0x8e: {  	[smem:$0x3FC2] =	sst s2  }
0x8f: {  	_ = 	snop  }
0x90: {  	s2 =	sld [smem:$0x3FD0];
	(tm) =	ssettm $0x1  }
0x91: {  	s18 =	sld [smem:$0x3FFB];
	_ =	sdelay $0x3  }
0x92: {  	_ =	strace s18  }
0x93: {  	s3 =	sld [smem:$0x3FFC];
	_ =	sdelay $0x3  }
0x94: {  	_ =	strace s3  }
0x95: {  	s3 =	sld [smem:$0x3FFD];
	_ =	sdelay $0x3  }
0x96: {  	_ =	strace s3  }
0x97: {  	_ =	strace $0x8FFFFFFF  }
0x98: {  	s19 =	sld [smem:$0x3FDB];
	_ =	sdelay $0x1  }
0x99: {  	s4 =	simm.s32 $_scs_section_size  }
0x9a: {  	s5 =	simm.s32 $_size__tile_overlayer_lowered;
	s6 =	simm.s32 $_tile_overlayer_lowered  }
0x9b: {  	s22 =	simm.s32 $0x1BFF;
	s21 =	sshll.u32 s6, $0x1;
	s3 =	sadd.s32 s4, s19  }
0x9c: {  	s7 =	simm.s32 $0x0;
	s20 =	sshll.u32 s5, $0x1;
	s5 =	sadd.s32 s21, s3  }
0x9d: {  	[timem:s7], [sflag:s22] =	dma.local [hbm:s5], s20  }
0x9e: {  	_ =	swait.ge [sflag:s22], s20  }
0x9f: {  	s4 =	ssub.s32 $0x0, s20;
	[sflag:s22] =	ssyncset.done $0x0  }
0xa0: {  	[sflag:s22] =	ssyncadd.s32 s4;
	_ =	sdelay $0x1  }
0xa1: {  	s23 =	simm.s32 $0x1B8B  }
0xa2: {  	_ =	swait.ge [sflag:s23], $0x1  }
0xa3: {  	[sflag:s23] =	ssyncset.done $0x0  }
0xa4: {  	s25 =	simm.s32 $0x1B8E;
	s24 =	sld [smem:$0x3FFE];
	[sflag:s23] =	ssyncadd.s32 $0xFFFFFFFF  }
0xa5: {  	s26 =	simm.s32 $execute0_lowered;
	[smem:$0x3FD2] =	sst s25  }
0xa6: {  	s5 =	sshll.u32 s26, $0x1;
	_ =	strace $0x8000004C;
	[dreg:$0x1] =	wrdreg $0xFFFFFFFF  }
0xa7: {  	s28 =	simm.s32 $_size_execute0_lowered;
	s3 =	sadd.s32 s3, s5;
	[dreg:$0x0] =	wrdreg $0x0  }
0xa8: {  	s5 =	sshll.u32 s28, $0x1;
	[dreg:$0x2] =	wrdreg s3  }
0xa9: {  	[dreg:$0x3] =	wrdreg s5  }
0xaa: {  	[dreg:$0x4] =	wrdreg $0xC0  }
0xab: {  	_ =	task [dreg:s7], $0x5FFFF  }
0xac: {  	[dreg:$0x1] =	wrdreg $0xFFFFFFFF  }
0xad: {  	[dreg:$0x0] =	wrdreg $0x60  }
0xae: {  	[dreg:$0x2] =	wrdreg s2  }
0xaf: {  	[dreg:$0x3] =	wrdreg s24  }
0xb0: {  	[dreg:$0x4] =	wrdreg $0xB0000  }
0xb1: {  	[dreg:$0x5] =	wrdreg $0x9  }
0xb2: {  	_ =	task.clear_ibuf [dreg:s7], $0x6FFFF;
	_ =	strace $0x9000004C  }
0xb3: {  	s29 =	simm.s32 $0x9;
	_ =	strace $0x8000004E  }
0xb4: {  	_ =	swait.ge [sflag:s29], $0x1  }
0xb5: {  	[sflag:s29] =	ssyncadd.s32 $0xFFFFFFFF  }
0xb6: {  	_ =	strace $0x9000004E  }
0xb7: {  	_ =	sfence  }
0xb8: {  	s30 =	sld [smem:$0x0];
	_ =	sdelay $0x2  }
0xb9: {  	s31 =	sshll.u32 s1, $0xD;
	s1 =	sshrl.u32 s1, $0x2  }
0xba: {  	s3 =	sand.u32 $0x4000, s31;
	s1 =	sadd.s32 s1, s30  }
0xbb: {  	s0 =	sor.u32 s3, s0;
	s1 =	sshll.u32 s1, $0x11  }
0xbc: {  	s0 =	sor.u32 s1, s0  }
0xbd: {  	s0 =	sadd.s32 $0x8F2B, s0  }
0xbe: {  	[sflag:s0] =	ssyncadd.remote.s32 $0x1  }
0xbf: {  	_ =	sfence.sel $0xFFFF  }
0xc0: {  	[dreg:$0x0] =	wrdreg $0xFFFFFFFF;
	(pc) =	sbr.abs _section_cstart, $3  }
0xc1: {  	[dreg:$0x1] =	wrdreg $0xFFFFFFFF  }
0xc2: {  	_ =	task.clear_ibuf [dreg:s7], $0x2FFFF;
	_ =	strace $0x9FFFFFFF  }
0xc3: {  	(tm) =	ssettm $0x7FFFFFFF  }
tec
execute0_lowered:
.L_overlay_start_1:
0x0: {  	(tag) =	ssettag $0x1  }
0x1: {  	s1 =	rddreg [dreg:$0x0]  }
0x2: {  	s5 =	rddreg [dreg:$0x1]  }
0x3: {  	s3 =	rddreg [dreg:$0x2]  }
0x4: {  	s2 =	srdreg.scid;
	s4 =	simm.s32 $0x0;
	s13 =	simm.s32 $0x40  }
0x5: {  	s14 =	simm.s32 $0x2800;
	s15 =	simm.s32 $0x4800;
	s16 =	simm.s32 $0x80  }
0x6: {  	s17 =	simm.s32 $0x6800;
	s18 =	simm.s32 $0x1;
	s19 =	simm.s32 $0x8800  }
0x7: {  	s20 =	simm.s32 $0x2;
	s21 =	simm.s32 $0x3;
	s22 =	simm.s32 $0x4  }
0x8: {  	s23 =	simm.s32 $0x2700;
	s24 =	simm.s32 $0x13C0;
	s26 =	simm.s32 $0x2740  }
0x9: {  	s28 =	simm.s32 $0x2780;
	s6 =	sand.u32 $0x1, s2;
	s2 =	stileid.u32  }
0xa: {  	s29 =	simm.s32 $0x27C0;
	[smem:$0x7FF] =	sst s4;
	s7 =	smul.u32 $0x138800, s6  }
0xb: {  	s8 =	sshll.u32 s6, $0x4;
	s9 =	smul.u32 $0x13880, s2;
	_ =	strace $0x8000004D  }
0xc: {  	s6 =	ssub.s32 $0x2, s6;
	s10 =	smul.u32 $0x50000, s2;
	s8 =	sor.u32 s2, s8  }
0xd: {  	s30 =	sshrl.u32 s6, $0x1;
	s8 =	smul.u32 $0x280, s8;
	s7 =	sadd.s32 s9, s7  }
0xe: {  	s12 =	ssub.s32 s6, s30;
	s31 =	sshrl.u32 s10, $0x2;
	s25 =	sadd.s32 s9, s3  }
0xf: {  	s10 =	simm.s32 $0x5;
	s7 =	sshrl.u32 s7, $0x3;
	s9 =	smax.u32 s12, $0x1  }
0x10: {  	s12 =	simm.s32 $0xA800;
	s25 =	sshrl.u32 s25, $0x3;
	s8 =	sadd.s32 s8, s5  }
0x11: {  	s11 =	sadd.s32 s7, s5;
	s7 =	sadd.s32 s31, s3;
	s5 =	sadd.s32 $0x7C00, s8  }
0x12: {  	v0 =	vimm.f32 $0.0e+00;
	s6 =	sadd.s32 $0x2800, s8;
	s8 =	sadd.s32 $0xD000, s11;
	s11 =	simm.s32 $0x1400  }
.LBB2_1:
0x13: {  	s30 =	simm.s32 $0x0;
	s31 =	simm.s32 $0x200  }
.LBB2_2:
0x14: {  	p0 =	sne.s32 s31, $0x1E00;
	[tilespmem:s30+$0xA870] =	vst v0  }
0x15: {  	[tilespmem:s30+$0xA800] =	vst v0  }
0x16: {  	[tilespmem:s30+$0xA810] =	vst v0  }
.Ltmp0:
0x17: {  	[tilespmem:s30+$0xA820] =	vst v0;
	(pc) =	sbr.rel @p0 .LBB2_2-.Ltmp0, $4  }
0x18: {  	[tilespmem:s30+$0xA830] =	vst v0  }
0x19: {  	[tilespmem:s30+$0xA840] =	vst v0  }
0x1a: {  	[tilespmem:s30+$0xA850] =	vst v0  }
0x1b: {  	[tilespmem:s30+$0xA860] =	vst v0;
	s30 =	sshra.s32 s31, $0x2;
	s31 =	sadd.s32 $0x200, s31  }
0x1c: {  	[tilespmem:s30+$0xA870] =	vst v0  }
0x1d: {  	[tilespmem:s30+$0xA800] =	vst v0  }
0x1e: {  	[tilespmem:s30+$0xA810] =	vst v0  }
0x1f: {  	[tilespmem:s30+$0xA820] =	vst v0  }
0x20: {  	[tilespmem:s30+$0xA830] =	vst v0  }
0x21: {  	[tilespmem:s30+$0xA840] =	vst v0  }
0x22: {  	[tilespmem:s30+$0xA850] =	vst v0  }
0x23: {  	[tilespmem:s30+$0xA860] =	vst v0;
	s30 =	simm.s32 $0x0  }
0x24: {  	[tilespmem:s30], [sflag:$0x5] =	stream.linear.gather [hbm4b:s5+s30], $0x1400, $0x38;
	[tilespmem:$0x1F000] =	vst v63  }
0x25: {  	_ =	swait.ge [sflag:s10], $0x1400  }
0x26: {  	[sflag:s10] =	ssyncset.done $0x0  }
0x27: {  	[sflag:s10] =	ssyncadd.s32 $0xFFFFEC00  }
0x28: {  	[tilespmem:s11], [sflag:$0x5] =	stream.linear.gather [hbm4b:s6+s30], $0x1400, $0x38;
	[tilespmem:$0x1F000] =	vst v63  }
0x29: {  	_ =	swait.ge [sflag:s10], $0x1400  }
0x2a: {  	[sflag:s10] =	ssyncset.done $0x0  }
0x2b: {  	s30 =	sadd.s32 $0x0, s7;
	[sflag:s10] =	ssyncadd.s32 $0xFFFFEC00  }
0x2c: {  	[spmem:s30] =	stream.linear.scatter [tilespmem:s12], [sflag:$0x5], $0x800, $0x38;
	[tilespmem:$0x1F000] =	vst v63  }
0x2d: {  	s30 =	simm.s32 $0x2000;
	_ =	swait.ge [sflag:s10], $0x800  }
.LBB2_4:
0x2e: {  	s31 =	sshra.s32 s30, $0x2;
	[sflag:s10] =	ssyncset.done $0x0;
	p0 =	sne.s32 s30, $0x4E000  }
.Ltmp1:
0x2f: {  	s31 =	sadd.s32 s31, s7;
	[sflag:s10] =	ssyncadd.s32 $0xFFFFF800;
	(pc) =	sbr.rel @p0 .LBB2_4-.Ltmp1, $3  }
0x30: {  	[spmem:s31] =	stream.linear.scatter [tilespmem:s12], [sflag:$0x5], $0x800, $0x38;
	[tilespmem:$0x1F000] =	vst v63  }
0x31: {  	s30 =	sadd.s32 $0x2000, s30;
	_ =	sdelay $0x1  }
0x32: {  	_ =	swait.ge [sflag:s10], $0x800  }
0x33: {  	[sflag:s10] =	ssyncset.done $0x0  }
0x34: {  	[sflag:s10] =	ssyncadd.s32 $0xFFFFF800  }
0x35: {  	s30 =	simm.s32 $0x0;
	[bflag:$0x0] =	sbarrier.arrive $0xFFFF  }
0x36: {  	[tilespmem:s14], [sflag:$0x1] =	stream.indirect.gather [hbm4b:s1+s13], $0x80, s30, s13, $0xb8;
	[tilespmem:$0x1F000] =	vst v63  }
0x37: {  	_ = 	snop  }
0x38: {  	[tilespmem:s15], [sflag:$0x2] =	stream.indirect.gather [hbm4b:s1+s13], $0x80, s13, s13, $0xb8;
	[tilespmem:$0x1F000] =	vst v63  }
0x39: {  	_ = 	snop  }
0x3a: {  	[tilespmem:s17], [sflag:$0x3] =	stream.indirect.gather [hbm4b:s1+s13], $0x80, s16, s13, $0xb8;
	[tilespmem:$0x1F000] =	vst v63  }
0x3b: {  	_ =	swait.ge [sflag:s18], $0x2000  }
0x3c: {  	[sflag:s18] =	ssyncset.done $0x0  }
0x3d: {  	s30 =	simm.s32 $0x1400;
	[sflag:s18] =	ssyncadd.s32 $0xFFFFE000  }
0x3e: {  	[spmem:s3] =	stream.indirect.scatter.add.f32 [tilespmem:s14], [sflag:$0x5], $0x80, s30, s13, $0xb8;
	[tilespmem:$0x1F000] =	vst v63  }
0x3f: {  	_ =	swait.ge [sflag:s10], $0x2000  }
0x40: {  	[sflag:s10] =	ssyncset.done $0x0  }
0x41: {  	s30 =	simm.s32 $0xC0;
	[sflag:s10] =	ssyncadd.s32 $0xFFFFE000  }
0x42: {  	[tilespmem:s19], [sflag:$0x4] =	stream.indirect.gather [hbm4b:s1+s13], $0x80, s30, s13, $0xb8;
	[tilespmem:$0x1F000] =	vst v63  }
0x43: {  	_ =	swait.ge [sflag:s20], $0x2000  }
0x44: {  	[sflag:s20] =	ssyncset.done $0x0  }
0x45: {  	s30 =	simm.s32 $0x1440;
	[sflag:s20] =	ssyncadd.s32 $0xFFFFE000  }
0x46: {  	[spmem:s3] =	stream.indirect.scatter.add.f32 [tilespmem:s15], [sflag:$0x5], $0x80, s30, s13, $0xb8;
	[tilespmem:$0x1F000] =	vst v63  }
0x47: {  	_ =	swait.ge [sflag:s10], $0x2000  }
0x48: {  	[sflag:s10] =	ssyncset.done $0x0  }
0x49: {  	s30 =	simm.s32 $0x100;
	[sflag:s10] =	ssyncadd.s32 $0xFFFFE000  }
0x4a: {  	[tilespmem:s14], [sflag:$0x1] =	stream.indirect.gather [hbm4b:s1+s13], $0x80, s30, s13, $0xb8;
	[tilespmem:$0x1F000] =	vst v63  }
0x4b: {  	_ =	swait.ge [sflag:s21], $0x2000  }
0x4c: {  	[sflag:s21] =	ssyncset.done $0x0  }
0x4d: {  	s30 =	simm.s32 $0x1480;
	[sflag:s21] =	ssyncadd.s32 $0xFFFFE000  }
0x4e: {  	[spmem:s3] =	stream.indirect.scatter.add.f32 [tilespmem:s17], [sflag:$0x5], $0x80, s30, s13, $0xb8;
	[tilespmem:$0x1F000] =	vst v63  }
0x4f: {  	_ =	swait.ge [sflag:s10], $0x2000  }
0x50: {  	[sflag:s10] =	ssyncset.done $0x0  }
0x51: {  	s30 =	simm.s32 $0x140;
	[sflag:s10] =	ssyncadd.s32 $0xFFFFE000  }
0x52: {  	[tilespmem:s15], [sflag:$0x2] =	stream.indirect.gather [hbm4b:s1+s13], $0x80, s30, s13, $0xb8;
	[tilespmem:$0x1F000] =	vst v63  }
0x53: {  	_ =	swait.ge [sflag:s22], $0x2000  }
0x54: {  	[sflag:s22] =	ssyncset.done $0x0  }
0x55: {  	s30 =	simm.s32 $0x14C0;
	[sflag:s22] =	ssyncadd.s32 $0xFFFFE000  }
0x56: {  	[spmem:s3] =	stream.indirect.scatter.add.f32 [tilespmem:s19], [sflag:$0x5], $0x80, s30, s13, $0xb8;
	[tilespmem:$0x1F000] =	vst v63  }
0x57: {  	_ =	swait.ge [sflag:s10], $0x2000  }
0x58: {  	[sflag:s10] =	ssyncset.done $0x0  }
0x59: {  	s31 =	simm.s32 $0x180;
	s30 =	simm.s32 $0x400;
	[sflag:s10] =	ssyncadd.s32 $0xFFFFE000  }
.LBB2_6:
0x5a: {  	[tilespmem:s17], [sflag:$0x3] =	stream.indirect.gather [hbm4b:s1+s13], $0x80, s31, s13, $0xb8;
	[tilespmem:$0x1F000] =	vst v63  }
0x5b: {  	s31 =	smov.u32 s30  }
0x5c: {  	p0 =	sne.s32 s30, $0x4800;
	s30 =	sadd.s32 $0x400, s30;
	_ =	swait.ge [sflag:s18], $0x2000  }
0x5d: {  	s31 =	sshra.s32 s31, $0x2;
	[sflag:s18] =	ssyncset.done $0x0  }
0x5e: {  	s0 =	sadd.s32 $0x1400, s31;
	[sflag:s18] =	ssyncadd.s32 $0xFFFFE000  }
0x5f: {  	[spmem:s3] =	stream.indirect.scatter.add.f32 [tilespmem:s14], [sflag:$0x5], $0x80, s0, s13, $0xb8;
	[tilespmem:$0x1F000] =	vst v63  }
0x60: {  	_ =	swait.ge [sflag:s10], $0x2000  }
0x61: {  	[sflag:s10] =	ssyncset.done $0x0  }
0x62: {  	s0 =	sadd.s32 $0xC0, s31;
	[sflag:s10] =	ssyncadd.s32 $0xFFFFE000  }
0x63: {  	[tilespmem:s19], [sflag:$0x4] =	stream.indirect.gather [hbm4b:s1+s13], $0x80, s0, s13, $0xb8;
	[tilespmem:$0x1F000] =	vst v63  }
0x64: {  	_ =	swait.ge [sflag:s20], $0x2000  }
0x65: {  	[sflag:s20] =	ssyncset.done $0x0  }
0x66: {  	s0 =	sadd.s32 $0x1440, s31;
	[sflag:s20] =	ssyncadd.s32 $0xFFFFE000  }
0x67: {  	[spmem:s3] =	stream.indirect.scatter.add.f32 [tilespmem:s15], [sflag:$0x5], $0x80, s0, s13, $0xb8;
	[tilespmem:$0x1F000] =	vst v63  }
0x68: {  	_ =	swait.ge [sflag:s10], $0x2000  }
0x69: {  	[sflag:s10] =	ssyncset.done $0x0  }
0x6a: {  	s0 =	sadd.s32 $0x100, s31;
	[sflag:s10] =	ssyncadd.s32 $0xFFFFE000  }
0x6b: {  	[tilespmem:s14], [sflag:$0x1] =	stream.indirect.gather [hbm4b:s1+s13], $0x80, s0, s13, $0xb8;
	[tilespmem:$0x1F000] =	vst v63  }
0x6c: {  	_ =	swait.ge [sflag:s21], $0x2000  }
0x6d: {  	[sflag:s21] =	ssyncset.done $0x0  }
0x6e: {  	s0 =	sadd.s32 $0x1480, s31;
	[sflag:s21] =	ssyncadd.s32 $0xFFFFE000  }
0x6f: {  	[spmem:s3] =	stream.indirect.scatter.add.f32 [tilespmem:s17], [sflag:$0x5], $0x80, s0, s13, $0xb8;
	[tilespmem:$0x1F000] =	vst v63  }
0x70: {  	_ =	swait.ge [sflag:s10], $0x2000  }
0x71: {  	[sflag:s10] =	ssyncset.done $0x0  }
0x72: {  	s0 =	sadd.s32 $0x140, s31;
	[sflag:s10] =	ssyncadd.s32 $0xFFFFE000  }
0x73: {  	[tilespmem:s15], [sflag:$0x2] =	stream.indirect.gather [hbm4b:s1+s13], $0x80, s0, s13, $0xb8;
	[tilespmem:$0x1F000] =	vst v63  }
0x74: {  	_ =	swait.ge [sflag:s22], $0x2000  }
0x75: {  	[sflag:s22] =	ssyncset.done $0x0  }
.Ltmp2:
0x76: {  	s0 =	sadd.s32 $0x14C0, s31;
	[sflag:s22] =	ssyncadd.s32 $0xFFFFE000;
	(pc) =	sbr.rel @p0 .LBB2_6-.Ltmp2, $4  }
0x77: {  	[spmem:s3] =	stream.indirect.scatter.add.f32 [tilespmem:s19], [sflag:$0x5], $0x80, s0, s13, $0xb8;
	[tilespmem:$0x1F000] =	vst v63  }
0x78: {  	_ =	swait.ge [sflag:s10], $0x2000  }
0x79: {  	[sflag:s10] =	ssyncset.done $0x0  }
0x7a: {  	s31 =	sadd.s32 $0x180, s31;
	[sflag:s10] =	ssyncadd.s32 $0xFFFFE000  }
0x7b: {  	[tilespmem:s17], [sflag:$0x3] =	stream.indirect.gather [hbm4b:s1+s13], $0x80, s31, s13, $0xb8;
	[tilespmem:$0x1F000] =	vst v63  }
0x7c: {  	_ =	swait.ge [sflag:s18], $0x2000  }
0x7d: {  	[sflag:s18] =	ssyncset.done $0x0  }
0x7e: {  	[sflag:s18] =	ssyncadd.s32 $0xFFFFE000  }
0x7f: {  	[spmem:s3] =	stream.indirect.scatter.add.f32 [tilespmem:s14], [sflag:$0x5], $0x80, s23, s13, $0xb8;
	[tilespmem:$0x1F000] =	vst v63  }
0x80: {  	_ =	swait.ge [sflag:s10], $0x2000  }
0x81: {  	[sflag:s10] =	ssyncset.done $0x0  }
0x82: {  	[sflag:s10] =	ssyncadd.s32 $0xFFFFE000  }
0x83: {  	[tilespmem:s19], [sflag:$0x4] =	stream.indirect.gather [hbm4b:s1+s13], $0x80, s24, s13, $0xb8;
	[tilespmem:$0x1F000] =	vst v63  }
0x84: {  	_ =	swait.ge [sflag:s20], $0x2000  }
0x85: {  	[sflag:s20] =	ssyncset.done $0x0  }
0x86: {  	[sflag:s20] =	ssyncadd.s32 $0xFFFFE000  }
0x87: {  	[spmem:s3] =	stream.indirect.scatter.add.f32 [tilespmem:s15], [sflag:$0x5], $0x80, s26, s13, $0xb8;
	[tilespmem:$0x1F000] =	vst v63  }
0x88: {  	_ =	swait.ge [sflag:s10], $0x2000  }
0x89: {  	[sflag:s10] =	ssyncset.done $0x0  }
0x8a: {  	[sflag:s10] =	ssyncadd.s32 $0xFFFFE000  }
0x8b: {  	_ =	swait.ge [sflag:s21], $0x2000  }
0x8c: {  	[sflag:s21] =	ssyncset.done $0x0  }
0x8d: {  	[sflag:s21] =	ssyncadd.s32 $0xFFFFE000  }
0x8e: {  	[spmem:s3] =	stream.indirect.scatter.add.f32 [tilespmem:s17], [sflag:$0x5], $0x80, s28, s13, $0xb8;
	[tilespmem:$0x1F000] =	vst v63  }
0x8f: {  	_ =	swait.ge [sflag:s10], $0x2000  }
0x90: {  	[sflag:s10] =	ssyncset.done $0x0  }
0x91: {  	[sflag:s10] =	ssyncadd.s32 $0xFFFFE000  }
0x92: {  	_ =	swait.ge [sflag:s22], $0x2000  }
0x93: {  	[sflag:s22] =	ssyncset.done $0x0  }
0x94: {  	[sflag:s22] =	ssyncadd.s32 $0xFFFFE000  }
0x95: {  	[spmem:s3] =	stream.indirect.scatter.add.f32 [tilespmem:s19], [sflag:$0x5], $0x80, s29, s13, $0xb8;
	[tilespmem:$0x1F000] =	vst v63  }
0x96: {  	_ =	swait.ge [sflag:s10], $0x2000  }
0x97: {  	s4 =	sadd.s32 $0x1, s4;
	[sflag:s10] =	ssyncset.done $0x0  }
0x98: {  	s0 =	sshll.u32 s2, $0x6;
	p0 =	sne.s32 s4, s9;
	[sflag:s10] =	ssyncadd.s32 $0xFFFFE000  }
.Ltmp3:
0x99: {  	s0 =	sor.u32 $0x1C05, s0;
	[bflag:$0x0] =	sbarrier.arrive $0xFFFF;
	(pc) =	sbr.rel @p0 .LBB2_1-.Ltmp3, $4  }
0x9a: {  	[hbm:s8], [sflag:s0] =	dma.local [spmem:s25], $0x2710  }
0x9b: {  	_ =	swait.ge [sflag:s10], $0x2710  }
0x9c: {  	[sflag:s10] =	ssyncset.done $0x0  }
0x9d: {  	[sflag:s10] =	ssyncadd.s32 $0xFFFFD8F0  }
0x9e: {  	_ =	sfence.sel $0x180000  }
0x9f: {  	[bflag:$0x0] =	sbarrier.arrive $0xFFFF  }
0xa0: {  	_ =	strace $0x9000004D  }
0xa1: {  	[bflag:$0x2] =	sbarrier.arrive $0xFFFF  }
0xa2: {  	p0 =	sne.s32 s2, $0x0;
	s0 =	rddreg [dreg:$0x3]  }
0xa3: {  	s0 =	sadd.s32 @!p0 $0x100000, s0  }
0xa4: {  	[sflag:s0] =	ssyncadd.tile.s32 @!p0 $0x1;
	_ =	shalt  }
.Lfunc_end2:
_tile_overlayer_lowered:
.L_overlay_start_2:
0xa5: {  	(tag) =	ssettag $0x2  }
0xa6: {  	s0 =	rddreg [dreg:$0x0];
	s2 =	stileid.u32  }
0xa7: {  	s1 =	rddreg [dreg:$0x1];
	p0 =	sne.s32 s2, $0x0  }
0xa8: {  	s3 =	rddreg [dreg:$0x2];
	[bflag:$0x3] =	sbarrier.arrive $0xFFFF;
	s2 =	simm.s32 @!p0 $0x1C05  }
0xa9: {  	[timem:s3], [sflag:s2] =	dma.local @!p0 [hbm:s0], s1  }
0xaa: {  	s0 =	simm.s32 @!p0 $0x5  }
0xab: {  	_ =	swait.ge @!p0 [sflag:s0], s1  }
0xac: {  	s1 =	ssub.s32 @!p0 $0x0, s1;
	[sflag:s0] =	ssyncset.done @!p0 $0x0  }
0xad: {  	[sflag:s0] =	ssyncadd.s32 @!p0 s1  }
0xae: {  	[bflag:$0x3] =	sbarrier.arrive $0xFFFF  }
0xaf: {  	_ =	shalt  }

// kernel: kernel.8.cloned.1.call-start
scs
__scs_entry_jumppad:
0x0: {  	(pc) =	sbr.rel $0x88, $3  }
0x1: {  	(tag) =	ssettag $0x0;
	lr =	simm.s32 $0x1  }
0x2: {  	[smem:$0x3F9B] =	sst lr;
	_ =	strace $0xD0000000  }
0x3: {  	_ = 	snop  }
0x4: {  	_ = 	snop  }
0x5: {  	_ = 	snop  }
0x6: {  	_ = 	snop  }
0x7: {  	_ = 	snop  }
__scs_overlays_trampoline_lowered:
0x8: {  	[smem:$0x3FAA] =	sst s0  }
0x9: {  	[smem:$0x3FAB] =	sst s1  }
0xa: {  	[smem:$0x3FAC] =	sst s2  }
0xb: {  	[smem:$0x3FAD] =	sst s3  }
0xc: {  	[smem:$0x3FAE] =	sst s4  }
0xd: {  	[smem:$0x3FAF] =	sst s5  }
0xe: {  	[smem:$0x3FB0] =	sst s6  }
0xf: {  	[smem:$0x3FB1] =	sst s7  }
0x10: {  	[smem:$0x3FB2] =	sst s8  }
0x11: {  	[smem:$0x3FB3] =	sst s9;
	s0 =	simm.s32 @!p0 $0x0  }
0x12: {  	s1 =	sld [smem:$0x3F99];
	s0 =	simm.s32 @p0 $0x1  }
0x13: {  	[smem:$0x3FB4] =	sst s0;
	s0 =	simm.s32 @!p1 $0x0  }
0x14: {  	s2 =	sld [smem:$0x3F98];
	s0 =	simm.s32 @p1 $0x1  }
0x15: {  	[smem:$0x3FB5] =	sst s0;
	s0 =	simm.s32 @!p2 $0x0  }
0x16: {  	s3 =	sld [smem:$0x3FDB];
	s0 =	simm.s32 @p2 $0x1  }
0x17: {  	s4 =	simm.s32 $0x1BF5;
	[smem:$0x3FB7] =	sst s0  }
0x18: {  	s0 =	sld [smem:$0x3F9A];
	_ =	swait.ge [sflag:s4], $0x0  }
0x19: {  	s7 =	sld [smem:$0x3F9B]  }
0x1a: {  	s8 =	sadd.s32 $0xFFFFE003, lr  }
0x1b: {  	s9 =	sadd.s32 $0xFFFFFEF7, lr;
	s5 =	simm.s32 $0xFFFFFFFF;
	p2 =	slt.u32 s8, $0xFFFFF086  }
0x1c: {  	p1 =	slt.u32 s9, $0xF7A;
	s5 =	simm.s32 @!p2 $0x0  }
0x1d: {  	s5 =	simm.s32 @p1 $0x1;
	p0 =	seq.s32 s7, s2  }
0x1e: {  	s7 =	smul.u32 @!p0 $0xF7A, s2;
	p2 =	seq.s32 @!p0 s5, $0x0  }
0x1f: {  	s9 =	smul.u32 $0xF7A, s1;
	s8 =	simm.s32 @!p0 $0x1BF5;
	p2 =	por !p2, p0  }
0x20: {  	[sflag:s8] =	ssyncset.s32 @!p0 $0xFFFFF086;
	s6 =	sadd.s32 @!p0 s3, s7;
	s7 =	simm.s32 @!p0 $0x108  }
0x21: {  	s3 =	sadd.s32 s3, s9;
	s6 =	sadd.s32 @!p0 $0x88, s6;
	s7 =	simm.s32 @p2 $0x1082  }
0x22: {  	[simem:s7], [sflag:s8] =	dma.local @!p0 [hbm:s6], $0xF7A  }
0x23: {  	s9 =	sor.u32 $0xD0000000, s2;
	s6 =	simm.s32 $0x108;
	_ =	swait.ge @!p0 [sflag:s8], $0x0  }
0x24: {  	s3 =	sadd.s32 $0x88, s3;
	s6 =	simm.s32 @!p1 $0x1082;
	[sflag:s4] =	ssyncset.s32 $0xFFFFF086  }
0x25: {  	[simem:s6], [sflag:s4] =	dma.local [hbm:s3], $0xF7A  }
0x26: {  	[smem:$0x3F9B] =	sst s1;
	(tag) =	ssettag s2;
	_ =	strace s9  }
0x27: {  	s1 =	sld [smem:$0x3FAB]  }
0x28: {  	s2 =	sld [smem:$0x3FAC]  }
0x29: {  	s4 =	sld [smem:$0x3FAE]  }
0x2a: {  	p0 =	seq.s32 s5, $0x0;
	s5 =	sld [smem:$0x3FAF]  }
0x2b: {  	s6 =	sld [smem:$0x3FB0]  }
0x2c: {  	s7 =	sld [smem:$0x3FB1]  }
0x2d: {  	s3 =	simm.s32 $0x108;
	s8 =	sld [smem:$0x3FB2]  }
0x2e: {  	s3 =	simm.s32 @!p0 $0x1082;
	s9 =	sld [smem:$0x3FB3]  }
0x2f: {  	lr =	sadd.s32 s0, s3;
	s0 =	sld [smem:$0x3FAA]  }
0x30: {  	s3 =	sld [smem:$0x3FAD]  }
0x31: {  	[smem:$0x3FB6] =	sst s10  }
0x32: {  	s10 =	sld [smem:$0x3FB4];
	_ =	sdelay $0x3  }
0x33: {  	p0 =	seq.s32 s10, $0x1;
	s10 =	sld [smem:$0x3FB6];
	_ =	sdelay $0x3  }
0x34: {  	[smem:$0x3FB6] =	sst s10  }
0x35: {  	s10 =	sld [smem:$0x3FB5];
	_ =	sdelay $0x3  }
0x36: {  	p1 =	seq.s32 s10, $0x1;
	s10 =	sld [smem:$0x3FB6];
	_ =	sdelay $0x3  }
0x37: {  	[smem:$0x3FB6] =	sst s10  }
0x38: {  	s10 =	sld [smem:$0x3FB7]  }
0x39: {  	_ = 	snop;
	(pc) =	sbr.ind lr, $3  }
0x3a: {  	_ = 	snop  }
0x3b: {  	_ = 	snop  }
0x3c: {  	p2 =	seq.s32 s10, $0x1;
	s10 =	sld [smem:$0x3FB6]  }
0x3d: {  	_ =	shalt  }
0x3e: {  	_ =	shalt  }
0x3f: {  	_ =	shalt  }
0x40: {  	_ =	shalt  }
0x41: {  	_ =	shalt  }
0x42: {  	_ =	shalt  }
0x43: {  	_ =	shalt  }
0x44: {  	_ =	shalt  }
0x45: {  	_ =	shalt  }
0x46: {  	_ =	shalt  }
0x47: {  	_ =	shalt  }
0x48: {  	_ =	shalt  }
0x49: {  	_ =	shalt  }
0x4a: {  	_ =	shalt  }
0x4b: {  	_ =	shalt  }
0x4c: {  	_ =	shalt  }
0x4d: {  	_ =	shalt  }
0x4e: {  	_ =	shalt  }
0x4f: {  	_ =	shalt  }
0x50: {  	_ =	shalt  }
0x51: {  	_ =	shalt  }
0x52: {  	_ =	shalt  }
0x53: {  	_ =	shalt  }
0x54: {  	_ =	shalt  }
0x55: {  	_ =	shalt  }
0x56: {  	_ =	shalt  }
0x57: {  	_ =	shalt  }
0x58: {  	_ =	shalt  }
0x59: {  	_ =	shalt  }
0x5a: {  	_ =	shalt  }
0x5b: {  	_ =	shalt  }
0x5c: {  	_ =	shalt  }
0x5d: {  	_ =	shalt  }
0x5e: {  	_ =	shalt  }
0x5f: {  	_ =	shalt  }
0x60: {  	_ =	shalt  }
0x61: {  	_ =	shalt  }
0x62: {  	_ =	shalt  }
0x63: {  	_ =	shalt  }
0x64: {  	_ =	shalt  }
0x65: {  	_ =	shalt  }
0x66: {  	_ =	shalt  }
0x67: {  	_ =	shalt  }
0x68: {  	_ =	shalt  }
0x69: {  	_ =	shalt  }
0x6a: {  	_ =	shalt  }
0x6b: {  	_ =	shalt  }
0x6c: {  	_ =	shalt  }
0x6d: {  	_ =	shalt  }
0x6e: {  	_ =	shalt  }
0x6f: {  	_ =	shalt  }
0x70: {  	_ =	shalt  }
0x71: {  	_ =	shalt  }
0x72: {  	_ =	shalt  }
0x73: {  	_ =	shalt  }
0x74: {  	_ =	shalt  }
0x75: {  	_ =	shalt  }
0x76: {  	_ =	shalt  }
0x77: {  	_ =	shalt  }
0x78: {  	_ =	shalt  }
0x79: {  	_ =	shalt  }
0x7a: {  	_ =	shalt  }
0x7b: {  	_ =	shalt  }
0x7c: {  	_ =	shalt  }
0x7d: {  	_ =	shalt  }
0x7e: {  	_ =	shalt  }
0x7f: {  	_ =	shalt  }
0x80: {  	_ =	shalt  }
0x81: {  	_ =	shalt  }
0x82: {  	_ =	shalt  }
0x83: {  	_ =	shalt  }
0x84: {  	_ =	shalt  }
0x85: {  	_ =	shalt  }
0x86: {  	_ =	shalt  }
0x87: {  	_ =	shalt  }
.Lfunc_end0:
.L_simem_size_0:
called_computation_lowered:
.L_overlay_start_0:
0x88: {  	s2 =	sld [smem:$0x3FD9]  }
0x89: {  	s3 =	sld [smem:$0x3FFE];
	_ =	sdelay $0x1  }
0x8a: {  	s1 =	srdreg.scid  }
0x8b: {  	s0 =	sand.u32 $0x1, s1  }
0x8c: {  	s17 =	sshll.u32 s0, $0xA;
	s2 =	sadd.s32 s3, s2  }
0x8d: {  	s2 =	sadd.s32 s2, s17  }
0x8e: {  	[smem:$0x3FC2] =	sst s2  }
0x8f: {  	_ = 	snop  }
0x90: {  	s2 =	sld [smem:$0x3FD0];
	(tm) =	ssettm $0x1  }
0x91: {  	s18 =	sld [smem:$0x3FFB];
	_ =	sdelay $0x3  }
0x92: {  	_ =	strace s18  }
0x93: {  	s3 =	sld [smem:$0x3FFC];
	_ =	sdelay $0x3  }
0x94: {  	_ =	strace s3  }
0x95: {  	s3 =	sld [smem:$0x3FFD];
	_ =	sdelay $0x3  }
0x96: {  	_ =	strace s3  }
0x97: {  	_ =	strace $0x8FFFFFFF  }
0x98: {  	s19 =	sld [smem:$0x3FDB];
	_ =	sdelay $0x1  }
0x99: {  	s4 =	simm.s32 $_scs_section_size  }
0x9a: {  	s5 =	simm.s32 $_size__tile_overlayer_lowered;
	s6 =	simm.s32 $_tile_overlayer_lowered  }
0x9b: {  	s22 =	simm.s32 $0x1BFF;
	s21 =	sshll.u32 s6, $0x1;
	s3 =	sadd.s32 s4, s19  }
0x9c: {  	s7 =	simm.s32 $0x0;
	s20 =	sshll.u32 s5, $0x1;
	s5 =	sadd.s32 s21, s3  }
0x9d: {  	[timem:s7], [sflag:s22] =	dma.local [hbm:s5], s20  }
0x9e: {  	_ =	swait.ge [sflag:s22], s20  }
0x9f: {  	s4 =	ssub.s32 $0x0, s20;
	[sflag:s22] =	ssyncset.done $0x0  }
0xa0: {  	[sflag:s22] =	ssyncadd.s32 s4;
	_ =	sdelay $0x1  }
0xa1: {  	s23 =	simm.s32 $0x1B8B  }
0xa2: {  	_ =	swait.ge [sflag:s23], $0x1  }
0xa3: {  	[sflag:s23] =	ssyncset.done $0x0  }
0xa4: {  	s25 =	simm.s32 $0x1B8E;
	s24 =	sld [smem:$0x3FFE];
	[sflag:s23] =	ssyncadd.s32 $0xFFFFFFFF  }
0xa5: {  	s26 =	simm.s32 $execute0_lowered;
	[smem:$0x3FD2] =	sst s25  }
0xa6: {  	s5 =	sshll.u32 s26, $0x1;
	_ =	strace $0x80000046;
	[dreg:$0x1] =	wrdreg $0xFFFFFFFF  }
0xa7: {  	s28 =	simm.s32 $_size_execute0_lowered;
	s3 =	sadd.s32 s3, s5;
	[dreg:$0x0] =	wrdreg $0x0  }
0xa8: {  	s5 =	sshll.u32 s28, $0x1;
	[dreg:$0x2] =	wrdreg s3  }
0xa9: {  	[dreg:$0x3] =	wrdreg s5  }
0xaa: {  	[dreg:$0x4] =	wrdreg $0xC0  }
0xab: {  	_ =	task [dreg:s7], $0x5FFFF  }
0xac: {  	[dreg:$0x1] =	wrdreg $0xFFFFFFFF  }
0xad: {  	[dreg:$0x0] =	wrdreg $0x60  }
0xae: {  	[dreg:$0x2] =	wrdreg s2  }
0xaf: {  	[dreg:$0x3] =	wrdreg s24  }
0xb0: {  	[dreg:$0x4] =	wrdreg $0x41000  }
0xb1: {  	[dreg:$0x5] =	wrdreg $0x9  }
0xb2: {  	_ =	task.clear_ibuf [dreg:s7], $0x6FFFF;
	_ =	strace $0x90000046  }
0xb3: {  	s29 =	simm.s32 $0x9;
	_ =	strace $0x80000048  }
0xb4: {  	_ =	swait.ge [sflag:s29], $0x1  }
0xb5: {  	[sflag:s29] =	ssyncadd.s32 $0xFFFFFFFF  }
0xb6: {  	_ =	strace $0x90000048  }
0xb7: {  	_ =	sfence  }
0xb8: {  	s30 =	sld [smem:$0x0];
	_ =	sdelay $0x2  }
0xb9: {  	s31 =	sshll.u32 s1, $0xD;
	s1 =	sshrl.u32 s1, $0x2  }
0xba: {  	s3 =	sand.u32 $0x4000, s31;
	s1 =	sadd.s32 s1, s30  }
0xbb: {  	s0 =	sor.u32 s3, s0;
	s1 =	sshll.u32 s1, $0x11  }
0xbc: {  	s0 =	sor.u32 s1, s0  }
0xbd: {  	s0 =	sadd.s32 $0x8F2B, s0  }
0xbe: {  	[sflag:s0] =	ssyncadd.remote.s32 $0x1  }
0xbf: {  	_ =	sfence.sel $0xFFFF  }
0xc0: {  	[dreg:$0x0] =	wrdreg $0xFFFFFFFF;
	(pc) =	sbr.abs _section_cstart, $3  }
0xc1: {  	[dreg:$0x1] =	wrdreg $0xFFFFFFFF  }
0xc2: {  	_ =	task.clear_ibuf [dreg:s7], $0x2FFFF;
	_ =	strace $0x9FFFFFFF  }
0xc3: {  	(tm) =	ssettm $0x7FFFFFFF  }
tec
execute0_lowered:
.L_overlay_start_1:
0x0: {  	(tag) =	ssettag $0x1  }
0x1: {  	s4 =	rddreg [dreg:$0x0]  }
0x2: {  	s1 =	srdreg.scid;
	s3 =	rddreg [dreg:$0x1]  }
0x3: {  	s0 =	stileid.u32;
	s7 =	rddreg [dreg:$0x2];
	s2 =	simm.s32 $0x0  }
0x4: {  	s23 =	simm.s32 $0x1;
	s24 =	simm.s32 $0x1400;
	s25 =	simm.s32 $0x3E80  }
0x5: {  	s26 =	simm.s32 $0x3C00;
	s28 =	simm.s32 $0x0;
	s6 =	smul.u32 $0x280, s0  }
0x6: {  	s5 =	sand.u32 $0x1, s1;
	s1 =	rddreg [dreg:$0x3];
	s10 =	smul.u32 $0xA000, s0  }
0x7: {  	[smem:$0x7FF] =	sst s2;
	s8 =	smul.u32 $0x2800, s5;
	s9 =	sshll.u32 s5, $0x4  }
0x8: {  	_ =	strace $0x80000047;
	s5 =	ssub.s32 $0x2, s5;
	s9 =	sor.u32 s0, s9  }
0x9: {  	s29 =	sshrl.u32 s5, $0x1;
	s31 =	sshrl.u32 s10, $0x2;
	s8 =	sadd.s32 s6, s8  }
0xa: {  	s30 =	smul.u32 $0x280, s9;
	s22 =	ssub.s32 s5, s29;
	s8 =	sshrl.u32 s8, $0x3  }
0xb: {  	s5 =	sadd.s32 s31, s7;
	s21 =	sadd.s32 s8, s3;
	s3 =	sadd.s32 s6, s7  }
0xc: {  	s22 =	smax.u32 s22, $0x1;
	s4 =	sadd.s32 s4, s30;
	s6 =	sadd.s32 $0x2800, s3  }
0xd: {  	s7 =	sadd.s32 $0x5000, s3;
	s8 =	sadd.s32 $0x7800, s3;
	s9 =	sadd.s32 $0xA000, s3  }
0xe: {  	s10 =	sadd.s32 $0xC800, s3;
	s11 =	sadd.s32 $0xF000, s3;
	s12 =	sadd.s32 $0x11800, s3  }
0xf: {  	s13 =	sadd.s32 $0x14000, s3;
	s14 =	sadd.s32 $0x16800, s3;
	s15 =	sadd.s32 $0x19000, s3  }
0x10: {  	s16 =	sadd.s32 $0x1B800, s3;
	s17 =	sadd.s32 $0x1E000, s3;
	s18 =	sadd.s32 $0x20800, s3  }
0x11: {  	v0 =	vimm.s32 $0x0;
	v1 =	vimm.s32 $0x1;
	s19 =	sadd.s32 $0x23000, s3;
	s20 =	sadd.s32 $0x25800, s3;
	s21 =	sadd.s32 $0x1E00, s21  }
.LBB2_1:
0x12: {  	s29 =	simm.s32 $0x40;
	s30 =	simm.s32 $0x0  }
.LBB2_2:
0x13: {  	p0 =	sne.s32 s29, $0x9FC0;
	[tilespmem:s30+$0x1400] =	vst v0;
	s30 =	smov.u32 s29;
	s29 =	sadd.s32 $0x40, s29  }
.Ltmp0:
0x14: {  	(pc) =	sbr.rel @p0 .LBB2_2-.Ltmp0, $2  }
0x15: {  	_ =	sdelay $0x2  }
0x16: {  	s30 =	sshra.s32 s30, $0x2  }
0x17: {  	[tilespmem:s30+$0x1400] =	vst v0;
	s29 =	simm.s32 $0x0  }
0x18: {  	[tilespmem:s29], [sflag:$0x1] =	stream.linear.gather [hbm4b:s4+s29], $0x1400, $0x38;
	[tilespmem:$0x6900] =	vst v63  }
0x19: {  	_ =	swait.ge [sflag:s23], $0x1400  }
0x1a: {  	[sflag:s23] =	ssyncset.done $0x0  }
0x1b: {  	[sflag:s23] =	ssyncadd.s32 $0xFFFFEC00  }
.LBB2_4:
0x1c: {  	s30 =	sshra.s32 s29, $0x2  }
0x1d: {  	v2 =	vld [tilespmem:s30+$0x0];
	_ =	sdelay $0x7  }
0x1e: {  	[tilespmem:v2+s24+$0x0] =	vst.idx.add.s32.msk $0xffff, v1  }
0x1f: {  	v2 =	vld [tilespmem:s30+$0x10];
	_ =	sdelay $0x7  }
0x20: {  	[tilespmem:v2+s24+$0x0] =	vst.idx.add.s32.msk $0xffff, v1  }
0x21: {  	v2 =	vld [tilespmem:s30+$0x20];
	_ =	sdelay $0x7  }
0x22: {  	[tilespmem:v2+s24+$0x0] =	vst.idx.add.s32.msk $0xffff, v1  }
0x23: {  	v2 =	vld [tilespmem:s30+$0x30];
	_ =	sdelay $0x7  }
0x24: {  	[tilespmem:v2+s24+$0x0] =	vst.idx.add.s32.msk $0xffff, v1  }
0x25: {  	v2 =	vld [tilespmem:s30+$0x40];
	_ =	sdelay $0x7  }
0x26: {  	[tilespmem:v2+s24+$0x0] =	vst.idx.add.s32.msk $0xffff, v1  }
0x27: {  	v2 =	vld [tilespmem:s30+$0x50];
	_ =	sdelay $0x7  }
0x28: {  	[tilespmem:v2+s24+$0x0] =	vst.idx.add.s32.msk $0xffff, v1  }
0x29: {  	v2 =	vld [tilespmem:s30+$0x60];
	_ =	sdelay $0x7  }
0x2a: {  	[tilespmem:v2+s24+$0x0] =	vst.idx.add.s32.msk $0xffff, v1  }
0x2b: {  	v2 =	vld [tilespmem:s30+$0x70];
	_ =	sdelay $0x2  }
0x2c: {  	p0 =	sne.s32 s29, $0x4E00  }
.Ltmp1:
0x2d: {  	_ = 	snop;
	(pc) =	sbr.rel @p0 .LBB2_4-.Ltmp1, $2  }
0x2e: {  	_ =	sdelay $0x2  }
0x2f: {  	s29 =	sadd.s32 $0x200, s29;
	[tilespmem:v2+s24+$0x0] =	vst.idx.add.s32.msk $0xffff, v1  }
0x30: {  	[spmem:s5] =	stream.linear.scatter [tilespmem:s24], [sflag:$0x1], $0x2800, $0x38;
	[tilespmem:$0x6900] =	vst v63  }
0x31: {  	_ =	swait.ge [sflag:s23], $0x2800  }
0x32: {  	[sflag:s23] =	ssyncset.done $0x0  }
0x33: {  	[sflag:s23] =	ssyncadd.s32 $0xFFFFD800  }
0x34: {  	[bflag:$0x0] =	sbarrier.arrive $0xFFFF  }
0x35: {  	[tilespmem:s25], [sflag:$0x1] =	stream.linear.gather [spmem:s3], $0x280, $0x38;
	[tilespmem:$0x6900] =	vst v63  }
0x36: {  	_ =	swait.ge [sflag:s23], $0x280  }
0x37: {  	[sflag:s23] =	ssyncset.done $0x0  }
0x38: {  	[sflag:s23] =	ssyncadd.s32 $0xFFFFFD80  }
0x39: {  	[tilespmem:s26], [sflag:$0x1] =	stream.linear.gather [spmem:s6], $0x280, $0x38;
	[tilespmem:$0x6900] =	vst v63  }
0x3a: {  	_ =	swait.ge [sflag:s23], $0x280  }
0x3b: {  	[sflag:s23] =	ssyncset.done $0x0  }
0x3c: {  	s29 =	simm.s32 $0x0;
	[sflag:s23] =	ssyncadd.s32 $0xFFFFFD80  }
0x3d: {  	s30 =	simm.s32 $0x40;
	v2 =	vld [tilespmem:s29+$0x3C00]  }
.LBB2_6:
0x3e: {  	p0 =	sne.s32 s30, $0x9C0;
	v3 =	vld [tilespmem:s29+$0x3E80];
	_ =	sdelay $0x1  }
.Ltmp2:
0x3f: {  	(pc) =	sbr.rel @p0 .LBB2_6-.Ltmp2, $3  }
0x40: {  	_ =	sdelay $0x1  }
0x41: {  	s31 =	sshra.s32 s30, $0x2;
	v3 =	vadd.s32 v3, v2  }
0x42: {  	s30 =	sadd.s32 $0x40, s30;
	v2 =	vld [tilespmem:s31+$0x3C00];
	[tilespmem:s29+$0x3E80] =	vst v3;
	s29 =	smov.u32 s31  }
0x43: {  	v3 =	vld [tilespmem:s29+$0x3E80];
	_ =	sdelay $0x4  }
0x44: {  	v2 =	vadd.s32 v3, v2  }
0x45: {  	[tilespmem:s29+$0x3E80] =	vst v2  }
0x46: {  	[tilespmem:s26], [sflag:$0x1] =	stream.linear.gather [spmem:s7], $0x280, $0x38;
	[tilespmem:$0x6900] =	vst v63  }
0x47: {  	_ =	swait.ge [sflag:s23], $0x280  }
0x48: {  	[sflag:s23] =	ssyncset.done $0x0  }
0x49: {  	s29 =	simm.s32 $0x0;
	[sflag:s23] =	ssyncadd.s32 $0xFFFFFD80  }
0x4a: {  	s30 =	simm.s32 $0x40;
	v2 =	vld [tilespmem:s29+$0x3C00]  }
.LBB2_8:
0x4b: {  	p0 =	sne.s32 s30, $0x9C0;
	v3 =	vld [tilespmem:s29+$0x3E80];
	_ =	sdelay $0x1  }
.Ltmp3:
0x4c: {  	(pc) =	sbr.rel @p0 .LBB2_8-.Ltmp3, $3  }
0x4d: {  	_ =	sdelay $0x1  }
0x4e: {  	s31 =	sshra.s32 s30, $0x2;
	v3 =	vadd.s32 v3, v2  }
0x4f: {  	s30 =	sadd.s32 $0x40, s30;
	v2 =	vld [tilespmem:s31+$0x3C00];
	[tilespmem:s29+$0x3E80] =	vst v3;
	s29 =	smov.u32 s31  }
0x50: {  	v3 =	vld [tilespmem:s29+$0x3E80];
	_ =	sdelay $0x4  }
0x51: {  	v2 =	vadd.s32 v3, v2  }
0x52: {  	[tilespmem:s29+$0x3E80] =	vst v2  }
0x53: {  	[tilespmem:s26], [sflag:$0x1] =	stream.linear.gather [spmem:s8], $0x280, $0x38;
	[tilespmem:$0x6900] =	vst v63  }
0x54: {  	_ =	swait.ge [sflag:s23], $0x280  }
0x55: {  	[sflag:s23] =	ssyncset.done $0x0  }
0x56: {  	s29 =	simm.s32 $0x0;
	[sflag:s23] =	ssyncadd.s32 $0xFFFFFD80  }
0x57: {  	s30 =	simm.s32 $0x40;
	v2 =	vld [tilespmem:s29+$0x3C00]  }
.LBB2_10:
0x58: {  	p0 =	sne.s32 s30, $0x9C0;
	v3 =	vld [tilespmem:s29+$0x3E80];
	_ =	sdelay $0x1  }
.Ltmp4:
0x59: {  	(pc) =	sbr.rel @p0 .LBB2_10-.Ltmp4, $3  }
0x5a: {  	_ =	sdelay $0x1  }
0x5b: {  	s31 =	sshra.s32 s30, $0x2;
	v3 =	vadd.s32 v3, v2  }
0x5c: {  	s30 =	sadd.s32 $0x40, s30;
	v2 =	vld [tilespmem:s31+$0x3C00];
	[tilespmem:s29+$0x3E80] =	vst v3;
	s29 =	smov.u32 s31  }
0x5d: {  	v3 =	vld [tilespmem:s29+$0x3E80];
	_ =	sdelay $0x4  }
0x5e: {  	v2 =	vadd.s32 v3, v2  }
0x5f: {  	[tilespmem:s29+$0x3E80] =	vst v2  }
0x60: {  	[tilespmem:s26], [sflag:$0x1] =	stream.linear.gather [spmem:s9], $0x280, $0x38;
	[tilespmem:$0x6900] =	vst v63  }
0x61: {  	_ =	swait.ge [sflag:s23], $0x280  }
0x62: {  	[sflag:s23] =	ssyncset.done $0x0  }
0x63: {  	s29 =	simm.s32 $0x0;
	[sflag:s23] =	ssyncadd.s32 $0xFFFFFD80  }
0x64: {  	s30 =	simm.s32 $0x40;
	v2 =	vld [tilespmem:s29+$0x3C00]  }
.LBB2_12:
0x65: {  	p0 =	sne.s32 s30, $0x9C0;
	v3 =	vld [tilespmem:s29+$0x3E80];
	_ =	sdelay $0x1  }
.Ltmp5:
0x66: {  	(pc) =	sbr.rel @p0 .LBB2_12-.Ltmp5, $3  }
0x67: {  	_ =	sdelay $0x1  }
0x68: {  	s31 =	sshra.s32 s30, $0x2;
	v3 =	vadd.s32 v3, v2  }
0x69: {  	s30 =	sadd.s32 $0x40, s30;
	v2 =	vld [tilespmem:s31+$0x3C00];
	[tilespmem:s29+$0x3E80] =	vst v3;
	s29 =	smov.u32 s31  }
0x6a: {  	v3 =	vld [tilespmem:s29+$0x3E80];
	_ =	sdelay $0x4  }
0x6b: {  	v2 =	vadd.s32 v3, v2  }
0x6c: {  	[tilespmem:s29+$0x3E80] =	vst v2  }
0x6d: {  	[tilespmem:s26], [sflag:$0x1] =	stream.linear.gather [spmem:s10], $0x280, $0x38;
	[tilespmem:$0x6900] =	vst v63  }
0x6e: {  	_ =	swait.ge [sflag:s23], $0x280  }
0x6f: {  	[sflag:s23] =	ssyncset.done $0x0  }
0x70: {  	s29 =	simm.s32 $0x0;
	[sflag:s23] =	ssyncadd.s32 $0xFFFFFD80  }
0x71: {  	s30 =	simm.s32 $0x40;
	v2 =	vld [tilespmem:s29+$0x3C00]  }
.LBB2_14:
0x72: {  	p0 =	sne.s32 s30, $0x9C0;
	v3 =	vld [tilespmem:s29+$0x3E80];
	_ =	sdelay $0x1  }
.Ltmp6:
0x73: {  	(pc) =	sbr.rel @p0 .LBB2_14-.Ltmp6, $3  }
0x74: {  	_ =	sdelay $0x1  }
0x75: {  	s31 =	sshra.s32 s30, $0x2;
	v3 =	vadd.s32 v3, v2  }
0x76: {  	s30 =	sadd.s32 $0x40, s30;
	v2 =	vld [tilespmem:s31+$0x3C00];
	[tilespmem:s29+$0x3E80] =	vst v3;
	s29 =	smov.u32 s31  }
0x77: {  	v3 =	vld [tilespmem:s29+$0x3E80];
	_ =	sdelay $0x4  }
0x78: {  	v2 =	vadd.s32 v3, v2  }
0x79: {  	[tilespmem:s29+$0x3E80] =	vst v2  }
0x7a: {  	[tilespmem:s26], [sflag:$0x1] =	stream.linear.gather [spmem:s11], $0x280, $0x38;
	[tilespmem:$0x6900] =	vst v63  }
0x7b: {  	_ =	swait.ge [sflag:s23], $0x280  }
0x7c: {  	[sflag:s23] =	ssyncset.done $0x0  }
0x7d: {  	s29 =	simm.s32 $0x0;
	[sflag:s23] =	ssyncadd.s32 $0xFFFFFD80  }
0x7e: {  	s30 =	simm.s32 $0x40;
	v2 =	vld [tilespmem:s29+$0x3C00]  }
.LBB2_16:
0x7f: {  	p0 =	sne.s32 s30, $0x9C0;
	v3 =	vld [tilespmem:s29+$0x3E80];
	_ =	sdelay $0x1  }
.Ltmp7:
0x80: {  	(pc) =	sbr.rel @p0 .LBB2_16-.Ltmp7, $3  }
0x81: {  	_ =	sdelay $0x1  }
0x82: {  	s31 =	sshra.s32 s30, $0x2;
	v3 =	vadd.s32 v3, v2  }
0x83: {  	s30 =	sadd.s32 $0x40, s30;
	v2 =	vld [tilespmem:s31+$0x3C00];
	[tilespmem:s29+$0x3E80] =	vst v3;
	s29 =	smov.u32 s31  }
0x84: {  	v3 =	vld [tilespmem:s29+$0x3E80];
	_ =	sdelay $0x4  }
0x85: {  	v2 =	vadd.s32 v3, v2  }
0x86: {  	[tilespmem:s29+$0x3E80] =	vst v2  }
0x87: {  	[tilespmem:s26], [sflag:$0x1] =	stream.linear.gather [spmem:s12], $0x280, $0x38;
	[tilespmem:$0x6900] =	vst v63  }
0x88: {  	_ =	swait.ge [sflag:s23], $0x280  }
0x89: {  	[sflag:s23] =	ssyncset.done $0x0  }
0x8a: {  	s29 =	simm.s32 $0x0;
	[sflag:s23] =	ssyncadd.s32 $0xFFFFFD80  }
0x8b: {  	s30 =	simm.s32 $0x40;
	v2 =	vld [tilespmem:s29+$0x3C00]  }
.LBB2_18:
0x8c: {  	p0 =	sne.s32 s30, $0x9C0;
	v3 =	vld [tilespmem:s29+$0x3E80];
	_ =	sdelay $0x1  }
.Ltmp8:
0x8d: {  	(pc) =	sbr.rel @p0 .LBB2_18-.Ltmp8, $3  }
0x8e: {  	_ =	sdelay $0x1  }
0x8f: {  	s31 =	sshra.s32 s30, $0x2;
	v3 =	vadd.s32 v3, v2  }
0x90: {  	s30 =	sadd.s32 $0x40, s30;
	v2 =	vld [tilespmem:s31+$0x3C00];
	[tilespmem:s29+$0x3E80] =	vst v3;
	s29 =	smov.u32 s31  }
0x91: {  	v3 =	vld [tilespmem:s29+$0x3E80];
	_ =	sdelay $0x4  }
0x92: {  	v2 =	vadd.s32 v3, v2  }
0x93: {  	[tilespmem:s29+$0x3E80] =	vst v2  }
0x94: {  	[tilespmem:s26], [sflag:$0x1] =	stream.linear.gather [spmem:s13], $0x280, $0x38;
	[tilespmem:$0x6900] =	vst v63  }
0x95: {  	_ =	swait.ge [sflag:s23], $0x280  }
0x96: {  	[sflag:s23] =	ssyncset.done $0x0  }
0x97: {  	s29 =	simm.s32 $0x0;
	[sflag:s23] =	ssyncadd.s32 $0xFFFFFD80  }
0x98: {  	s30 =	simm.s32 $0x40;
	v2 =	vld [tilespmem:s29+$0x3C00]  }
.LBB2_20:
0x99: {  	p0 =	sne.s32 s30, $0x9C0;
	v3 =	vld [tilespmem:s29+$0x3E80];
	_ =	sdelay $0x1  }
.Ltmp9:
0x9a: {  	(pc) =	sbr.rel @p0 .LBB2_20-.Ltmp9, $3  }
0x9b: {  	_ =	sdelay $0x1  }
0x9c: {  	s31 =	sshra.s32 s30, $0x2;
	v3 =	vadd.s32 v3, v2  }
0x9d: {  	s30 =	sadd.s32 $0x40, s30;
	v2 =	vld [tilespmem:s31+$0x3C00];
	[tilespmem:s29+$0x3E80] =	vst v3;
	s29 =	smov.u32 s31  }
0x9e: {  	v3 =	vld [tilespmem:s29+$0x3E80];
	_ =	sdelay $0x4  }
0x9f: {  	v2 =	vadd.s32 v3, v2  }
0xa0: {  	[tilespmem:s29+$0x3E80] =	vst v2  }
0xa1: {  	[tilespmem:s26], [sflag:$0x1] =	stream.linear.gather [spmem:s14], $0x280, $0x38;
	[tilespmem:$0x6900] =	vst v63  }
0xa2: {  	_ =	swait.ge [sflag:s23], $0x280  }
0xa3: {  	[sflag:s23] =	ssyncset.done $0x0  }
0xa4: {  	s29 =	simm.s32 $0x0;
	[sflag:s23] =	ssyncadd.s32 $0xFFFFFD80  }
0xa5: {  	s30 =	simm.s32 $0x40;
	v2 =	vld [tilespmem:s29+$0x3C00]  }
.LBB2_22:
0xa6: {  	p0 =	sne.s32 s30, $0x9C0;
	v3 =	vld [tilespmem:s29+$0x3E80];
	_ =	sdelay $0x1  }
.Ltmp10:
0xa7: {  	(pc) =	sbr.rel @p0 .LBB2_22-.Ltmp10, $3  }
0xa8: {  	_ =	sdelay $0x1  }
0xa9: {  	s31 =	sshra.s32 s30, $0x2;
	v3 =	vadd.s32 v3, v2  }
0xaa: {  	s30 =	sadd.s32 $0x40, s30;
	v2 =	vld [tilespmem:s31+$0x3C00];
	[tilespmem:s29+$0x3E80] =	vst v3;
	s29 =	smov.u32 s31  }
0xab: {  	v3 =	vld [tilespmem:s29+$0x3E80];
	_ =	sdelay $0x4  }
0xac: {  	v2 =	vadd.s32 v3, v2  }
0xad: {  	[tilespmem:s29+$0x3E80] =	vst v2  }
0xae: {  	[tilespmem:s26], [sflag:$0x1] =	stream.linear.gather [spmem:s15], $0x280, $0x38;
	[tilespmem:$0x6900] =	vst v63  }
0xaf: {  	_ =	swait.ge [sflag:s23], $0x280  }
0xb0: {  	[sflag:s23] =	ssyncset.done $0x0  }
0xb1: {  	s29 =	simm.s32 $0x0;
	[sflag:s23] =	ssyncadd.s32 $0xFFFFFD80  }
0xb2: {  	s30 =	simm.s32 $0x40;
	v2 =	vld [tilespmem:s29+$0x3C00]  }
.LBB2_24:
0xb3: {  	p0 =	sne.s32 s30, $0x9C0;
	v3 =	vld [tilespmem:s29+$0x3E80];
	_ =	sdelay $0x1  }
.Ltmp11:
0xb4: {  	(pc) =	sbr.rel @p0 .LBB2_24-.Ltmp11, $3  }
0xb5: {  	_ =	sdelay $0x1  }
0xb6: {  	s31 =	sshra.s32 s30, $0x2;
	v3 =	vadd.s32 v3, v2  }
0xb7: {  	s30 =	sadd.s32 $0x40, s30;
	v2 =	vld [tilespmem:s31+$0x3C00];
	[tilespmem:s29+$0x3E80] =	vst v3;
	s29 =	smov.u32 s31  }
0xb8: {  	v3 =	vld [tilespmem:s29+$0x3E80];
	_ =	sdelay $0x4  }
0xb9: {  	v2 =	vadd.s32 v3, v2  }
0xba: {  	[tilespmem:s29+$0x3E80] =	vst v2  }
0xbb: {  	[tilespmem:s26], [sflag:$0x1] =	stream.linear.gather [spmem:s16], $0x280, $0x38;
	[tilespmem:$0x6900] =	vst v63  }
0xbc: {  	_ =	swait.ge [sflag:s23], $0x280  }
0xbd: {  	[sflag:s23] =	ssyncset.done $0x0  }
0xbe: {  	s29 =	simm.s32 $0x0;
	[sflag:s23] =	ssyncadd.s32 $0xFFFFFD80  }
0xbf: {  	s30 =	simm.s32 $0x40;
	v2 =	vld [tilespmem:s29+$0x3C00]  }
.LBB2_26:
0xc0: {  	p0 =	sne.s32 s30, $0x9C0;
	v3 =	vld [tilespmem:s29+$0x3E80];
	_ =	sdelay $0x1  }
.Ltmp12:
0xc1: {  	(pc) =	sbr.rel @p0 .LBB2_26-.Ltmp12, $3  }
0xc2: {  	_ =	sdelay $0x1  }
0xc3: {  	s31 =	sshra.s32 s30, $0x2;
	v3 =	vadd.s32 v3, v2  }
0xc4: {  	s30 =	sadd.s32 $0x40, s30;
	v2 =	vld [tilespmem:s31+$0x3C00];
	[tilespmem:s29+$0x3E80] =	vst v3;
	s29 =	smov.u32 s31  }
0xc5: {  	v3 =	vld [tilespmem:s29+$0x3E80];
	_ =	sdelay $0x4  }
0xc6: {  	v2 =	vadd.s32 v3, v2  }
0xc7: {  	[tilespmem:s29+$0x3E80] =	vst v2  }
0xc8: {  	[tilespmem:s26], [sflag:$0x1] =	stream.linear.gather [spmem:s17], $0x280, $0x38;
	[tilespmem:$0x6900] =	vst v63  }
0xc9: {  	_ =	swait.ge [sflag:s23], $0x280  }
0xca: {  	[sflag:s23] =	ssyncset.done $0x0  }
0xcb: {  	s29 =	simm.s32 $0x0;
	[sflag:s23] =	ssyncadd.s32 $0xFFFFFD80  }
0xcc: {  	s30 =	simm.s32 $0x40;
	v2 =	vld [tilespmem:s29+$0x3C00]  }
.LBB2_28:
0xcd: {  	p0 =	sne.s32 s30, $0x9C0;
	v3 =	vld [tilespmem:s29+$0x3E80];
	_ =	sdelay $0x1  }
.Ltmp13:
0xce: {  	(pc) =	sbr.rel @p0 .LBB2_28-.Ltmp13, $3  }
0xcf: {  	_ =	sdelay $0x1  }
0xd0: {  	s31 =	sshra.s32 s30, $0x2;
	v3 =	vadd.s32 v3, v2  }
0xd1: {  	s30 =	sadd.s32 $0x40, s30;
	v2 =	vld [tilespmem:s31+$0x3C00];
	[tilespmem:s29+$0x3E80] =	vst v3;
	s29 =	smov.u32 s31  }
0xd2: {  	v3 =	vld [tilespmem:s29+$0x3E80];
	_ =	sdelay $0x4  }
0xd3: {  	v2 =	vadd.s32 v3, v2  }
0xd4: {  	[tilespmem:s29+$0x3E80] =	vst v2  }
0xd5: {  	[tilespmem:s26], [sflag:$0x1] =	stream.linear.gather [spmem:s18], $0x280, $0x38;
	[tilespmem:$0x6900] =	vst v63  }
0xd6: {  	_ =	swait.ge [sflag:s23], $0x280  }
0xd7: {  	[sflag:s23] =	ssyncset.done $0x0  }
0xd8: {  	s29 =	simm.s32 $0x0;
	[sflag:s23] =	ssyncadd.s32 $0xFFFFFD80  }
0xd9: {  	s30 =	simm.s32 $0x40;
	v2 =	vld [tilespmem:s29+$0x3C00]  }
.LBB2_30:
0xda: {  	p0 =	sne.s32 s30, $0x9C0;
	v3 =	vld [tilespmem:s29+$0x3E80];
	_ =	sdelay $0x1  }
.Ltmp14:
0xdb: {  	(pc) =	sbr.rel @p0 .LBB2_30-.Ltmp14, $3  }
0xdc: {  	_ =	sdelay $0x1  }
0xdd: {  	s31 =	sshra.s32 s30, $0x2;
	v3 =	vadd.s32 v3, v2  }
0xde: {  	s30 =	sadd.s32 $0x40, s30;
	v2 =	vld [tilespmem:s31+$0x3C00];
	[tilespmem:s29+$0x3E80] =	vst v3;
	s29 =	smov.u32 s31  }
0xdf: {  	v3 =	vld [tilespmem:s29+$0x3E80];
	_ =	sdelay $0x4  }
0xe0: {  	v2 =	vadd.s32 v3, v2  }
0xe1: {  	[tilespmem:s29+$0x3E80] =	vst v2  }
0xe2: {  	[tilespmem:s26], [sflag:$0x1] =	stream.linear.gather [spmem:s19], $0x280, $0x38;
	[tilespmem:$0x6900] =	vst v63  }
0xe3: {  	_ =	swait.ge [sflag:s23], $0x280  }
0xe4: {  	[sflag:s23] =	ssyncset.done $0x0  }
0xe5: {  	s29 =	simm.s32 $0x0;
	[sflag:s23] =	ssyncadd.s32 $0xFFFFFD80  }
0xe6: {  	s30 =	simm.s32 $0x40;
	v2 =	vld [tilespmem:s29+$0x3C00]  }
.LBB2_32:
0xe7: {  	p0 =	sne.s32 s30, $0x9C0;
	v3 =	vld [tilespmem:s29+$0x3E80];
	_ =	sdelay $0x1  }
.Ltmp15:
0xe8: {  	(pc) =	sbr.rel @p0 .LBB2_32-.Ltmp15, $3  }
0xe9: {  	_ =	sdelay $0x1  }
0xea: {  	s31 =	sshra.s32 s30, $0x2;
	v3 =	vadd.s32 v3, v2  }
0xeb: {  	s30 =	sadd.s32 $0x40, s30;
	v2 =	vld [tilespmem:s31+$0x3C00];
	[tilespmem:s29+$0x3E80] =	vst v3;
	s29 =	smov.u32 s31  }
0xec: {  	v3 =	vld [tilespmem:s29+$0x3E80];
	_ =	sdelay $0x4  }
0xed: {  	v2 =	vadd.s32 v3, v2  }
0xee: {  	[tilespmem:s29+$0x3E80] =	vst v2  }
0xef: {  	[tilespmem:s26], [sflag:$0x1] =	stream.linear.gather [spmem:s20], $0x280, $0x38;
	[tilespmem:$0x6900] =	vst v63  }
0xf0: {  	_ =	swait.ge [sflag:s23], $0x280  }
0xf1: {  	[sflag:s23] =	ssyncset.done $0x0  }
0xf2: {  	s29 =	simm.s32 $0x0;
	[sflag:s23] =	ssyncadd.s32 $0xFFFFFD80  }
0xf3: {  	s30 =	simm.s32 $0x40;
	v2 =	vld [tilespmem:s29+$0x3C00]  }
.LBB2_34:
0xf4: {  	p0 =	sne.s32 s30, $0x9C0;
	v3 =	vld [tilespmem:s29+$0x3E80];
	_ =	sdelay $0x1  }
.Ltmp16:
0xf5: {  	(pc) =	sbr.rel @p0 .LBB2_34-.Ltmp16, $3  }
0xf6: {  	_ =	sdelay $0x1  }
0xf7: {  	s31 =	sshra.s32 s30, $0x2;
	v3 =	vadd.s32 v3, v2  }
0xf8: {  	s30 =	sadd.s32 $0x40, s30;
	v2 =	vld [tilespmem:s31+$0x3C00];
	[tilespmem:s29+$0x3E80] =	vst v3;
	s29 =	smov.u32 s31  }
0xf9: {  	v3 =	vld [tilespmem:s29+$0x3E80];
	_ =	sdelay $0x3  }
0xfa: {  	s28 =	sadd.s32 $0x1, s28  }
0xfb: {  	p0 =	sne.s32 s28, s22;
	v2 =	vadd.s32 v3, v2  }
.Ltmp17:
0xfc: {  	[tilespmem:s29+$0x3E80] =	vst v2;
	(pc) =	sbr.rel @p0 .LBB2_1-.Ltmp17, $4  }
0xfd: {  	[hbm4b:s21+s2] =	stream.linear.scatter [tilespmem:s25], [sflag:$0x1], $0x280, $0x38;
	[tilespmem:$0x6900] =	vst v63  }
0xfe: {  	_ =	swait.ge [sflag:s23], $0x280  }
0xff: {  	[sflag:s23] =	ssyncset.done $0x0  }
0x100: {  	[sflag:s23] =	ssyncadd.s32 $0xFFFFFD80  }
0x101: {  	_ =	sfence.sel $0x180000  }
0x102: {  	[bflag:$0x0] =	sbarrier.arrive $0xFFFF  }
0x103: {  	p0 =	sne.s32 s0, $0x0;
	_ =	strace $0x90000047  }
0x104: {  	s0 =	sadd.s32 @!p0 $0x100000, s1;
	[bflag:$0x2] =	sbarrier.arrive $0xFFFF  }
0x105: {  	[sflag:s0] =	ssyncadd.tile.s32 @!p0 $0x1;
	_ =	shalt  }
.Lfunc_end2:
_tile_overlayer_lowered:
.L_overlay_start_2:
0x106: {  	(tag) =	ssettag $0x2  }
0x107: {  	s0 =	rddreg [dreg:$0x0];
	s2 =	stileid.u32  }
0x108: {  	s1 =	rddreg [dreg:$0x1];
	p0 =	sne.s32 s2, $0x0  }
0x109: {  	s3 =	rddreg [dreg:$0x2];
	[bflag:$0x3] =	sbarrier.arrive $0xFFFF;
	s2 =	simm.s32 @!p0 $0x1C01  }
0x10a: {  	[timem:s3], [sflag:s2] =	dma.local @!p0 [hbm:s0], s1  }
0x10b: {  	s0 =	simm.s32 @!p0 $0x1  }
0x10c: {  	_ =	swait.ge @!p0 [sflag:s0], s1  }
0x10d: {  	s1 =	ssub.s32 @!p0 $0x0, s1;
	[sflag:s0] =	ssyncset.done @!p0 $0x0  }
0x10e: {  	[sflag:s0] =	ssyncadd.s32 @!p0 s1  }
0x10f: {  	[bflag:$0x3] =	sbarrier.arrive $0xFFFF  }
0x110: {  	_ =	shalt  }

</sc_bundles>
